<compile_context>
chip_gen: v7x
topology: tpu7x:2x2x1
jax: 0.10.2.dev20260603
libtpu: 0.0.44.dev20260713+nightly
codegen_flags: <defaults>
</compile_context>

<pallas_src>
import functools

import jax
import jax.numpy as jnp
from jax import lax
from jax.experimental import pallas as pl
from jax.experimental.pallas import tpu as pltpu
from jax.experimental.pallas import tpu_sc as plsc

N = 10000
E = 320000
D_IN = 128
D_E = 16
H = 4
OUT_N = 32
OUT_E = 16
FE = H * OUT_E
FN = H * OUT_N

ACC_W = 144
NW = 32
B = 40
EPW = E // NW
NCH = EPW // B
N_PAD = 10112
RPT = N_PAD // 16

_mesh = plsc.VectorSubcoreMesh(core_axis_name="c", subcore_axis_name="s")


@functools.partial(
    pl.kernel,
    out_type=(
        jax.ShapeDtypeStruct((E, FE), jnp.float32),
        jax.ShapeDtypeStruct((2, N_PAD, ACC_W), jnp.float32),
    ),
    mesh=_mesh,
    compiler_params=pltpu.CompilerParams(use_tc_tiling_on_sc=False),
    scratch_types=[
        pltpu.VMEM((B,), jnp.int32),
        pltpu.VMEM((B,), jnp.int32),
        pltpu.VMEM((B, 192), jnp.float32),
        pltpu.VMEM((B, 64), jnp.float32),
        pltpu.VMEM((B, 64), jnp.float32),
        pltpu.VMEM((B,), jnp.int32),
        pltpu.VMEM((B,), jnp.int32),
        pltpu.VMEM((B, 192), jnp.float32),
        pltpu.VMEM((B, 64), jnp.float32),
        pltpu.VMEM((B, 64), jnp.float32),
        pltpu.VMEM((B, 64), jnp.float32),
        pltpu.VMEM((B, ACC_W), jnp.float32),
        pltpu.VMEM((16,), jnp.float32),
        pltpu.VMEM_SHARED((N_PAD, ACC_W), jnp.float32),
        pltpu.SemaphoreType.DMA,
        pltpu.SemaphoreType.DMA,
    ],
)
def _edge_kernel(src_hbm, dst_hbm, a_hbm, bt_hbm, pe_hbm, wsum_hbm, zeros_hbm,
                 f_hbm, part_hbm,
                 src_v, dst_v, gs_v, gd_v, pe_v,
                 src_w, dst_w, gs_w, gd_w, pe_w,
                 f_v, w_v, wsum_v, acc_sh, sem, sem2):
    cid = lax.axis_index("c")
    sid = lax.axis_index("s")
    wid = sid * 2 + cid
    buf0 = (src_v, dst_v, gs_v, gd_v, pe_v, sem)
    buf1 = (src_w, dst_w, gs_w, gd_w, pe_w, sem2)

    pltpu.sync_copy(wsum_hbm, wsum_v)
    pltpu.sync_copy(zeros_hbm.at[pl.ds(sid * RPT, RPT)],
                    acc_sh.at[pl.ds(sid * RPT, RPT)])
    plsc.subcore_barrier()

    wsum = wsum_v[...]
    iota = lax.iota(jnp.int32, 16)
    perms = [lax.bitwise_xor(iota, k) for k in (8, 4, 2, 1)]

    def lanesum(x):
        for p in perms:
            x = x + x.at[p].get(mode="promise_in_bounds")
        return x

    def issue(buf, g):
        srcb, dstb, gsb, gdb, peb, semg = buf
        base = pl.multiple_of(wid * EPW + g * B, B)
        pltpu.sync_copy(src_hbm.at[pl.ds(base, B)], srcb)
        pltpu.sync_copy(dst_hbm.at[pl.ds(base, B)], dstb)
        pltpu.async_copy(a_hbm.at[srcb], gsb, semg)
        pltpu.async_copy(bt_hbm.at[dstb], gdb, semg)
        pltpu.sync_copy(pe_hbm.at[pl.ds(base, B)], peb)

    def wait_gathers(buf):
        srcb, dstb, gsb, gdb, peb, semg = buf
        pltpu.make_async_copy(a_hbm.at[srcb], gsb, semg).wait()
        pltpu.make_async_copy(bt_hbm.at[dstb], gdb, semg).wait()

    def compute(buf, g):
        srcb, dstb, gs_v, gd_v, pe_v, semg = buf
        base = pl.multiple_of(wid * EPW + g * B, B)

        def edge_body(b, carry2):
            fs = []
            for h in range(H):
                sl = pl.ds(h * 16, 16)
                fh = gs_v[b, sl] + gd_v[b, sl] + pe_v[b, sl]
                fs.append(jnp.maximum(fh, fh * 0.01))
            for h in range(H):
                f_v[b, pl.ds(h * 16, 16)] = fs[h]
            ts = [fh * wsum for fh in fs]
            for p in perms:
                ts = [t + t.at[p].get(mode="promise_in_bounds") for t in ts]
            ss = [jnp.exp(t) for t in ts]
            svec = jnp.zeros((16,), jnp.float32)
            for h in range(H):
                svec = jnp.where(iota == h, ss[h], svec)
                hn0 = gs_v[b, pl.ds(64 + h * 32, 16)]
                hn1 = gs_v[b, pl.ds(64 + h * 32 + 16, 16)]
                w_v[b, pl.ds(h * 32, 16)] = ss[h] * hn0
                w_v[b, pl.ds(h * 32 + 16, 16)] = ss[h] * hn1
            w_v[b, pl.ds(128, 16)] = svec
            return carry2

        lax.fori_loop(0, B, edge_body, 0, unroll=2)
        pltpu.sync_copy(f_v, f_hbm.at[pl.ds(base, B)])
        pltpu.sync_copy(w_v, acc_sh.at[dstb], add=True)

    issue(buf0, 0)

    def pair_body(q, carry):
        geven = q * 2
        issue(buf1, geven + 1)
        wait_gathers(buf0)
        compute(buf0, geven)

        @pl.when(q < NCH // 2 - 1)
        def _prefetch():
            issue(buf0, geven + 2)

        wait_gathers(buf1)
        compute(buf1, geven + 1)
        return carry

    lax.fori_loop(0, NCH // 2, pair_body, 0)
    plsc.subcore_barrier()
    pltpu.sync_copy(acc_sh.at[pl.ds(sid * RPT, RPT)],
                    part_hbm.at[cid, pl.ds(sid * RPT, RPT)])


def _node_tables_body(x_ref, wt_ref, b_ref, a_ref, bt_ref):
    z = jnp.dot(x_ref[...], wt_ref[...], preferred_element_type=jnp.float32)
    z = z + b_ref[...]
    a_ref[...] = z[:, :192]
    bt_ref[...] = z[:, 192:]


def _pe_body(x_ref, wt_ref, b_ref, o_ref):
    o_ref[...] = jnp.dot(x_ref[...], wt_ref[...],
                         preferred_element_type=jnp.float32) + b_ref[...]


def _combine_body(p_ref, s_ref, o_ref):
    p = p_ref[...]
    u = p[0, :, :FN] + p[1, :, :FN]
    d = p[0, :, FN:FN + H] + p[1, :, FN:FN + H]
    db = jnp.dot(d, s_ref[...], preferred_element_type=jnp.float32)
    o_ref[...] = u / jnp.maximum(db, 1e-9)


def kernel(nfeats, efeats, edge_index, W_nodes, b_nodes, W_edges, b_edges,
           W_attn):
    src = edge_index[0]
    dst = edge_index[1]
    W1 = W_edges[:, :D_IN]
    W2 = W_edges[:, D_IN:D_IN + D_E]
    W3 = W_edges[:, D_IN + D_E:]
    wsum = jnp.sum(W_attn, axis=0)

    Wbig_t = jnp.concatenate([W1, W_nodes, W3], axis=0).T
    bbig = jnp.concatenate(
        [jnp.zeros((FE,), jnp.float32), b_nodes,
         jnp.zeros((FE,), jnp.float32)]).reshape(1, 256)
    BN = 1000
    A, Bt = pl.pallas_call(
        _node_tables_body,
        grid=(N // BN,),
        in_specs=[
            pl.BlockSpec((BN, D_IN), lambda i: (i, 0)),
            pl.BlockSpec((D_IN, 256), lambda i: (0, 0)),
            pl.BlockSpec((1, 256), lambda i: (0, 0)),
        ],
        out_specs=[
            pl.BlockSpec((BN, 192), lambda i: (i, 0)),
            pl.BlockSpec((BN, 64), lambda i: (i, 0)),
        ],
        out_shape=[
            jax.ShapeDtypeStruct((N, 192), jnp.float32),
            jax.ShapeDtypeStruct((N, 64), jnp.float32),
        ],
    )(nfeats, Wbig_t, bbig)

    BE = 4000
    pe = pl.pallas_call(
        _pe_body,
        grid=(E // BE,),
        in_specs=[
            pl.BlockSpec((BE, D_E), lambda i: (i, 0)),
            pl.BlockSpec((D_E, FE), lambda i: (0, 0)),
            pl.BlockSpec((1, FE), lambda i: (0, 0)),
        ],
        out_specs=pl.BlockSpec((BE, FE), lambda i: (i, 0)),
        out_shape=jax.ShapeDtypeStruct((E, FE), jnp.float32),
    )(efeats, W2.T, b_edges.reshape(1, FE))

    zeros = jnp.zeros((N_PAD, ACC_W), jnp.float32)
    f_out, partials = _edge_kernel(src, dst, A, Bt, pe, wsum, zeros)

    sel = jnp.repeat(jnp.eye(H, dtype=jnp.float32), OUT_N, axis=1)
    BC = 632
    nfeats_out = pl.pallas_call(
        _combine_body,
        grid=(N_PAD // BC,),
        in_specs=[
            pl.BlockSpec((2, BC, ACC_W), lambda i: (0, i, 0)),
            pl.BlockSpec((H, FN), lambda i: (0, 0)),
        ],
        out_specs=pl.BlockSpec((BC, FN), lambda i: (i, 0)),
        out_shape=jax.ShapeDtypeStruct((N, FN), jnp.float32),
    )(partials, sel)

    return (nfeats_out, f_out)

# --- scband reference (transcript-rebuilt; emitter-appended) ---
"""Pipeline reference for scband-egatconv-18133351924023 (READ-ONLY COPY).

The authoritative reference and input builder live on the scoring server;
editing this copy changes nothing except your own understanding.
"""

import jax, jax.numpy as jnp
import numpy as np

N = 10000
E = 320000
D_IN = 128
D_E = 16
H = 4
OUT_N = 32
OUT_E = 16


def _xavier_normal(key, shape, gain):
    fan_out, fan_in = shape
    std = gain * np.sqrt(2.0 / (fan_in + fan_out))
    return jax.random.normal(key, shape, dtype=jnp.float32) * std


def setup_inputs(seed: int = 0) -> dict:
    key = jax.random.key(seed)
    ks = jax.random.split(key, 8)
    gain = np.sqrt(2.0)  # calculate_gain('relu')
    nfeats = jax.random.normal(ks[0], (N, D_IN), dtype=jnp.float32)
    efeats = jax.random.normal(ks[1], (E, D_E), dtype=jnp.float32)
    edge_index = jax.random.randint(ks[2], (2, E), 0, N, dtype=jnp.int32)
    W_nodes = _xavier_normal(ks[3], (H * OUT_N, D_IN), gain)
    b_nodes = jnp.zeros((H * OUT_N,), dtype=jnp.float32)
    W_edges = _xavier_normal(ks[4], (H * OUT_E, D_E + 2 * D_IN), gain)
    b_edges = jnp.zeros((H * OUT_E,), dtype=jnp.float32)
    W_attn = _xavier_normal(ks[5], (H, OUT_E), gain)
    return {"nfeats": nfeats, "efeats": efeats, "edge_index": edge_index,
            "W_nodes": W_nodes, "b_nodes": b_nodes,
            "W_edges": W_edges, "b_edges": b_edges, "W_attn": W_attn}


def reference(nfeats, efeats, edge_index, W_nodes, b_nodes, W_edges, b_edges, W_attn):
    src = edge_index[0]
    dst = edge_index[1]
    # edge_attention
    h_src = jnp.take(nfeats, src, axis=0)
    h_dst = jnp.take(nfeats, dst, axis=0)
    stack = jnp.concatenate([h_src, efeats, h_dst], axis=-1)
    f_out = stack @ W_edges.T + b_edges
    f_out = jax.nn.leaky_relu(f_out, negative_slope=0.01)
    f_out = f_out.reshape(E, H, OUT_E)
    a = jnp.sum(f_out @ W_attn.T, axis=-1)[..., None]  # [E, H, 1]
    # node transform
    h_n = (nfeats @ W_nodes.T + b_nodes).reshape(N, H, OUT_N)
    m_h = jnp.take(h_n, src, axis=0)  # [E, H, OUT_N]
    # edge softmax over incoming edges per dst node
    amax = jax.ops.segment_max(a, dst, num_segments=N)
    amax = jnp.where(jnp.isfinite(amax), amax, 0.0)
    a_exp = jnp.exp(a - jnp.take(amax, dst, axis=0))
    denom = jax.ops.segment_sum(a_exp, dst, num_segments=N)
    alpha = a_exp / jnp.maximum(jnp.take(denom, dst, axis=0), 1e-9)
    h_out = jax.ops.segment_sum(alpha * m_h, dst, num_segments=N)
    nfeats_out = h_out.reshape(N, H * OUT_N)
    efeats_out = f_out.reshape(E, H * OUT_E)
    return (nfeats_out, efeats_out)

if __name__ == "__main__":
    import jax
    _d = setup_inputs()
    print(jax.jit(kernel)(*tuple(_d.values())))

</pallas_src>

<mosaic_0001>
#map = affine_map<(d0, d1) -> (0)>
#map1 = affine_map<(d0, d1) -> (0, 0)>
#map2 = affine_map<(d0, d1) -> (0, 0, 0)>
module attributes {stable_mosaic.version = 14 : i64} {
  func.func @_edge_kernel(%arg0: i32, %arg1: i32, %arg2: memref<320000xi32, #tpu.memory_space<hbm>>, %arg3: memref<320000xi32, #tpu.memory_space<hbm>>, %arg4: memref<10000x192xf32, #tpu.memory_space<hbm>>, %arg5: memref<10000x64xf32, #tpu.memory_space<hbm>>, %arg6: memref<320000x64xf32, #tpu.memory_space<hbm>>, %arg7: memref<16xf32, #tpu.memory_space<hbm>>, %arg8: memref<10112x144xf32, #tpu.memory_space<hbm>>, %arg9: memref<320000x64xf32, #tpu.memory_space<hbm>>, %arg10: memref<2x10112x144xf32, #tpu.memory_space<hbm>>, %arg11: memref<40xi32, #tpu.memory_space<vmem>>, %arg12: memref<40xi32, #tpu.memory_space<vmem>>, %arg13: memref<40x192xf32, #tpu.memory_space<vmem>>, %arg14: memref<40x64xf32, #tpu.memory_space<vmem>>, %arg15: memref<40x64xf32, #tpu.memory_space<vmem>>, %arg16: memref<40xi32, #tpu.memory_space<vmem>>, %arg17: memref<40xi32, #tpu.memory_space<vmem>>, %arg18: memref<40x192xf32, #tpu.memory_space<vmem>>, %arg19: memref<40x64xf32, #tpu.memory_space<vmem>>, %arg20: memref<40x64xf32, #tpu.memory_space<vmem>>, %arg21: memref<40x64xf32, #tpu.memory_space<vmem>>, %arg22: memref<40x144xf32, #tpu.memory_space<vmem>>, %arg23: memref<16xf32, #tpu.memory_space<vmem>>, %arg24: memref<10112x144xf32, #tpu.memory_space<vmem_shared>>, %arg25: memref<!tpu.dma_semaphore, #tpu.memory_space<semaphore_mem>>, %arg26: memref<!tpu.dma_semaphore, #tpu.memory_space<semaphore_mem>>) attributes {dimension_semantics = [#tpu.dimension_semantics<core_parallel>, #tpu.dimension_semantics<subcore_parallel>], iteration_bounds = array<i64: 2, 16>, scalar_prefetch = 0 : i64, scratch_operands = 16 : i64, tpu.core_type = #tpu.core_type<sc_vector_subcore>, window_params = [{transform_indices = #map}, {transform_indices = #map}, {transform_indices = #map1}, {transform_indices = #map1}, {transform_indices = #map1}, {transform_indices = #map}, {transform_indices = #map1}, {transform_indices = #map1}, {transform_indices = #map2}]} {
    %mul3A = arith.constant 2 : i32
    %mul3A_0 = arith.muli %arg1, %mul3A : i32
    %add3A = arith.addi %mul3A_0, %arg0 : i32
    "tpu.region"() ({
      %run_scoped3A = tpu.sem_alloc : memref<!tpu.dma_semaphore, #tpu.memory_space<semaphore_mem>>
      tpu.enqueue_dma source(%arg7 : memref<16xf32, #tpu.memory_space<hbm>>) target(%arg23 : memref<16xf32, #tpu.memory_space<vmem>>) target_semaphore(%run_scoped3A : memref<!tpu.dma_semaphore, #tpu.memory_space<semaphore_mem>>)
      tpu.wait_dma2 semaphore(%run_scoped3A : memref<!tpu.dma_semaphore, #tpu.memory_space<semaphore_mem>>) src(%arg7 : memref<16xf32, #tpu.memory_space<hbm>>) dst(%arg23 : memref<16xf32, #tpu.memory_space<vmem>>)
      tpu.yield
    }) : () -> ()
    %mul3A_1 = arith.constant 632 : i32
    %mul3A_2 = arith.muli %arg1, %mul3A_1 : i32
    %mul3A_3 = arith.constant 632 : i32
    %mul3A_4 = arith.muli %arg1, %mul3A_3 : i32
    "tpu.region"() ({
      %run_scoped3A = tpu.sem_alloc : memref<!tpu.dma_semaphore, #tpu.memory_space<semaphore_mem>>
      %dma_start3A_37 = arith.constant 0 : i32
      %dma_start3A_38 = tpu.memref_slice %arg24[%mul3A_4, %dma_start3A_37] : memref<10112x144xf32, #tpu.memory_space<vmem_shared>> -> memref<632x144xf32, #tpu.memory_space<vmem_shared>>
      %dma_start3A_39 = arith.constant 0 : i32
      %dma_start3A_40 = tpu.memref_slice %arg8[%mul3A_2, %dma_start3A_39] : memref<10112x144xf32, #tpu.memory_space<hbm>> -> memref<632x144xf32, #tpu.memory_space<hbm>>
      tpu.enqueue_dma source(%dma_start3A_40 : memref<632x144xf32, #tpu.memory_space<hbm>>) target(%dma_start3A_38 : memref<632x144xf32, #tpu.memory_space<vmem_shared>>) target_semaphore(%run_scoped3A : memref<!tpu.dma_semaphore, #tpu.memory_space<semaphore_mem>>)
      %dma_wait3A = arith.constant 0 : i32
      %dma_wait3A_41 = tpu.memref_slice %arg24[%mul3A_4, %dma_wait3A] : memref<10112x144xf32, #tpu.memory_space<vmem_shared>> -> memref<632x144xf32, #tpu.memory_space<vmem_shared>>
      %dma_wait3A_42 = arith.constant 0 : i32
      %dma_wait3A_43 = tpu.memref_slice %arg8[%mul3A_2, %dma_wait3A_42] : memref<10112x144xf32, #tpu.memory_space<hbm>> -> memref<632x144xf32, #tpu.memory_space<hbm>>
      tpu.wait_dma2 semaphore(%run_scoped3A : memref<!tpu.dma_semaphore, #tpu.memory_space<semaphore_mem>>) src(%dma_wait3A_43 : memref<632x144xf32, #tpu.memory_space<hbm>>) dst(%dma_wait3A_41 : memref<632x144xf32, #tpu.memory_space<vmem_shared>>)
      tpu.yield
    }) : () -> ()
    %barrier3A = arith.constant 0 : index
    tpu.barrier barrier_id(%barrier3A)
    %get3A = arith.constant 0 : index
    %get3A_5 = tpu.vector_load %arg23[%get3A] {strides = array<i32>} : memref<16xf32, #tpu.memory_space<vmem>>, vector<16xf32>,
    %get3A_6 = vector.shape_cast %get3A_5 : vector<16xf32> to vector<16xf32>
    %iota3A = tpu.iota {dimensions = array<i32: 0>} : vector<16xi32>
    %xor3A = arith.constant 8 : i32
    %xor3A_7 = vector.broadcast %xor3A : i32 to vector<16xi32>
    %xor3A_8 = arith.xori %iota3A, %xor3A_7 : vector<16xi32>
    %xor3A_9 = arith.constant 4 : i32
    %xor3A_10 = vector.broadcast %xor3A_9 : i32 to vector<16xi32>
    %xor3A_11 = arith.xori %iota3A, %xor3A_10 : vector<16xi32>
    %xor3A_12 = arith.constant 2 : i32
    %xor3A_13 = vector.broadcast %xor3A_12 : i32 to vector<16xi32>
    %xor3A_14 = arith.xori %iota3A, %xor3A_13 : vector<16xi32>
    %xor3A_15 = arith.constant 1 : i32
    %xor3A_16 = vector.broadcast %xor3A_15 : i32 to vector<16xi32>
    %xor3A_17 = arith.xori %iota3A, %xor3A_16 : vector<16xi32>
    %mul3A_18 = arith.constant 10000 : i32
    %mul3A_19 = arith.muli %add3A, %mul3A_18 : i32
    %add3A_20 = arith.constant 0 : i32
    %add3A_21 = arith.addi %mul3A_19, %add3A_20 : i32
    %multiple_of3A = tpu.assume_multiple %add3A_21, 40 : i32
    "tpu.region"() ({
      %run_scoped3A = tpu.sem_alloc : memref<!tpu.dma_semaphore, #tpu.memory_space<semaphore_mem>>
      %dma_start3A_37 = tpu.memref_slice %arg2[%multiple_of3A] : memref<320000xi32, #tpu.memory_space<hbm>> -> memref<40xi32, #tpu.memory_space<hbm>>
      %dma_start3A_38 = tpu.memref_slice %arg2[%multiple_of3A] : memref<320000xi32, #tpu.memory_space<hbm>> -> memref<40xi32, #tpu.memory_space<hbm>>
      tpu.enqueue_dma source(%dma_start3A_38 : memref<40xi32, #tpu.memory_space<hbm>>) target(%arg11 : memref<40xi32, #tpu.memory_space<vmem>>) target_semaphore(%run_scoped3A : memref<!tpu.dma_semaphore, #tpu.memory_space<semaphore_mem>>)
      %dma_wait3A = tpu.memref_slice %arg2[%multiple_of3A] : memref<320000xi32, #tpu.memory_space<hbm>> -> memref<40xi32, #tpu.memory_space<hbm>>
      %dma_wait3A_39 = tpu.memref_slice %arg2[%multiple_of3A] : memref<320000xi32, #tpu.memory_space<hbm>> -> memref<40xi32, #tpu.memory_space<hbm>>
      tpu.wait_dma2 semaphore(%run_scoped3A : memref<!tpu.dma_semaphore, #tpu.memory_space<semaphore_mem>>) src(%dma_wait3A_39 : memref<40xi32, #tpu.memory_space<hbm>>) dst(%arg11 : memref<40xi32, #tpu.memory_space<vmem>>)
      tpu.yield
    }) : () -> ()
    "tpu.region"() ({
      %run_scoped3A = tpu.sem_alloc : memref<!tpu.dma_semaphore, #tpu.memory_space<semaphore_mem>>
      %dma_start3A_37 = tpu.memref_slice %arg3[%multiple_of3A] : memref<320000xi32, #tpu.memory_space<hbm>> -> memref<40xi32, #tpu.memory_space<hbm>>
      %dma_start3A_38 = tpu.memref_slice %arg3[%multiple_of3A] : memref<320000xi32, #tpu.memory_space<hbm>> -> memref<40xi32, #tpu.memory_space<hbm>>
      tpu.enqueue_dma source(%dma_start3A_38 : memref<40xi32, #tpu.memory_space<hbm>>) target(%arg12 : memref<40xi32, #tpu.memory_space<vmem>>) target_semaphore(%run_scoped3A : memref<!tpu.dma_semaphore, #tpu.memory_space<semaphore_mem>>)
      %dma_wait3A = tpu.memref_slice %arg3[%multiple_of3A] : memref<320000xi32, #tpu.memory_space<hbm>> -> memref<40xi32, #tpu.memory_space<hbm>>
      %dma_wait3A_39 = tpu.memref_slice %arg3[%multiple_of3A] : memref<320000xi32, #tpu.memory_space<hbm>> -> memref<40xi32, #tpu.memory_space<hbm>>
      tpu.wait_dma2 semaphore(%run_scoped3A : memref<!tpu.dma_semaphore, #tpu.memory_space<semaphore_mem>>) src(%dma_wait3A_39 : memref<40xi32, #tpu.memory_space<hbm>>) dst(%arg12 : memref<40xi32, #tpu.memory_space<vmem>>)
      tpu.yield
    }) : () -> ()
    %dma_start3A = arith.constant 0 : i32
    %dma_start3A_22 = arith.constant 0 : i32
    %dma_start3A_23 = tpu.memref_slice %arg4[%dma_start3A, %dma_start3A_22] : memref<10000x192xf32, #tpu.memory_space<hbm>> -> memref<10000x192xf32, #tpu.memory_space<hbm>>
    tpu.enqueue_indirect_dma source(%dma_start3A_23 : memref<10000x192xf32, #tpu.memory_space<hbm>>) target(%arg13 : memref<40x192xf32, #tpu.memory_space<vmem>>) offsets(%arg11 : memref<40xi32, #tpu.memory_space<vmem>>) semaphore(%arg25 : memref<!tpu.dma_semaphore, #tpu.memory_space<semaphore_mem>>)
    %dma_start3A_24 = arith.constant 0 : i32
    %dma_start3A_25 = arith.constant 0 : i32
    %dma_start3A_26 = tpu.memref_slice %arg5[%dma_start3A_24, %dma_start3A_25] : memref<10000x64xf32, #tpu.memory_space<hbm>> -> memref<10000x64xf32, #tpu.memory_space<hbm>>
    tpu.enqueue_indirect_dma source(%dma_start3A_26 : memref<10000x64xf32, #tpu.memory_space<hbm>>) target(%arg14 : memref<40x64xf32, #tpu.memory_space<vmem>>) offsets(%arg12 : memref<40xi32, #tpu.memory_space<vmem>>) semaphore(%arg25 : memref<!tpu.dma_semaphore, #tpu.memory_space<semaphore_mem>>)
    "tpu.region"() ({
      %run_scoped3A = tpu.sem_alloc : memref<!tpu.dma_semaphore, #tpu.memory_space<semaphore_mem>>
      %dma_start3A_37 = arith.constant 0 : i32
      %dma_start3A_38 = tpu.memref_slice %arg6[%multiple_of3A, %dma_start3A_37] : memref<320000x64xf32, #tpu.memory_space<hbm>> -> memref<40x64xf32, #tpu.memory_space<hbm>>
      %dma_start3A_39 = arith.constant 0 : i32
      %dma_start3A_40 = tpu.memref_slice %arg6[%multiple_of3A, %dma_start3A_39] : memref<320000x64xf32, #tpu.memory_space<hbm>> -> memref<40x64xf32, #tpu.memory_space<hbm>>
      tpu.enqueue_dma source(%dma_start3A_40 : memref<40x64xf32, #tpu.memory_space<hbm>>) target(%arg15 : memref<40x64xf32, #tpu.memory_space<vmem>>) target_semaphore(%run_scoped3A : memref<!tpu.dma_semaphore, #tpu.memory_space<semaphore_mem>>)
      %dma_wait3A = arith.constant 0 : i32
      %dma_wait3A_41 = tpu.memref_slice %arg6[%multiple_of3A, %dma_wait3A] : memref<320000x64xf32, #tpu.memory_space<hbm>> -> memref<40x64xf32, #tpu.memory_space<hbm>>
      %dma_wait3A_42 = arith.constant 0 : i32
      %dma_wait3A_43 = tpu.memref_slice %arg6[%multiple_of3A, %dma_wait3A_42] : memref<320000x64xf32, #tpu.memory_space<hbm>> -> memref<40x64xf32, #tpu.memory_space<hbm>>
      tpu.wait_dma2 semaphore(%run_scoped3A : memref<!tpu.dma_semaphore, #tpu.memory_space<semaphore_mem>>) src(%dma_wait3A_43 : memref<40x64xf32, #tpu.memory_space<hbm>>) dst(%arg15 : memref<40x64xf32, #tpu.memory_space<vmem>>)
      tpu.yield
    }) : () -> ()
    %scan3A = arith.constant 0 : i32
    %scan3A_27 = arith.constant 0 : i32
    %scan3A_28 = arith.constant 125 : i32
    %scan3A_29 = arith.addi %scan3A_27, %scan3A_28 : i32
    %scan3A_30 = arith.constant 1 : i32
    scf.for %scan3A_37 = %scan3A_27 to %scan3A_29 step %scan3A_30  : i32 {
      %mul3A_38 = arith.constant 2 : i32
      %mul3A_39 = arith.muli %scan3A_37, %mul3A_38 : i32
      %add3A_40 = arith.constant 1 : i32
      %add3A_41 = arith.addi %mul3A_39, %add3A_40 : i32
      %mul3A_42 = arith.constant 10000 : i32
      %mul3A_43 = arith.muli %add3A, %mul3A_42 : i32
      %mul3A_44 = arith.constant 40 : i32
      %mul3A_45 = arith.muli %add3A_41, %mul3A_44 : i32
      %add3A_46 = arith.addi %mul3A_43, %mul3A_45 : i32
      %multiple_of3A_47 = tpu.assume_multiple %add3A_46, 40 : i32
      "tpu.region"() ({
        %run_scoped3A = tpu.sem_alloc : memref<!tpu.dma_semaphore, #tpu.memory_space<semaphore_mem>>
        %dma_start3A_93 = tpu.memref_slice %arg2[%multiple_of3A_47] : memref<320000xi32, #tpu.memory_space<hbm>> -> memref<40xi32, #tpu.memory_space<hbm>>
        %dma_start3A_94 = tpu.memref_slice %arg2[%multiple_of3A_47] : memref<320000xi32, #tpu.memory_space<hbm>> -> memref<40xi32, #tpu.memory_space<hbm>>
        tpu.enqueue_dma source(%dma_start3A_94 : memref<40xi32, #tpu.memory_space<hbm>>) target(%arg16 : memref<40xi32, #tpu.memory_space<vmem>>) target_semaphore(%run_scoped3A : memref<!tpu.dma_semaphore, #tpu.memory_space<semaphore_mem>>)
        %dma_wait3A_95 = tpu.memref_slice %arg2[%multiple_of3A_47] : memref<320000xi32, #tpu.memory_space<hbm>> -> memref<40xi32, #tpu.memory_space<hbm>>
        %dma_wait3A_96 = tpu.memref_slice %arg2[%multiple_of3A_47] : memref<320000xi32, #tpu.memory_space<hbm>> -> memref<40xi32, #tpu.memory_space<hbm>>
        tpu.wait_dma2 semaphore(%run_scoped3A : memref<!tpu.dma_semaphore, #tpu.memory_space<semaphore_mem>>) src(%dma_wait3A_96 : memref<40xi32, #tpu.memory_space<hbm>>) dst(%arg16 : memref<40xi32, #tpu.memory_space<vmem>>)
        tpu.yield
      }) : () -> ()
      "tpu.region"() ({
        %run_scoped3A = tpu.sem_alloc : memref<!tpu.dma_semaphore, #tpu.memory_space<semaphore_mem>>
        %dma_start3A_93 = tpu.memref_slice %arg3[%multiple_of3A_47] : memref<320000xi32, #tpu.memory_space<hbm>> -> memref<40xi32, #tpu.memory_space<hbm>>
        %dma_start3A_94 = tpu.memref_slice %arg3[%multiple_of3A_47] : memref<320000xi32, #tpu.memory_space<hbm>> -> memref<40xi32, #tpu.memory_space<hbm>>
        tpu.enqueue_dma source(%dma_start3A_94 : memref<40xi32, #tpu.memory_space<hbm>>) target(%arg17 : memref<40xi32, #tpu.memory_space<vmem>>) target_semaphore(%run_scoped3A : memref<!tpu.dma_semaphore, #tpu.memory_space<semaphore_mem>>)
        %dma_wait3A_95 = tpu.memref_slice %arg3[%multiple_of3A_47] : memref<320000xi32, #tpu.memory_space<hbm>> -> memref<40xi32, #tpu.memory_space<hbm>>
        %dma_wait3A_96 = tpu.memref_slice %arg3[%multiple_of3A_47] : memref<320000xi32, #tpu.memory_space<hbm>> -> memref<40xi32, #tpu.memory_space<hbm>>
        tpu.wait_dma2 semaphore(%run_scoped3A : memref<!tpu.dma_semaphore, #tpu.memory_space<semaphore_mem>>) src(%dma_wait3A_96 : memref<40xi32, #tpu.memory_space<hbm>>) dst(%arg17 : memref<40xi32, #tpu.memory_space<vmem>>)
        tpu.yield
      }) : () -> ()
      %dma_start3A_48 = arith.constant 0 : i32
      %dma_start3A_49 = arith.constant 0 : i32
      %dma_start3A_50 = tpu.memref_slice %arg4[%dma_start3A_48, %dma_start3A_49] : memref<10000x192xf32, #tpu.memory_space<hbm>> -> memref<10000x192xf32, #tpu.memory_space<hbm>>
      tpu.enqueue_indirect_dma source(%dma_start3A_50 : memref<10000x192xf32, #tpu.memory_space<hbm>>) target(%arg18 : memref<40x192xf32, #tpu.memory_space<vmem>>) offsets(%arg16 : memref<40xi32, #tpu.memory_space<vmem>>) semaphore(%arg26 : memref<!tpu.dma_semaphore, #tpu.memory_space<semaphore_mem>>)
      %dma_start3A_51 = arith.constant 0 : i32
      %dma_start3A_52 = arith.constant 0 : i32
      %dma_start3A_53 = tpu.memref_slice %arg5[%dma_start3A_51, %dma_start3A_52] : memref<10000x64xf32, #tpu.memory_space<hbm>> -> memref<10000x64xf32, #tpu.memory_space<hbm>>
      tpu.enqueue_indirect_dma source(%dma_start3A_53 : memref<10000x64xf32, #tpu.memory_space<hbm>>) target(%arg19 : memref<40x64xf32, #tpu.memory_space<vmem>>) offsets(%arg17 : memref<40xi32, #tpu.memory_space<vmem>>) semaphore(%arg26 : memref<!tpu.dma_semaphore, #tpu.memory_space<semaphore_mem>>)
      "tpu.region"() ({
        %run_scoped3A = tpu.sem_alloc : memref<!tpu.dma_semaphore, #tpu.memory_space<semaphore_mem>>
        %dma_start3A_93 = arith.constant 0 : i32
        %dma_start3A_94 = tpu.memref_slice %arg6[%multiple_of3A_47, %dma_start3A_93] : memref<320000x64xf32, #tpu.memory_space<hbm>> -> memref<40x64xf32, #tpu.memory_space<hbm>>
        %dma_start3A_95 = arith.constant 0 : i32
        %dma_start3A_96 = tpu.memref_slice %arg6[%multiple_of3A_47, %dma_start3A_95] : memref<320000x64xf32, #tpu.memory_space<hbm>> -> memref<40x64xf32, #tpu.memory_space<hbm>>
        tpu.enqueue_dma source(%dma_start3A_96 : memref<40x64xf32, #tpu.memory_space<hbm>>) target(%arg20 : memref<40x64xf32, #tpu.memory_space<vmem>>) target_semaphore(%run_scoped3A : memref<!tpu.dma_semaphore, #tpu.memory_space<semaphore_mem>>)
        %dma_wait3A_97 = arith.constant 0 : i32
        %dma_wait3A_98 = tpu.memref_slice %arg6[%multiple_of3A_47, %dma_wait3A_97] : memref<320000x64xf32, #tpu.memory_space<hbm>> -> memref<40x64xf32, #tpu.memory_space<hbm>>
        %dma_wait3A_99 = arith.constant 0 : i32
        %dma_wait3A_100 = tpu.memref_slice %arg6[%multiple_of3A_47, %dma_wait3A_99] : memref<320000x64xf32, #tpu.memory_space<hbm>> -> memref<40x64xf32, #tpu.memory_space<hbm>>
        tpu.wait_dma2 semaphore(%run_scoped3A : memref<!tpu.dma_semaphore, #tpu.memory_space<semaphore_mem>>) src(%dma_wait3A_100 : memref<40x64xf32, #tpu.memory_space<hbm>>) dst(%arg20 : memref<40x64xf32, #tpu.memory_space<vmem>>)
        tpu.yield
      }) : () -> ()
      %dma_wait3A = arith.constant 0 : i32
      %dma_wait3A_54 = arith.constant 0 : i32
      %dma_wait3A_55 = tpu.memref_slice %arg4[%dma_wait3A, %dma_wait3A_54] : memref<10000x192xf32, #tpu.memory_space<hbm>> -> memref<10000x192xf32, #tpu.memory_space<hbm>>
      tpu.wait_indirect_dma semaphore(%arg25 : memref<!tpu.dma_semaphore, #tpu.memory_space<semaphore_mem>>) src(%dma_wait3A_55 : memref<10000x192xf32, #tpu.memory_space<hbm>>) dst(%arg13 : memref<40x192xf32, #tpu.memory_space<vmem>>)
      %dma_wait3A_56 = arith.constant 0 : i32
      %dma_wait3A_57 = arith.constant 0 : i32
      %dma_wait3A_58 = tpu.memref_slice %arg5[%dma_wait3A_56, %dma_wait3A_57] : memref<10000x64xf32, #tpu.memory_space<hbm>> -> memref<10000x64xf32, #tpu.memory_space<hbm>>
      tpu.wait_indirect_dma semaphore(%arg25 : memref<!tpu.dma_semaphore, #tpu.memory_space<semaphore_mem>>) src(%dma_wait3A_58 : memref<10000x64xf32, #tpu.memory_space<hbm>>) dst(%arg14 : memref<40x64xf32, #tpu.memory_space<vmem>>)
      %mul3A_59 = arith.constant 10000 : i32
      %mul3A_60 = arith.muli %add3A, %mul3A_59 : i32
      %mul3A_61 = arith.constant 40 : i32
      %mul3A_62 = arith.muli %mul3A_39, %mul3A_61 : i32
      %add3A_63 = arith.addi %mul3A_60, %mul3A_62 : i32
      %multiple_of3A_64 = tpu.assume_multiple %add3A_63, 40 : i32
      %scan3A_65 = arith.constant 0 : i32
      %scan3A_66 = arith.constant 0 : i32
      %scan3A_67 = arith.constant 40 : i32
      %scan3A_68 = arith.addi %scan3A_66, %scan3A_67 : i32
      %scan3A_69 = arith.constant 2 : i32
      scf.for %scan3A_93 = %scan3A_66 to %scan3A_68 step %scan3A_69  : i32 {
        %get3A_94 = arith.index_cast %scan3A_93 : i32 to index
        %get3A_95 = arith.constant 0 : index
        %get3A_96 = tpu.vector_load %arg13[%get3A_94, %get3A_95] {strides = array<i32>} : memref<40x192xf32, #tpu.memory_space<vmem>>, vector<1x16xf32>,
        %get3A_97 = vector.shape_cast %get3A_96 : vector<1x16xf32> to vector<16xf32>
        %get3A_98 = arith.index_cast %scan3A_93 : i32 to index
        %get3A_99 = arith.constant 0 : index
        %get3A_100 = tpu.vector_load %arg14[%get3A_98, %get3A_99] {strides = array<i32>} : memref<40x64xf32, #tpu.memory_space<vmem>>, vector<1x16xf32>,
        %get3A_101 = vector.shape_cast %get3A_100 : vector<1x16xf32> to vector<16xf32>
        %add3A_102 = arith.addf %get3A_97, %get3A_101 : vector<16xf32>
        %get3A_103 = arith.index_cast %scan3A_93 : i32 to index
        %get3A_104 = arith.constant 0 : index
        %get3A_105 = tpu.vector_load %arg15[%get3A_103, %get3A_104] {strides = array<i32>} : memref<40x64xf32, #tpu.memory_space<vmem>>, vector<1x16xf32>,
        %get3A_106 = vector.shape_cast %get3A_105 : vector<1x16xf32> to vector<16xf32>
        %add3A_107 = arith.addf %add3A_102, %get3A_106 : vector<16xf32>
        %mul3A_108 = arith.constant 0.00999999977 : f32
        %mul3A_109 = vector.broadcast %mul3A_108 : f32 to vector<16xf32>
        %mul3A_110 = arith.mulf %add3A_107, %mul3A_109 : vector<16xf32>
        %max3A = arith.maximumf %add3A_107, %mul3A_110 : vector<16xf32>
        %get3A_111 = arith.index_cast %scan3A_93 : i32 to index
        %get3A_112 = arith.constant 16 : index
        %get3A_113 = tpu.vector_load %arg13[%get3A_111, %get3A_112] {strides = array<i32>} : memref<40x192xf32, #tpu.memory_space<vmem>>, vector<1x16xf32>,
        %get3A_114 = vector.shape_cast %get3A_113 : vector<1x16xf32> to vector<16xf32>
        %get3A_115 = arith.index_cast %scan3A_93 : i32 to index
        %get3A_116 = arith.constant 16 : index
        %get3A_117 = tpu.vector_load %arg14[%get3A_115, %get3A_116] {strides = array<i32>} : memref<40x64xf32, #tpu.memory_space<vmem>>, vector<1x16xf32>,
        %get3A_118 = vector.shape_cast %get3A_117 : vector<1x16xf32> to vector<16xf32>
        %add3A_119 = arith.addf %get3A_114, %get3A_118 : vector<16xf32>
        %get3A_120 = arith.index_cast %scan3A_93 : i32 to index
        %get3A_121 = arith.constant 16 : index
        %get3A_122 = tpu.vector_load %arg15[%get3A_120, %get3A_121] {strides = array<i32>} : memref<40x64xf32, #tpu.memory_space<vmem>>, vector<1x16xf32>,
        %get3A_123 = vector.shape_cast %get3A_122 : vector<1x16xf32> to vector<16xf32>
        %add3A_124 = arith.addf %add3A_119, %get3A_123 : vector<16xf32>
        %mul3A_125 = arith.constant 0.00999999977 : f32
        %mul3A_126 = vector.broadcast %mul3A_125 : f32 to vector<16xf32>
        %mul3A_127 = arith.mulf %add3A_124, %mul3A_126 : vector<16xf32>
        %max3A_128 = arith.maximumf %add3A_124, %mul3A_127 : vector<16xf32>
        %get3A_129 = arith.index_cast %scan3A_93 : i32 to index
        %get3A_130 = arith.constant 32 : index
        %get3A_131 = tpu.vector_load %arg13[%get3A_129, %get3A_130] {strides = array<i32>} : memref<40x192xf32, #tpu.memory_space<vmem>>, vector<1x16xf32>,
        %get3A_132 = vector.shape_cast %get3A_131 : vector<1x16xf32> to vector<16xf32>
        %get3A_133 = arith.index_cast %scan3A_93 : i32 to index
        %get3A_134 = arith.constant 32 : index
        %get3A_135 = tpu.vector_load %arg14[%get3A_133, %get3A_134] {strides = array<i32>} : memref<40x64xf32, #tpu.memory_space<vmem>>, vector<1x16xf32>,
        %get3A_136 = vector.shape_cast %get3A_135 : vector<1x16xf32> to vector<16xf32>
        %add3A_137 = arith.addf %get3A_132, %get3A_136 : vector<16xf32>
        %get3A_138 = arith.index_cast %scan3A_93 : i32 to index
        %get3A_139 = arith.constant 32 : index
        %get3A_140 = tpu.vector_load %arg15[%get3A_138, %get3A_139] {strides = array<i32>} : memref<40x64xf32, #tpu.memory_space<vmem>>, vector<1x16xf32>,
        %get3A_141 = vector.shape_cast %get3A_140 : vector<1x16xf32> to vector<16xf32>
        %add3A_142 = arith.addf %add3A_137, %get3A_141 : vector<16xf32>
        %mul3A_143 = arith.constant 0.00999999977 : f32
        %mul3A_144 = vector.broadcast %mul3A_143 : f32 to vector<16xf32>
        %mul3A_145 = arith.mulf %add3A_142, %mul3A_144 : vector<16xf32>
        %max3A_146 = arith.maximumf %add3A_142, %mul3A_145 : vector<16xf32>
        %get3A_147 = arith.index_cast %scan3A_93 : i32 to index
        %get3A_148 = arith.constant 48 : index
        %get3A_149 = tpu.vector_load %arg13[%get3A_147, %get3A_148] {strides = array<i32>} : memref<40x192xf32, #tpu.memory_space<vmem>>, vector<1x16xf32>,
        %get3A_150 = vector.shape_cast %get3A_149 : vector<1x16xf32> to vector<16xf32>
        %get3A_151 = arith.index_cast %scan3A_93 : i32 to index
        %get3A_152 = arith.constant 48 : index
        %get3A_153 = tpu.vector_load %arg14[%get3A_151, %get3A_152] {strides = array<i32>} : memref<40x64xf32, #tpu.memory_space<vmem>>, vector<1x16xf32>,
        %get3A_154 = vector.shape_cast %get3A_153 : vector<1x16xf32> to vector<16xf32>
        %add3A_155 = arith.addf %get3A_150, %get3A_154 : vector<16xf32>
        %get3A_156 = arith.index_cast %scan3A_93 : i32 to index
        %get3A_157 = arith.constant 48 : index
        %get3A_158 = tpu.vector_load %arg15[%get3A_156, %get3A_157] {strides = array<i32>} : memref<40x64xf32, #tpu.memory_space<vmem>>, vector<1x16xf32>,
        %get3A_159 = vector.shape_cast %get3A_158 : vector<1x16xf32> to vector<16xf32>
        %add3A_160 = arith.addf %add3A_155, %get3A_159 : vector<16xf32>
        %mul3A_161 = arith.constant 0.00999999977 : f32
        %mul3A_162 = vector.broadcast %mul3A_161 : f32 to vector<16xf32>
        %mul3A_163 = arith.mulf %add3A_160, %mul3A_162 : vector<16xf32>
        %max3A_164 = arith.maximumf %add3A_160, %mul3A_163 : vector<16xf32>
        %swap3A = arith.index_cast %scan3A_93 : i32 to index
        %swap3A_165 = arith.constant 0 : index
        %swap3A_166 = tpu.vector_load %arg21[%swap3A, %swap3A_165] {strides = array<i32>} : memref<40x64xf32, #tpu.memory_space<vmem>>, vector<1x16xf32>,
        %swap3A_167 = vector.shape_cast %swap3A_166 : vector<1x16xf32> to vector<16xf32>
        %swap3A_168 = vector.shape_cast %max3A : vector<16xf32> to vector<1x16xf32>
        tpu.vector_store %arg21[%swap3A, %swap3A_165], %swap3A_168 {strides = array<i32>} : memref<40x64xf32, #tpu.memory_space<vmem>>, vector<1x16xf32>,
        %swap3A_169 = arith.index_cast %scan3A_93 : i32 to index
        %swap3A_170 = arith.constant 16 : index
        %swap3A_171 = tpu.vector_load %arg21[%swap3A_169, %swap3A_170] {strides = array<i32>} : memref<40x64xf32, #tpu.memory_space<vmem>>, vector<1x16xf32>,
        %swap3A_172 = vector.shape_cast %swap3A_171 : vector<1x16xf32> to vector<16xf32>
        %swap3A_173 = vector.shape_cast %max3A_128 : vector<16xf32> to vector<1x16xf32>
        tpu.vector_store %arg21[%swap3A_169, %swap3A_170], %swap3A_173 {strides = array<i32>} : memref<40x64xf32, #tpu.memory_space<vmem>>, vector<1x16xf32>,
        %swap3A_174 = arith.index_cast %scan3A_93 : i32 to index
        %swap3A_175 = arith.constant 32 : index
        %swap3A_176 = tpu.vector_load %arg21[%swap3A_174, %swap3A_175] {strides = array<i32>} : memref<40x64xf32, #tpu.memory_space<vmem>>, vector<1x16xf32>,
        %swap3A_177 = vector.shape_cast %swap3A_176 : vector<1x16xf32> to vector<16xf32>
        %swap3A_178 = vector.shape_cast %max3A_146 : vector<16xf32> to vector<1x16xf32>
        tpu.vector_store %arg21[%swap3A_174, %swap3A_175], %swap3A_178 {strides = array<i32>} : memref<40x64xf32, #tpu.memory_space<vmem>>, vector<1x16xf32>,
        %swap3A_179 = arith.index_cast %scan3A_93 : i32 to index
        %swap3A_180 = arith.constant 48 : index
        %swap3A_181 = tpu.vector_load %arg21[%swap3A_179, %swap3A_180] {strides = array<i32>} : memref<40x64xf32, #tpu.memory_space<vmem>>, vector<1x16xf32>,
        %swap3A_182 = vector.shape_cast %swap3A_181 : vector<1x16xf32> to vector<16xf32>
        %swap3A_183 = vector.shape_cast %max3A_164 : vector<16xf32> to vector<1x16xf32>
        tpu.vector_store %arg21[%swap3A_179, %swap3A_180], %swap3A_183 {strides = array<i32>} : memref<40x64xf32, #tpu.memory_space<vmem>>, vector<1x16xf32>,
        %mul3A_184 = arith.mulf %max3A, %get3A_6 : vector<16xf32>
        %mul3A_185 = arith.mulf %max3A_128, %get3A_6 : vector<16xf32>
        %mul3A_186 = arith.mulf %max3A_146, %get3A_6 : vector<16xf32>
        %mul3A_187 = arith.mulf %max3A_164, %get3A_6 : vector<16xf32>
        %lt3A_188 = arith.constant 0 : i32
        %lt3A_189 = vector.broadcast %lt3A_188 : i32 to vector<16xi32>
        %lt3A_190 = arith.cmpi slt, %xor3A_8, %lt3A_189 : vector<16xi32>
        %add3A_191 = arith.constant 16 : i32
        %add3A_192 = vector.broadcast %add3A_191 : i32 to vector<16xi32>
        %add3A_193 = arith.addi %xor3A_8, %add3A_192 : vector<16xi32>
        %select_n3A = arith.select %lt3A_190, %add3A_193, %xor3A_8 : vector<16xi1>, vector<16xi32>
        %broadcast_in_dim3A = vector.shape_cast %select_n3A : vector<16xi32> to vector<16x1xi32>
        %gather3A = vector.shape_cast %broadcast_in_dim3A : vector<16x1xi32> to vector<16xi32>
        %gather3A_194 = tpu.dynamic_gather %mul3A_184[%gather3A] in [0] : vector<16xf32>, vector<16xi32> -> vector<16xf32>
        %add3A_195 = arith.addf %mul3A_184, %gather3A_194 : vector<16xf32>
        %lt3A_196 = arith.constant 0 : i32
        %lt3A_197 = vector.broadcast %lt3A_196 : i32 to vector<16xi32>
        %lt3A_198 = arith.cmpi slt, %xor3A_8, %lt3A_197 : vector<16xi32>
        %add3A_199 = arith.constant 16 : i32
        %add3A_200 = vector.broadcast %add3A_199 : i32 to vector<16xi32>
        %add3A_201 = arith.addi %xor3A_8, %add3A_200 : vector<16xi32>
        %select_n3A_202 = arith.select %lt3A_198, %add3A_201, %xor3A_8 : vector<16xi1>, vector<16xi32>
        %broadcast_in_dim3A_203 = vector.shape_cast %select_n3A_202 : vector<16xi32> to vector<16x1xi32>
        %gather3A_204 = vector.shape_cast %broadcast_in_dim3A_203 : vector<16x1xi32> to vector<16xi32>
        %gather3A_205 = tpu.dynamic_gather %mul3A_185[%gather3A_204] in [0] : vector<16xf32>, vector<16xi32> -> vector<16xf32>
        %add3A_206 = arith.addf %mul3A_185, %gather3A_205 : vector<16xf32>
        %lt3A_207 = arith.constant 0 : i32
        %lt3A_208 = vector.broadcast %lt3A_207 : i32 to vector<16xi32>
        %lt3A_209 = arith.cmpi slt, %xor3A_8, %lt3A_208 : vector<16xi32>
        %add3A_210 = arith.constant 16 : i32
        %add3A_211 = vector.broadcast %add3A_210 : i32 to vector<16xi32>
        %add3A_212 = arith.addi %xor3A_8, %add3A_211 : vector<16xi32>
        %select_n3A_213 = arith.select %lt3A_209, %add3A_212, %xor3A_8 : vector<16xi1>, vector<16xi32>
        %broadcast_in_dim3A_214 = vector.shape_cast %select_n3A_213 : vector<16xi32> to vector<16x1xi32>
        %gather3A_215 = vector.shape_cast %broadcast_in_dim3A_214 : vector<16x1xi32> to vector<16xi32>
        %gather3A_216 = tpu.dynamic_gather %mul3A_186[%gather3A_215] in [0] : vector<16xf32>, vector<16xi32> -> vector<16xf32>
        %add3A_217 = arith.addf %mul3A_186, %gather3A_216 : vector<16xf32>
        %lt3A_218 = arith.constant 0 : i32
        %lt3A_219 = vector.broadcast %lt3A_218 : i32 to vector<16xi32>
        %lt3A_220 = arith.cmpi slt, %xor3A_8, %lt3A_219 : vector<16xi32>
        %add3A_221 = arith.constant 16 : i32
        %add3A_222 = vector.broadcast %add3A_221 : i32 to vector<16xi32>
        %add3A_223 = arith.addi %xor3A_8, %add3A_222 : vector<16xi32>
        %select_n3A_224 = arith.select %lt3A_220, %add3A_223, %xor3A_8 : vector<16xi1>, vector<16xi32>
        %broadcast_in_dim3A_225 = vector.shape_cast %select_n3A_224 : vector<16xi32> to vector<16x1xi32>
        %gather3A_226 = vector.shape_cast %broadcast_in_dim3A_225 : vector<16x1xi32> to vector<16xi32>
        %gather3A_227 = tpu.dynamic_gather %mul3A_187[%gather3A_226] in [0] : vector<16xf32>, vector<16xi32> -> vector<16xf32>
        %add3A_228 = arith.addf %mul3A_187, %gather3A_227 : vector<16xf32>
        %lt3A_229 = arith.constant 0 : i32
        %lt3A_230 = vector.broadcast %lt3A_229 : i32 to vector<16xi32>
        %lt3A_231 = arith.cmpi slt, %xor3A_11, %lt3A_230 : vector<16xi32>
        %add3A_232 = arith.constant 16 : i32
        %add3A_233 = vector.broadcast %add3A_232 : i32 to vector<16xi32>
        %add3A_234 = arith.addi %xor3A_11, %add3A_233 : vector<16xi32>
        %select_n3A_235 = arith.select %lt3A_231, %add3A_234, %xor3A_11 : vector<16xi1>, vector<16xi32>
        %broadcast_in_dim3A_236 = vector.shape_cast %select_n3A_235 : vector<16xi32> to vector<16x1xi32>
        %gather3A_237 = vector.shape_cast %broadcast_in_dim3A_236 : vector<16x1xi32> to vector<16xi32>
        %gather3A_238 = tpu.dynamic_gather %add3A_195[%gather3A_237] in [0] : vector<16xf32>, vector<16xi32> -> vector<16xf32>
        %add3A_239 = arith.addf %add3A_195, %gather3A_238 : vector<16xf32>
        %lt3A_240 = arith.constant 0 : i32
        %lt3A_241 = vector.broadcast %lt3A_240 : i32 to vector<16xi32>
        %lt3A_242 = arith.cmpi slt, %xor3A_11, %lt3A_241 : vector<16xi32>
        %add3A_243 = arith.constant 16 : i32
        %add3A_244 = vector.broadcast %add3A_243 : i32 to vector<16xi32>
        %add3A_245 = arith.addi %xor3A_11, %add3A_244 : vector<16xi32>
        %select_n3A_246 = arith.select %lt3A_242, %add3A_245, %xor3A_11 : vector<16xi1>, vector<16xi32>
        %broadcast_in_dim3A_247 = vector.shape_cast %select_n3A_246 : vector<16xi32> to vector<16x1xi32>
        %gather3A_248 = vector.shape_cast %broadcast_in_dim3A_247 : vector<16x1xi32> to vector<16xi32>
        %gather3A_249 = tpu.dynamic_gather %add3A_206[%gather3A_248] in [0] : vector<16xf32>, vector<16xi32> -> vector<16xf32>
        %add3A_250 = arith.addf %add3A_206, %gather3A_249 : vector<16xf32>
        %lt3A_251 = arith.constant 0 : i32
        %lt3A_252 = vector.broadcast %lt3A_251 : i32 to vector<16xi32>
        %lt3A_253 = arith.cmpi slt, %xor3A_11, %lt3A_252 : vector<16xi32>
        %add3A_254 = arith.constant 16 : i32
        %add3A_255 = vector.broadcast %add3A_254 : i32 to vector<16xi32>
        %add3A_256 = arith.addi %xor3A_11, %add3A_255 : vector<16xi32>
        %select_n3A_257 = arith.select %lt3A_253, %add3A_256, %xor3A_11 : vector<16xi1>, vector<16xi32>
        %broadcast_in_dim3A_258 = vector.shape_cast %select_n3A_257 : vector<16xi32> to vector<16x1xi32>
        %gather3A_259 = vector.shape_cast %broadcast_in_dim3A_258 : vector<16x1xi32> to vector<16xi32>
        %gather3A_260 = tpu.dynamic_gather %add3A_217[%gather3A_259] in [0] : vector<16xf32>, vector<16xi32> -> vector<16xf32>
        %add3A_261 = arith.addf %add3A_217, %gather3A_260 : vector<16xf32>
        %lt3A_262 = arith.constant 0 : i32
        %lt3A_263 = vector.broadcast %lt3A_262 : i32 to vector<16xi32>
        %lt3A_264 = arith.cmpi slt, %xor3A_11, %lt3A_263 : vector<16xi32>
        %add3A_265 = arith.constant 16 : i32
        %add3A_266 = vector.broadcast %add3A_265 : i32 to vector<16xi32>
        %add3A_267 = arith.addi %xor3A_11, %add3A_266 : vector<16xi32>
        %select_n3A_268 = arith.select %lt3A_264, %add3A_267, %xor3A_11 : vector<16xi1>, vector<16xi32>
        %broadcast_in_dim3A_269 = vector.shape_cast %select_n3A_268 : vector<16xi32> to vector<16x1xi32>
        %gather3A_270 = vector.shape_cast %broadcast_in_dim3A_269 : vector<16x1xi32> to vector<16xi32>
        %gather3A_271 = tpu.dynamic_gather %add3A_228[%gather3A_270] in [0] : vector<16xf32>, vector<16xi32> -> vector<16xf32>
        %add3A_272 = arith.addf %add3A_228, %gather3A_271 : vector<16xf32>
        %lt3A_273 = arith.constant 0 : i32
        %lt3A_274 = vector.broadcast %lt3A_273 : i32 to vector<16xi32>
        %lt3A_275 = arith.cmpi slt, %xor3A_14, %lt3A_274 : vector<16xi32>
        %add3A_276 = arith.constant 16 : i32
        %add3A_277 = vector.broadcast %add3A_276 : i32 to vector<16xi32>
        %add3A_278 = arith.addi %xor3A_14, %add3A_277 : vector<16xi32>
        %select_n3A_279 = arith.select %lt3A_275, %add3A_278, %xor3A_14 : vector<16xi1>, vector<16xi32>
        %broadcast_in_dim3A_280 = vector.shape_cast %select_n3A_279 : vector<16xi32> to vector<16x1xi32>
        %gather3A_281 = vector.shape_cast %broadcast_in_dim3A_280 : vector<16x1xi32> to vector<16xi32>
        %gather3A_282 = tpu.dynamic_gather %add3A_239[%gather3A_281] in [0] : vector<16xf32>, vector<16xi32> -> vector<16xf32>
        %add3A_283 = arith.addf %add3A_239, %gather3A_282 : vector<16xf32>
        %lt3A_284 = arith.constant 0 : i32
        %lt3A_285 = vector.broadcast %lt3A_284 : i32 to vector<16xi32>
        %lt3A_286 = arith.cmpi slt, %xor3A_14, %lt3A_285 : vector<16xi32>
        %add3A_287 = arith.constant 16 : i32
        %add3A_288 = vector.broadcast %add3A_287 : i32 to vector<16xi32>
        %add3A_289 = arith.addi %xor3A_14, %add3A_288 : vector<16xi32>
        %select_n3A_290 = arith.select %lt3A_286, %add3A_289, %xor3A_14 : vector<16xi1>, vector<16xi32>
        %broadcast_in_dim3A_291 = vector.shape_cast %select_n3A_290 : vector<16xi32> to vector<16x1xi32>
        %gather3A_292 = vector.shape_cast %broadcast_in_dim3A_291 : vector<16x1xi32> to vector<16xi32>
        %gather3A_293 = tpu.dynamic_gather %add3A_250[%gather3A_292] in [0] : vector<16xf32>, vector<16xi32> -> vector<16xf32>
        %add3A_294 = arith.addf %add3A_250, %gather3A_293 : vector<16xf32>
        %lt3A_295 = arith.constant 0 : i32
        %lt3A_296 = vector.broadcast %lt3A_295 : i32 to vector<16xi32>
        %lt3A_297 = arith.cmpi slt, %xor3A_14, %lt3A_296 : vector<16xi32>
        %add3A_298 = arith.constant 16 : i32
        %add3A_299 = vector.broadcast %add3A_298 : i32 to vector<16xi32>
        %add3A_300 = arith.addi %xor3A_14, %add3A_299 : vector<16xi32>
        %select_n3A_301 = arith.select %lt3A_297, %add3A_300, %xor3A_14 : vector<16xi1>, vector<16xi32>
        %broadcast_in_dim3A_302 = vector.shape_cast %select_n3A_301 : vector<16xi32> to vector<16x1xi32>
        %gather3A_303 = vector.shape_cast %broadcast_in_dim3A_302 : vector<16x1xi32> to vector<16xi32>
        %gather3A_304 = tpu.dynamic_gather %add3A_261[%gather3A_303] in [0] : vector<16xf32>, vector<16xi32> -> vector<16xf32>
        %add3A_305 = arith.addf %add3A_261, %gather3A_304 : vector<16xf32>
        %lt3A_306 = arith.constant 0 : i32
        %lt3A_307 = vector.broadcast %lt3A_306 : i32 to vector<16xi32>
        %lt3A_308 = arith.cmpi slt, %xor3A_14, %lt3A_307 : vector<16xi32>
        %add3A_309 = arith.constant 16 : i32
        %add3A_310 = vector.broadcast %add3A_309 : i32 to vector<16xi32>
        %add3A_311 = arith.addi %xor3A_14, %add3A_310 : vector<16xi32>
        %select_n3A_312 = arith.select %lt3A_308, %add3A_311, %xor3A_14 : vector<16xi1>, vector<16xi32>
        %broadcast_in_dim3A_313 = vector.shape_cast %select_n3A_312 : vector<16xi32> to vector<16x1xi32>
        %gather3A_314 = vector.shape_cast %broadcast_in_dim3A_313 : vector<16x1xi32> to vector<16xi32>
        %gather3A_315 = tpu.dynamic_gather %add3A_272[%gather3A_314] in [0] : vector<16xf32>, vector<16xi32> -> vector<16xf32>
        %add3A_316 = arith.addf %add3A_272, %gather3A_315 : vector<16xf32>
        %lt3A_317 = arith.constant 0 : i32
        %lt3A_318 = vector.broadcast %lt3A_317 : i32 to vector<16xi32>
        %lt3A_319 = arith.cmpi slt, %xor3A_17, %lt3A_318 : vector<16xi32>
        %add3A_320 = arith.constant 16 : i32
        %add3A_321 = vector.broadcast %add3A_320 : i32 to vector<16xi32>
        %add3A_322 = arith.addi %xor3A_17, %add3A_321 : vector<16xi32>
        %select_n3A_323 = arith.select %lt3A_319, %add3A_322, %xor3A_17 : vector<16xi1>, vector<16xi32>
        %broadcast_in_dim3A_324 = vector.shape_cast %select_n3A_323 : vector<16xi32> to vector<16x1xi32>
        %gather3A_325 = vector.shape_cast %broadcast_in_dim3A_324 : vector<16x1xi32> to vector<16xi32>
        %gather3A_326 = tpu.dynamic_gather %add3A_283[%gather3A_325] in [0] : vector<16xf32>, vector<16xi32> -> vector<16xf32>
        %add3A_327 = arith.addf %add3A_283, %gather3A_326 : vector<16xf32>
        %lt3A_328 = arith.constant 0 : i32
        %lt3A_329 = vector.broadcast %lt3A_328 : i32 to vector<16xi32>
        %lt3A_330 = arith.cmpi slt, %xor3A_17, %lt3A_329 : vector<16xi32>
        %add3A_331 = arith.constant 16 : i32
        %add3A_332 = vector.broadcast %add3A_331 : i32 to vector<16xi32>
        %add3A_333 = arith.addi %xor3A_17, %add3A_332 : vector<16xi32>
        %select_n3A_334 = arith.select %lt3A_330, %add3A_333, %xor3A_17 : vector<16xi1>, vector<16xi32>
        %broadcast_in_dim3A_335 = vector.shape_cast %select_n3A_334 : vector<16xi32> to vector<16x1xi32>
        %gather3A_336 = vector.shape_cast %broadcast_in_dim3A_335 : vector<16x1xi32> to vector<16xi32>
        %gather3A_337 = tpu.dynamic_gather %add3A_294[%gather3A_336] in [0] : vector<16xf32>, vector<16xi32> -> vector<16xf32>
        %add3A_338 = arith.addf %add3A_294, %gather3A_337 : vector<16xf32>
        %lt3A_339 = arith.constant 0 : i32
        %lt3A_340 = vector.broadcast %lt3A_339 : i32 to vector<16xi32>
        %lt3A_341 = arith.cmpi slt, %xor3A_17, %lt3A_340 : vector<16xi32>
        %add3A_342 = arith.constant 16 : i32
        %add3A_343 = vector.broadcast %add3A_342 : i32 to vector<16xi32>
        %add3A_344 = arith.addi %xor3A_17, %add3A_343 : vector<16xi32>
        %select_n3A_345 = arith.select %lt3A_341, %add3A_344, %xor3A_17 : vector<16xi1>, vector<16xi32>
        %broadcast_in_dim3A_346 = vector.shape_cast %select_n3A_345 : vector<16xi32> to vector<16x1xi32>
        %gather3A_347 = vector.shape_cast %broadcast_in_dim3A_346 : vector<16x1xi32> to vector<16xi32>
        %gather3A_348 = tpu.dynamic_gather %add3A_305[%gather3A_347] in [0] : vector<16xf32>, vector<16xi32> -> vector<16xf32>
        %add3A_349 = arith.addf %add3A_305, %gather3A_348 : vector<16xf32>
        %lt3A_350 = arith.constant 0 : i32
        %lt3A_351 = vector.broadcast %lt3A_350 : i32 to vector<16xi32>
        %lt3A_352 = arith.cmpi slt, %xor3A_17, %lt3A_351 : vector<16xi32>
        %add3A_353 = arith.constant 16 : i32
        %add3A_354 = vector.broadcast %add3A_353 : i32 to vector<16xi32>
        %add3A_355 = arith.addi %xor3A_17, %add3A_354 : vector<16xi32>
        %select_n3A_356 = arith.select %lt3A_352, %add3A_355, %xor3A_17 : vector<16xi1>, vector<16xi32>
        %broadcast_in_dim3A_357 = vector.shape_cast %select_n3A_356 : vector<16xi32> to vector<16x1xi32>
        %gather3A_358 = vector.shape_cast %broadcast_in_dim3A_357 : vector<16x1xi32> to vector<16xi32>
        %gather3A_359 = tpu.dynamic_gather %add3A_316[%gather3A_358] in [0] : vector<16xf32>, vector<16xi32> -> vector<16xf32>
        %add3A_360 = arith.addf %add3A_316, %gather3A_359 : vector<16xf32>
        %exp3A = math.exp %add3A_327 : vector<16xf32>
        %exp3A_361 = math.exp %add3A_338 : vector<16xf32>
        %exp3A_362 = math.exp %add3A_349 : vector<16xf32>
        %exp3A_363 = math.exp %add3A_360 : vector<16xf32>
        %broadcast_in_dim3A_364 = arith.constant 0.000000e+00 : f32
        %broadcast_in_dim3A_365 = vector.broadcast %broadcast_in_dim3A_364 : f32 to vector<16xf32>
        %eq3A = arith.constant 0 : i32
        %eq3A_366 = vector.broadcast %eq3A : i32 to vector<16xi32>
        %eq3A_367 = arith.cmpi eq, %iota3A, %eq3A_366 : vector<16xi32>
        %select_n3A_368 = arith.select %eq3A_367, %exp3A, %broadcast_in_dim3A_365 : vector<16xi1>, vector<16xf32>
        %get3A_369 = arith.index_cast %scan3A_93 : i32 to index
        %get3A_370 = arith.constant 64 : index
        %get3A_371 = tpu.vector_load %arg13[%get3A_369, %get3A_370] {strides = array<i32>} : memref<40x192xf32, #tpu.memory_space<vmem>>, vector<1x16xf32>,
        %get3A_372 = vector.shape_cast %get3A_371 : vector<1x16xf32> to vector<16xf32>
        %get3A_373 = arith.index_cast %scan3A_93 : i32 to index
        %get3A_374 = arith.constant 80 : index
        %get3A_375 = tpu.vector_load %arg13[%get3A_373, %get3A_374] {strides = array<i32>} : memref<40x192xf32, #tpu.memory_space<vmem>>, vector<1x16xf32>,
        %get3A_376 = vector.shape_cast %get3A_375 : vector<1x16xf32> to vector<16xf32>
        %mul3A_377 = arith.mulf %exp3A, %get3A_372 : vector<16xf32>
        %swap3A_378 = arith.index_cast %scan3A_93 : i32 to index
        %swap3A_379 = arith.constant 0 : index
        %swap3A_380 = tpu.vector_load %arg22[%swap3A_378, %swap3A_379] {strides = array<i32>} : memref<40x144xf32, #tpu.memory_space<vmem>>, vector<1x16xf32>,
        %swap3A_381 = vector.shape_cast %swap3A_380 : vector<1x16xf32> to vector<16xf32>
        %swap3A_382 = vector.shape_cast %mul3A_377 : vector<16xf32> to vector<1x16xf32>
        tpu.vector_store %arg22[%swap3A_378, %swap3A_379], %swap3A_382 {strides = array<i32>} : memref<40x144xf32, #tpu.memory_space<vmem>>, vector<1x16xf32>,
        %mul3A_383 = arith.mulf %exp3A, %get3A_376 : vector<16xf32>
        %swap3A_384 = arith.index_cast %scan3A_93 : i32 to index
        %swap3A_385 = arith.constant 16 : index
        %swap3A_386 = tpu.vector_load %arg22[%swap3A_384, %swap3A_385] {strides = array<i32>} : memref<40x144xf32, #tpu.memory_space<vmem>>, vector<1x16xf32>,
        %swap3A_387 = vector.shape_cast %swap3A_386 : vector<1x16xf32> to vector<16xf32>
        %swap3A_388 = vector.shape_cast %mul3A_383 : vector<16xf32> to vector<1x16xf32>
        tpu.vector_store %arg22[%swap3A_384, %swap3A_385], %swap3A_388 {strides = array<i32>} : memref<40x144xf32, #tpu.memory_space<vmem>>, vector<1x16xf32>,
        %eq3A_389 = arith.constant 1 : i32
        %eq3A_390 = vector.broadcast %eq3A_389 : i32 to vector<16xi32>
        %eq3A_391 = arith.cmpi eq, %iota3A, %eq3A_390 : vector<16xi32>
        %select_n3A_392 = arith.select %eq3A_391, %exp3A_361, %select_n3A_368 : vector<16xi1>, vector<16xf32>
        %get3A_393 = arith.index_cast %scan3A_93 : i32 to index
        %get3A_394 = arith.constant 96 : index
        %get3A_395 = tpu.vector_load %arg13[%get3A_393, %get3A_394] {strides = array<i32>} : memref<40x192xf32, #tpu.memory_space<vmem>>, vector<1x16xf32>,
        %get3A_396 = vector.shape_cast %get3A_395 : vector<1x16xf32> to vector<16xf32>
        %get3A_397 = arith.index_cast %scan3A_93 : i32 to index
        %get3A_398 = arith.constant 112 : index
        %get3A_399 = tpu.vector_load %arg13[%get3A_397, %get3A_398] {strides = array<i32>} : memref<40x192xf32, #tpu.memory_space<vmem>>, vector<1x16xf32>,
        %get3A_400 = vector.shape_cast %get3A_399 : vector<1x16xf32> to vector<16xf32>
        %mul3A_401 = arith.mulf %exp3A_361, %get3A_396 : vector<16xf32>
        %swap3A_402 = arith.index_cast %scan3A_93 : i32 to index
        %swap3A_403 = arith.constant 32 : index
        %swap3A_404 = tpu.vector_load %arg22[%swap3A_402, %swap3A_403] {strides = array<i32>} : memref<40x144xf32, #tpu.memory_space<vmem>>, vector<1x16xf32>,
        %swap3A_405 = vector.shape_cast %swap3A_404 : vector<1x16xf32> to vector<16xf32>
        %swap3A_406 = vector.shape_cast %mul3A_401 : vector<16xf32> to vector<1x16xf32>
        tpu.vector_store %arg22[%swap3A_402, %swap3A_403], %swap3A_406 {strides = array<i32>} : memref<40x144xf32, #tpu.memory_space<vmem>>, vector<1x16xf32>,
        %mul3A_407 = arith.mulf %exp3A_361, %get3A_400 : vector<16xf32>
        %swap3A_408 = arith.index_cast %scan3A_93 : i32 to index
        %swap3A_409 = arith.constant 48 : index
        %swap3A_410 = tpu.vector_load %arg22[%swap3A_408, %swap3A_409] {strides = array<i32>} : memref<40x144xf32, #tpu.memory_space<vmem>>, vector<1x16xf32>,
        %swap3A_411 = vector.shape_cast %swap3A_410 : vector<1x16xf32> to vector<16xf32>
        %swap3A_412 = vector.shape_cast %mul3A_407 : vector<16xf32> to vector<1x16xf32>
        tpu.vector_store %arg22[%swap3A_408, %swap3A_409], %swap3A_412 {strides = array<i32>} : memref<40x144xf32, #tpu.memory_space<vmem>>, vector<1x16xf32>,
        %eq3A_413 = arith.constant 2 : i32
        %eq3A_414 = vector.broadcast %eq3A_413 : i32 to vector<16xi32>
        %eq3A_415 = arith.cmpi eq, %iota3A, %eq3A_414 : vector<16xi32>
        %select_n3A_416 = arith.select %eq3A_415, %exp3A_362, %select_n3A_392 : vector<16xi1>, vector<16xf32>
        %get3A_417 = arith.index_cast %scan3A_93 : i32 to index
        %get3A_418 = arith.constant 128 : index
        %get3A_419 = tpu.vector_load %arg13[%get3A_417, %get3A_418] {strides = array<i32>} : memref<40x192xf32, #tpu.memory_space<vmem>>, vector<1x16xf32>,
        %get3A_420 = vector.shape_cast %get3A_419 : vector<1x16xf32> to vector<16xf32>
        %get3A_421 = arith.index_cast %scan3A_93 : i32 to index
        %get3A_422 = arith.constant 144 : index
        %get3A_423 = tpu.vector_load %arg13[%get3A_421, %get3A_422] {strides = array<i32>} : memref<40x192xf32, #tpu.memory_space<vmem>>, vector<1x16xf32>,
        %get3A_424 = vector.shape_cast %get3A_423 : vector<1x16xf32> to vector<16xf32>
        %mul3A_425 = arith.mulf %exp3A_362, %get3A_420 : vector<16xf32>
        %swap3A_426 = arith.index_cast %scan3A_93 : i32 to index
        %swap3A_427 = arith.constant 64 : index
        %swap3A_428 = tpu.vector_load %arg22[%swap3A_426, %swap3A_427] {strides = array<i32>} : memref<40x144xf32, #tpu.memory_space<vmem>>, vector<1x16xf32>,
        %swap3A_429 = vector.shape_cast %swap3A_428 : vector<1x16xf32> to vector<16xf32>
        %swap3A_430 = vector.shape_cast %mul3A_425 : vector<16xf32> to vector<1x16xf32>
        tpu.vector_store %arg22[%swap3A_426, %swap3A_427], %swap3A_430 {strides = array<i32>} : memref<40x144xf32, #tpu.memory_space<vmem>>, vector<1x16xf32>,
        %mul3A_431 = arith.mulf %exp3A_362, %get3A_424 : vector<16xf32>
        %swap3A_432 = arith.index_cast %scan3A_93 : i32 to index
        %swap3A_433 = arith.constant 80 : index
        %swap3A_434 = tpu.vector_load %arg22[%swap3A_432, %swap3A_433] {strides = array<i32>} : memref<40x144xf32, #tpu.memory_space<vmem>>, vector<1x16xf32>,
        %swap3A_435 = vector.shape_cast %swap3A_434 : vector<1x16xf32> to vector<16xf32>
        %swap3A_436 = vector.shape_cast %mul3A_431 : vector<16xf32> to vector<1x16xf32>
        tpu.vector_store %arg22[%swap3A_432, %swap3A_433], %swap3A_436 {strides = array<i32>} : memref<40x144xf32, #tpu.memory_space<vmem>>, vector<1x16xf32>,
        %eq3A_437 = arith.constant 3 : i32
        %eq3A_438 = vector.broadcast %eq3A_437 : i32 to vector<16xi32>
        %eq3A_439 = arith.cmpi eq, %iota3A, %eq3A_438 : vector<16xi32>
        %select_n3A_440 = arith.select %eq3A_439, %exp3A_363, %select_n3A_416 : vector<16xi1>, vector<16xf32>
        %get3A_441 = arith.index_cast %scan3A_93 : i32 to index
        %get3A_442 = arith.constant 160 : index
        %get3A_443 = tpu.vector_load %arg13[%get3A_441, %get3A_442] {strides = array<i32>} : memref<40x192xf32, #tpu.memory_space<vmem>>, vector<1x16xf32>,
        %get3A_444 = vector.shape_cast %get3A_443 : vector<1x16xf32> to vector<16xf32>
        %get3A_445 = arith.index_cast %scan3A_93 : i32 to index
        %get3A_446 = arith.constant 176 : index
        %get3A_447 = tpu.vector_load %arg13[%get3A_445, %get3A_446] {strides = array<i32>} : memref<40x192xf32, #tpu.memory_space<vmem>>, vector<1x16xf32>,
        %get3A_448 = vector.shape_cast %get3A_447 : vector<1x16xf32> to vector<16xf32>
        %mul3A_449 = arith.mulf %exp3A_363, %get3A_444 : vector<16xf32>
        %swap3A_450 = arith.index_cast %scan3A_93 : i32 to index
        %swap3A_451 = arith.constant 96 : index
        %swap3A_452 = tpu.vector_load %arg22[%swap3A_450, %swap3A_451] {strides = array<i32>} : memref<40x144xf32, #tpu.memory_space<vmem>>, vector<1x16xf32>,
        %swap3A_453 = vector.shape_cast %swap3A_452 : vector<1x16xf32> to vector<16xf32>
        %swap3A_454 = vector.shape_cast %mul3A_449 : vector<16xf32> to vector<1x16xf32>
        tpu.vector_store %arg22[%swap3A_450, %swap3A_451], %swap3A_454 {strides = array<i32>} : memref<40x144xf32, #tpu.memory_space<vmem>>, vector<1x16xf32>,
        %mul3A_455 = arith.mulf %exp3A_363, %get3A_448 : vector<16xf32>
        %swap3A_456 = arith.index_cast %scan3A_93 : i32 to index
        %swap3A_457 = arith.constant 112 : index
        %swap3A_458 = tpu.vector_load %arg22[%swap3A_456, %swap3A_457] {strides = array<i32>} : memref<40x144xf32, #tpu.memory_space<vmem>>, vector<1x16xf32>,
        %swap3A_459 = vector.shape_cast %swap3A_458 : vector<1x16xf32> to vector<16xf32>
        %swap3A_460 = vector.shape_cast %mul3A_455 : vector<16xf32> to vector<1x16xf32>
        tpu.vector_store %arg22[%swap3A_456, %swap3A_457], %swap3A_460 {strides = array<i32>} : memref<40x144xf32, #tpu.memory_space<vmem>>, vector<1x16xf32>,
        %swap3A_461 = arith.index_cast %scan3A_93 : i32 to index
        %swap3A_462 = arith.constant 128 : index
        %swap3A_463 = tpu.vector_load %arg22[%swap3A_461, %swap3A_462] {strides = array<i32>} : memref<40x144xf32, #tpu.memory_space<vmem>>, vector<1x16xf32>,
        %swap3A_464 = vector.shape_cast %swap3A_463 : vector<1x16xf32> to vector<16xf32>
        %swap3A_465 = vector.shape_cast %select_n3A_440 : vector<16xf32> to vector<1x16xf32>
        tpu.vector_store %arg22[%swap3A_461, %swap3A_462], %swap3A_465 {strides = array<i32>} : memref<40x144xf32, #tpu.memory_space<vmem>>, vector<1x16xf32>,
        %scan3A_466 = arith.constant 1 : i32
        %scan3A_467 = arith.addi %scan3A_93, %scan3A_466 : i32
        %get3A_468 = arith.index_cast %scan3A_467 : i32 to index
        %get3A_469 = arith.constant 0 : index
        %get3A_470 = tpu.vector_load %arg13[%get3A_468, %get3A_469] {strides = array<i32>} : memref<40x192xf32, #tpu.memory_space<vmem>>, vector<1x16xf32>,
        %get3A_471 = vector.shape_cast %get3A_470 : vector<1x16xf32> to vector<16xf32>
        %get3A_472 = arith.index_cast %scan3A_467 : i32 to index
        %get3A_473 = arith.constant 0 : index
        %get3A_474 = tpu.vector_load %arg14[%get3A_472, %get3A_473] {strides = array<i32>} : memref<40x64xf32, #tpu.memory_space<vmem>>, vector<1x16xf32>,
        %get3A_475 = vector.shape_cast %get3A_474 : vector<1x16xf32> to vector<16xf32>
        %add3A_476 = arith.addf %get3A_471, %get3A_475 : vector<16xf32>
        %get3A_477 = arith.index_cast %scan3A_467 : i32 to index
        %get3A_478 = arith.constant 0 : index
        %get3A_479 = tpu.vector_load %arg15[%get3A_477, %get3A_478] {strides = array<i32>} : memref<40x64xf32, #tpu.memory_space<vmem>>, vector<1x16xf32>,
        %get3A_480 = vector.shape_cast %get3A_479 : vector<1x16xf32> to vector<16xf32>
        %add3A_481 = arith.addf %add3A_476, %get3A_480 : vector<16xf32>
        %mul3A_482 = arith.constant 0.00999999977 : f32
        %mul3A_483 = vector.broadcast %mul3A_482 : f32 to vector<16xf32>
        %mul3A_484 = arith.mulf %add3A_481, %mul3A_483 : vector<16xf32>
        %max3A_485 = arith.maximumf %add3A_481, %mul3A_484 : vector<16xf32>
        %get3A_486 = arith.index_cast %scan3A_467 : i32 to index
        %get3A_487 = arith.constant 16 : index
        %get3A_488 = tpu.vector_load %arg13[%get3A_486, %get3A_487] {strides = array<i32>} : memref<40x192xf32, #tpu.memory_space<vmem>>, vector<1x16xf32>,
        %get3A_489 = vector.shape_cast %get3A_488 : vector<1x16xf32> to vector<16xf32>
        %get3A_490 = arith.index_cast %scan3A_467 : i32 to index
        %get3A_491 = arith.constant 16 : index
        %get3A_492 = tpu.vector_load %arg14[%get3A_490, %get3A_491] {strides = array<i32>} : memref<40x64xf32, #tpu.memory_space<vmem>>, vector<1x16xf32>,
        %get3A_493 = vector.shape_cast %get3A_492 : vector<1x16xf32> to vector<16xf32>
        %add3A_494 = arith.addf %get3A_489, %get3A_493 : vector<16xf32>
        %get3A_495 = arith.index_cast %scan3A_467 : i32 to index
        %get3A_496 = arith.constant 16 : index
        %get3A_497 = tpu.vector_load %arg15[%get3A_495, %get3A_496] {strides = array<i32>} : memref<40x64xf32, #tpu.memory_space<vmem>>, vector<1x16xf32>,
        %get3A_498 = vector.shape_cast %get3A_497 : vector<1x16xf32> to vector<16xf32>
        %add3A_499 = arith.addf %add3A_494, %get3A_498 : vector<16xf32>
        %mul3A_500 = arith.constant 0.00999999977 : f32
        %mul3A_501 = vector.broadcast %mul3A_500 : f32 to vector<16xf32>
        %mul3A_502 = arith.mulf %add3A_499, %mul3A_501 : vector<16xf32>
        %max3A_503 = arith.maximumf %add3A_499, %mul3A_502 : vector<16xf32>
        %get3A_504 = arith.index_cast %scan3A_467 : i32 to index
        %get3A_505 = arith.constant 32 : index
        %get3A_506 = tpu.vector_load %arg13[%get3A_504, %get3A_505] {strides = array<i32>} : memref<40x192xf32, #tpu.memory_space<vmem>>, vector<1x16xf32>,
        %get3A_507 = vector.shape_cast %get3A_506 : vector<1x16xf32> to vector<16xf32>
        %get3A_508 = arith.index_cast %scan3A_467 : i32 to index
        %get3A_509 = arith.constant 32 : index
        %get3A_510 = tpu.vector_load %arg14[%get3A_508, %get3A_509] {strides = array<i32>} : memref<40x64xf32, #tpu.memory_space<vmem>>, vector<1x16xf32>,
        %get3A_511 = vector.shape_cast %get3A_510 : vector<1x16xf32> to vector<16xf32>
        %add3A_512 = arith.addf %get3A_507, %get3A_511 : vector<16xf32>
        %get3A_513 = arith.index_cast %scan3A_467 : i32 to index
        %get3A_514 = arith.constant 32 : index
        %get3A_515 = tpu.vector_load %arg15[%get3A_513, %get3A_514] {strides = array<i32>} : memref<40x64xf32, #tpu.memory_space<vmem>>, vector<1x16xf32>,
        %get3A_516 = vector.shape_cast %get3A_515 : vector<1x16xf32> to vector<16xf32>
        %add3A_517 = arith.addf %add3A_512, %get3A_516 : vector<16xf32>
        %mul3A_518 = arith.constant 0.00999999977 : f32
        %mul3A_519 = vector.broadcast %mul3A_518 : f32 to vector<16xf32>
        %mul3A_520 = arith.mulf %add3A_517, %mul3A_519 : vector<16xf32>
        %max3A_521 = arith.maximumf %add3A_517, %mul3A_520 : vector<16xf32>
        %get3A_522 = arith.index_cast %scan3A_467 : i32 to index
        %get3A_523 = arith.constant 48 : index
        %get3A_524 = tpu.vector_load %arg13[%get3A_522, %get3A_523] {strides = array<i32>} : memref<40x192xf32, #tpu.memory_space<vmem>>, vector<1x16xf32>,
        %get3A_525 = vector.shape_cast %get3A_524 : vector<1x16xf32> to vector<16xf32>
        %get3A_526 = arith.index_cast %scan3A_467 : i32 to index
        %get3A_527 = arith.constant 48 : index
        %get3A_528 = tpu.vector_load %arg14[%get3A_526, %get3A_527] {strides = array<i32>} : memref<40x64xf32, #tpu.memory_space<vmem>>, vector<1x16xf32>,
        %get3A_529 = vector.shape_cast %get3A_528 : vector<1x16xf32> to vector<16xf32>
        %add3A_530 = arith.addf %get3A_525, %get3A_529 : vector<16xf32>
        %get3A_531 = arith.index_cast %scan3A_467 : i32 to index
        %get3A_532 = arith.constant 48 : index
        %get3A_533 = tpu.vector_load %arg15[%get3A_531, %get3A_532] {strides = array<i32>} : memref<40x64xf32, #tpu.memory_space<vmem>>, vector<1x16xf32>,
        %get3A_534 = vector.shape_cast %get3A_533 : vector<1x16xf32> to vector<16xf32>
        %add3A_535 = arith.addf %add3A_530, %get3A_534 : vector<16xf32>
        %mul3A_536 = arith.constant 0.00999999977 : f32
        %mul3A_537 = vector.broadcast %mul3A_536 : f32 to vector<16xf32>
        %mul3A_538 = arith.mulf %add3A_535, %mul3A_537 : vector<16xf32>
        %max3A_539 = arith.maximumf %add3A_535, %mul3A_538 : vector<16xf32>
        %swap3A_540 = arith.index_cast %scan3A_467 : i32 to index
        %swap3A_541 = arith.constant 0 : index
        %swap3A_542 = tpu.vector_load %arg21[%swap3A_540, %swap3A_541] {strides = array<i32>} : memref<40x64xf32, #tpu.memory_space<vmem>>, vector<1x16xf32>,
        %swap3A_543 = vector.shape_cast %swap3A_542 : vector<1x16xf32> to vector<16xf32>
        %swap3A_544 = vector.shape_cast %max3A_485 : vector<16xf32> to vector<1x16xf32>
        tpu.vector_store %arg21[%swap3A_540, %swap3A_541], %swap3A_544 {strides = array<i32>} : memref<40x64xf32, #tpu.memory_space<vmem>>, vector<1x16xf32>,
        %swap3A_545 = arith.index_cast %scan3A_467 : i32 to index
        %swap3A_546 = arith.constant 16 : index
        %swap3A_547 = tpu.vector_load %arg21[%swap3A_545, %swap3A_546] {strides = array<i32>} : memref<40x64xf32, #tpu.memory_space<vmem>>, vector<1x16xf32>,
        %swap3A_548 = vector.shape_cast %swap3A_547 : vector<1x16xf32> to vector<16xf32>
        %swap3A_549 = vector.shape_cast %max3A_503 : vector<16xf32> to vector<1x16xf32>
        tpu.vector_store %arg21[%swap3A_545, %swap3A_546], %swap3A_549 {strides = array<i32>} : memref<40x64xf32, #tpu.memory_space<vmem>>, vector<1x16xf32>,
        %swap3A_550 = arith.index_cast %scan3A_467 : i32 to index
        %swap3A_551 = arith.constant 32 : index
        %swap3A_552 = tpu.vector_load %arg21[%swap3A_550, %swap3A_551] {strides = array<i32>} : memref<40x64xf32, #tpu.memory_space<vmem>>, vector<1x16xf32>,
        %swap3A_553 = vector.shape_cast %swap3A_552 : vector<1x16xf32> to vector<16xf32>
        %swap3A_554 = vector.shape_cast %max3A_521 : vector<16xf32> to vector<1x16xf32>
        tpu.vector_store %arg21[%swap3A_550, %swap3A_551], %swap3A_554 {strides = array<i32>} : memref<40x64xf32, #tpu.memory_space<vmem>>, vector<1x16xf32>,
        %swap3A_555 = arith.index_cast %scan3A_467 : i32 to index
        %swap3A_556 = arith.constant 48 : index
        %swap3A_557 = tpu.vector_load %arg21[%swap3A_555, %swap3A_556] {strides = array<i32>} : memref<40x64xf32, #tpu.memory_space<vmem>>, vector<1x16xf32>,
        %swap3A_558 = vector.shape_cast %swap3A_557 : vector<1x16xf32> to vector<16xf32>
        %swap3A_559 = vector.shape_cast %max3A_539 : vector<16xf32> to vector<1x16xf32>
        tpu.vector_store %arg21[%swap3A_555, %swap3A_556], %swap3A_559 {strides = array<i32>} : memref<40x64xf32, #tpu.memory_space<vmem>>, vector<1x16xf32>,
        %mul3A_560 = arith.mulf %max3A_485, %get3A_6 : vector<16xf32>
        %mul3A_561 = arith.mulf %max3A_503, %get3A_6 : vector<16xf32>
        %mul3A_562 = arith.mulf %max3A_521, %get3A_6 : vector<16xf32>
        %mul3A_563 = arith.mulf %max3A_539, %get3A_6 : vector<16xf32>
        %lt3A_564 = arith.constant 0 : i32
        %lt3A_565 = vector.broadcast %lt3A_564 : i32 to vector<16xi32>
        %lt3A_566 = arith.cmpi slt, %xor3A_8, %lt3A_565 : vector<16xi32>
        %add3A_567 = arith.constant 16 : i32
        %add3A_568 = vector.broadcast %add3A_567 : i32 to vector<16xi32>
        %add3A_569 = arith.addi %xor3A_8, %add3A_568 : vector<16xi32>
        %select_n3A_570 = arith.select %lt3A_566, %add3A_569, %xor3A_8 : vector<16xi1>, vector<16xi32>
        %broadcast_in_dim3A_571 = vector.shape_cast %select_n3A_570 : vector<16xi32> to vector<16x1xi32>
        %gather3A_572 = vector.shape_cast %broadcast_in_dim3A_571 : vector<16x1xi32> to vector<16xi32>
        %gather3A_573 = tpu.dynamic_gather %mul3A_560[%gather3A_572] in [0] : vector<16xf32>, vector<16xi32> -> vector<16xf32>
        %add3A_574 = arith.addf %mul3A_560, %gather3A_573 : vector<16xf32>
        %lt3A_575 = arith.constant 0 : i32
        %lt3A_576 = vector.broadcast %lt3A_575 : i32 to vector<16xi32>
        %lt3A_577 = arith.cmpi slt, %xor3A_8, %lt3A_576 : vector<16xi32>
        %add3A_578 = arith.constant 16 : i32
        %add3A_579 = vector.broadcast %add3A_578 : i32 to vector<16xi32>
        %add3A_580 = arith.addi %xor3A_8, %add3A_579 : vector<16xi32>
        %select_n3A_581 = arith.select %lt3A_577, %add3A_580, %xor3A_8 : vector<16xi1>, vector<16xi32>
        %broadcast_in_dim3A_582 = vector.shape_cast %select_n3A_581 : vector<16xi32> to vector<16x1xi32>
        %gather3A_583 = vector.shape_cast %broadcast_in_dim3A_582 : vector<16x1xi32> to vector<16xi32>
        %gather3A_584 = tpu.dynamic_gather %mul3A_561[%gather3A_583] in [0] : vector<16xf32>, vector<16xi32> -> vector<16xf32>
        %add3A_585 = arith.addf %mul3A_561, %gather3A_584 : vector<16xf32>
        %lt3A_586 = arith.constant 0 : i32
        %lt3A_587 = vector.broadcast %lt3A_586 : i32 to vector<16xi32>
        %lt3A_588 = arith.cmpi slt, %xor3A_8, %lt3A_587 : vector<16xi32>
        %add3A_589 = arith.constant 16 : i32
        %add3A_590 = vector.broadcast %add3A_589 : i32 to vector<16xi32>
        %add3A_591 = arith.addi %xor3A_8, %add3A_590 : vector<16xi32>
        %select_n3A_592 = arith.select %lt3A_588, %add3A_591, %xor3A_8 : vector<16xi1>, vector<16xi32>
        %broadcast_in_dim3A_593 = vector.shape_cast %select_n3A_592 : vector<16xi32> to vector<16x1xi32>
        %gather3A_594 = vector.shape_cast %broadcast_in_dim3A_593 : vector<16x1xi32> to vector<16xi32>
        %gather3A_595 = tpu.dynamic_gather %mul3A_562[%gather3A_594] in [0] : vector<16xf32>, vector<16xi32> -> vector<16xf32>
        %add3A_596 = arith.addf %mul3A_562, %gather3A_595 : vector<16xf32>
        %lt3A_597 = arith.constant 0 : i32
        %lt3A_598 = vector.broadcast %lt3A_597 : i32 to vector<16xi32>
        %lt3A_599 = arith.cmpi slt, %xor3A_8, %lt3A_598 : vector<16xi32>
        %add3A_600 = arith.constant 16 : i32
        %add3A_601 = vector.broadcast %add3A_600 : i32 to vector<16xi32>
        %add3A_602 = arith.addi %xor3A_8, %add3A_601 : vector<16xi32>
        %select_n3A_603 = arith.select %lt3A_599, %add3A_602, %xor3A_8 : vector<16xi1>, vector<16xi32>
        %broadcast_in_dim3A_604 = vector.shape_cast %select_n3A_603 : vector<16xi32> to vector<16x1xi32>
        %gather3A_605 = vector.shape_cast %broadcast_in_dim3A_604 : vector<16x1xi32> to vector<16xi32>
        %gather3A_606 = tpu.dynamic_gather %mul3A_563[%gather3A_605] in [0] : vector<16xf32>, vector<16xi32> -> vector<16xf32>
        %add3A_607 = arith.addf %mul3A_563, %gather3A_606 : vector<16xf32>
        %lt3A_608 = arith.constant 0 : i32
        %lt3A_609 = vector.broadcast %lt3A_608 : i32 to vector<16xi32>
        %lt3A_610 = arith.cmpi slt, %xor3A_11, %lt3A_609 : vector<16xi32>
        %add3A_611 = arith.constant 16 : i32
        %add3A_612 = vector.broadcast %add3A_611 : i32 to vector<16xi32>
        %add3A_613 = arith.addi %xor3A_11, %add3A_612 : vector<16xi32>
        %select_n3A_614 = arith.select %lt3A_610, %add3A_613, %xor3A_11 : vector<16xi1>, vector<16xi32>
        %broadcast_in_dim3A_615 = vector.shape_cast %select_n3A_614 : vector<16xi32> to vector<16x1xi32>
        %gather3A_616 = vector.shape_cast %broadcast_in_dim3A_615 : vector<16x1xi32> to vector<16xi32>
        %gather3A_617 = tpu.dynamic_gather %add3A_574[%gather3A_616] in [0] : vector<16xf32>, vector<16xi32> -> vector<16xf32>
        %add3A_618 = arith.addf %add3A_574, %gather3A_617 : vector<16xf32>
        %lt3A_619 = arith.constant 0 : i32
        %lt3A_620 = vector.broadcast %lt3A_619 : i32 to vector<16xi32>
        %lt3A_621 = arith.cmpi slt, %xor3A_11, %lt3A_620 : vector<16xi32>
        %add3A_622 = arith.constant 16 : i32
        %add3A_623 = vector.broadcast %add3A_622 : i32 to vector<16xi32>
        %add3A_624 = arith.addi %xor3A_11, %add3A_623 : vector<16xi32>
        %select_n3A_625 = arith.select %lt3A_621, %add3A_624, %xor3A_11 : vector<16xi1>, vector<16xi32>
        %broadcast_in_dim3A_626 = vector.shape_cast %select_n3A_625 : vector<16xi32> to vector<16x1xi32>
        %gather3A_627 = vector.shape_cast %broadcast_in_dim3A_626 : vector<16x1xi32> to vector<16xi32>
        %gather3A_628 = tpu.dynamic_gather %add3A_585[%gather3A_627] in [0] : vector<16xf32>, vector<16xi32> -> vector<16xf32>
        %add3A_629 = arith.addf %add3A_585, %gather3A_628 : vector<16xf32>
        %lt3A_630 = arith.constant 0 : i32
        %lt3A_631 = vector.broadcast %lt3A_630 : i32 to vector<16xi32>
        %lt3A_632 = arith.cmpi slt, %xor3A_11, %lt3A_631 : vector<16xi32>
        %add3A_633 = arith.constant 16 : i32
        %add3A_634 = vector.broadcast %add3A_633 : i32 to vector<16xi32>
        %add3A_635 = arith.addi %xor3A_11, %add3A_634 : vector<16xi32>
        %select_n3A_636 = arith.select %lt3A_632, %add3A_635, %xor3A_11 : vector<16xi1>, vector<16xi32>
        %broadcast_in_dim3A_637 = vector.shape_cast %select_n3A_636 : vector<16xi32> to vector<16x1xi32>
        %gather3A_638 = vector.shape_cast %broadcast_in_dim3A_637 : vector<16x1xi32> to vector<16xi32>
        %gather3A_639 = tpu.dynamic_gather %add3A_596[%gather3A_638] in [0] : vector<16xf32>, vector<16xi32> -> vector<16xf32>
        %add3A_640 = arith.addf %add3A_596, %gather3A_639 : vector<16xf32>
        %lt3A_641 = arith.constant 0 : i32
        %lt3A_642 = vector.broadcast %lt3A_641 : i32 to vector<16xi32>
        %lt3A_643 = arith.cmpi slt, %xor3A_11, %lt3A_642 : vector<16xi32>
        %add3A_644 = arith.constant 16 : i32
        %add3A_645 = vector.broadcast %add3A_644 : i32 to vector<16xi32>
        %add3A_646 = arith.addi %xor3A_11, %add3A_645 : vector<16xi32>
        %select_n3A_647 = arith.select %lt3A_643, %add3A_646, %xor3A_11 : vector<16xi1>, vector<16xi32>
        %broadcast_in_dim3A_648 = vector.shape_cast %select_n3A_647 : vector<16xi32> to vector<16x1xi32>
        %gather3A_649 = vector.shape_cast %broadcast_in_dim3A_648 : vector<16x1xi32> to vector<16xi32>
        %gather3A_650 = tpu.dynamic_gather %add3A_607[%gather3A_649] in [0] : vector<16xf32>, vector<16xi32> -> vector<16xf32>
        %add3A_651 = arith.addf %add3A_607, %gather3A_650 : vector<16xf32>
        %lt3A_652 = arith.constant 0 : i32
        %lt3A_653 = vector.broadcast %lt3A_652 : i32 to vector<16xi32>
        %lt3A_654 = arith.cmpi slt, %xor3A_14, %lt3A_653 : vector<16xi32>
        %add3A_655 = arith.constant 16 : i32
        %add3A_656 = vector.broadcast %add3A_655 : i32 to vector<16xi32>
        %add3A_657 = arith.addi %xor3A_14, %add3A_656 : vector<16xi32>
        %select_n3A_658 = arith.select %lt3A_654, %add3A_657, %xor3A_14 : vector<16xi1>, vector<16xi32>
        %broadcast_in_dim3A_659 = vector.shape_cast %select_n3A_658 : vector<16xi32> to vector<16x1xi32>
        %gather3A_660 = vector.shape_cast %broadcast_in_dim3A_659 : vector<16x1xi32> to vector<16xi32>
        %gather3A_661 = tpu.dynamic_gather %add3A_618[%gather3A_660] in [0] : vector<16xf32>, vector<16xi32> -> vector<16xf32>
        %add3A_662 = arith.addf %add3A_618, %gather3A_661 : vector<16xf32>
        %lt3A_663 = arith.constant 0 : i32
        %lt3A_664 = vector.broadcast %lt3A_663 : i32 to vector<16xi32>
        %lt3A_665 = arith.cmpi slt, %xor3A_14, %lt3A_664 : vector<16xi32>
        %add3A_666 = arith.constant 16 : i32
        %add3A_667 = vector.broadcast %add3A_666 : i32 to vector<16xi32>
        %add3A_668 = arith.addi %xor3A_14, %add3A_667 : vector<16xi32>
        %select_n3A_669 = arith.select %lt3A_665, %add3A_668, %xor3A_14 : vector<16xi1>, vector<16xi32>
        %broadcast_in_dim3A_670 = vector.shape_cast %select_n3A_669 : vector<16xi32> to vector<16x1xi32>
        %gather3A_671 = vector.shape_cast %broadcast_in_dim3A_670 : vector<16x1xi32> to vector<16xi32>
        %gather3A_672 = tpu.dynamic_gather %add3A_629[%gather3A_671] in [0] : vector<16xf32>, vector<16xi32> -> vector<16xf32>
        %add3A_673 = arith.addf %add3A_629, %gather3A_672 : vector<16xf32>
        %lt3A_674 = arith.constant 0 : i32
        %lt3A_675 = vector.broadcast %lt3A_674 : i32 to vector<16xi32>
        %lt3A_676 = arith.cmpi slt, %xor3A_14, %lt3A_675 : vector<16xi32>
        %add3A_677 = arith.constant 16 : i32
        %add3A_678 = vector.broadcast %add3A_677 : i32 to vector<16xi32>
        %add3A_679 = arith.addi %xor3A_14, %add3A_678 : vector<16xi32>
        %select_n3A_680 = arith.select %lt3A_676, %add3A_679, %xor3A_14 : vector<16xi1>, vector<16xi32>
        %broadcast_in_dim3A_681 = vector.shape_cast %select_n3A_680 : vector<16xi32> to vector<16x1xi32>
        %gather3A_682 = vector.shape_cast %broadcast_in_dim3A_681 : vector<16x1xi32> to vector<16xi32>
        %gather3A_683 = tpu.dynamic_gather %add3A_640[%gather3A_682] in [0] : vector<16xf32>, vector<16xi32> -> vector<16xf32>
        %add3A_684 = arith.addf %add3A_640, %gather3A_683 : vector<16xf32>
        %lt3A_685 = arith.constant 0 : i32
        %lt3A_686 = vector.broadcast %lt3A_685 : i32 to vector<16xi32>
        %lt3A_687 = arith.cmpi slt, %xor3A_14, %lt3A_686 : vector<16xi32>
        %add3A_688 = arith.constant 16 : i32
        %add3A_689 = vector.broadcast %add3A_688 : i32 to vector<16xi32>
        %add3A_690 = arith.addi %xor3A_14, %add3A_689 : vector<16xi32>
        %select_n3A_691 = arith.select %lt3A_687, %add3A_690, %xor3A_14 : vector<16xi1>, vector<16xi32>
        %broadcast_in_dim3A_692 = vector.shape_cast %select_n3A_691 : vector<16xi32> to vector<16x1xi32>
        %gather3A_693 = vector.shape_cast %broadcast_in_dim3A_692 : vector<16x1xi32> to vector<16xi32>
        %gather3A_694 = tpu.dynamic_gather %add3A_651[%gather3A_693] in [0] : vector<16xf32>, vector<16xi32> -> vector<16xf32>
        %add3A_695 = arith.addf %add3A_651, %gather3A_694 : vector<16xf32>
        %lt3A_696 = arith.constant 0 : i32
        %lt3A_697 = vector.broadcast %lt3A_696 : i32 to vector<16xi32>
        %lt3A_698 = arith.cmpi slt, %xor3A_17, %lt3A_697 : vector<16xi32>
        %add3A_699 = arith.constant 16 : i32
        %add3A_700 = vector.broadcast %add3A_699 : i32 to vector<16xi32>
        %add3A_701 = arith.addi %xor3A_17, %add3A_700 : vector<16xi32>
        %select_n3A_702 = arith.select %lt3A_698, %add3A_701, %xor3A_17 : vector<16xi1>, vector<16xi32>
        %broadcast_in_dim3A_703 = vector.shape_cast %select_n3A_702 : vector<16xi32> to vector<16x1xi32>
        %gather3A_704 = vector.shape_cast %broadcast_in_dim3A_703 : vector<16x1xi32> to vector<16xi32>
        %gather3A_705 = tpu.dynamic_gather %add3A_662[%gather3A_704] in [0] : vector<16xf32>, vector<16xi32> -> vector<16xf32>
        %add3A_706 = arith.addf %add3A_662, %gather3A_705 : vector<16xf32>
        %lt3A_707 = arith.constant 0 : i32
        %lt3A_708 = vector.broadcast %lt3A_707 : i32 to vector<16xi32>
        %lt3A_709 = arith.cmpi slt, %xor3A_17, %lt3A_708 : vector<16xi32>
        %add3A_710 = arith.constant 16 : i32
        %add3A_711 = vector.broadcast %add3A_710 : i32 to vector<16xi32>
        %add3A_712 = arith.addi %xor3A_17, %add3A_711 : vector<16xi32>
        %select_n3A_713 = arith.select %lt3A_709, %add3A_712, %xor3A_17 : vector<16xi1>, vector<16xi32>
        %broadcast_in_dim3A_714 = vector.shape_cast %select_n3A_713 : vector<16xi32> to vector<16x1xi32>
        %gather3A_715 = vector.shape_cast %broadcast_in_dim3A_714 : vector<16x1xi32> to vector<16xi32>
        %gather3A_716 = tpu.dynamic_gather %add3A_673[%gather3A_715] in [0] : vector<16xf32>, vector<16xi32> -> vector<16xf32>
        %add3A_717 = arith.addf %add3A_673, %gather3A_716 : vector<16xf32>
        %lt3A_718 = arith.constant 0 : i32
        %lt3A_719 = vector.broadcast %lt3A_718 : i32 to vector<16xi32>
        %lt3A_720 = arith.cmpi slt, %xor3A_17, %lt3A_719 : vector<16xi32>
        %add3A_721 = arith.constant 16 : i32
        %add3A_722 = vector.broadcast %add3A_721 : i32 to vector<16xi32>
        %add3A_723 = arith.addi %xor3A_17, %add3A_722 : vector<16xi32>
        %select_n3A_724 = arith.select %lt3A_720, %add3A_723, %xor3A_17 : vector<16xi1>, vector<16xi32>
        %broadcast_in_dim3A_725 = vector.shape_cast %select_n3A_724 : vector<16xi32> to vector<16x1xi32>
        %gather3A_726 = vector.shape_cast %broadcast_in_dim3A_725 : vector<16x1xi32> to vector<16xi32>
        %gather3A_727 = tpu.dynamic_gather %add3A_684[%gather3A_726] in [0] : vector<16xf32>, vector<16xi32> -> vector<16xf32>
        %add3A_728 = arith.addf %add3A_684, %gather3A_727 : vector<16xf32>
        %lt3A_729 = arith.constant 0 : i32
        %lt3A_730 = vector.broadcast %lt3A_729 : i32 to vector<16xi32>
        %lt3A_731 = arith.cmpi slt, %xor3A_17, %lt3A_730 : vector<16xi32>
        %add3A_732 = arith.constant 16 : i32
        %add3A_733 = vector.broadcast %add3A_732 : i32 to vector<16xi32>
        %add3A_734 = arith.addi %xor3A_17, %add3A_733 : vector<16xi32>
        %select_n3A_735 = arith.select %lt3A_731, %add3A_734, %xor3A_17 : vector<16xi1>, vector<16xi32>
        %broadcast_in_dim3A_736 = vector.shape_cast %select_n3A_735 : vector<16xi32> to vector<16x1xi32>
        %gather3A_737 = vector.shape_cast %broadcast_in_dim3A_736 : vector<16x1xi32> to vector<16xi32>
        %gather3A_738 = tpu.dynamic_gather %add3A_695[%gather3A_737] in [0] : vector<16xf32>, vector<16xi32> -> vector<16xf32>
        %add3A_739 = arith.addf %add3A_695, %gather3A_738 : vector<16xf32>
        %exp3A_740 = math.exp %add3A_706 : vector<16xf32>
        %exp3A_741 = math.exp %add3A_717 : vector<16xf32>
        %exp3A_742 = math.exp %add3A_728 : vector<16xf32>
        %exp3A_743 = math.exp %add3A_739 : vector<16xf32>
        %broadcast_in_dim3A_744 = arith.constant 0.000000e+00 : f32
        %broadcast_in_dim3A_745 = vector.broadcast %broadcast_in_dim3A_744 : f32 to vector<16xf32>
        %eq3A_746 = arith.constant 0 : i32
        %eq3A_747 = vector.broadcast %eq3A_746 : i32 to vector<16xi32>
        %eq3A_748 = arith.cmpi eq, %iota3A, %eq3A_747 : vector<16xi32>
        %select_n3A_749 = arith.select %eq3A_748, %exp3A_740, %broadcast_in_dim3A_745 : vector<16xi1>, vector<16xf32>
        %get3A_750 = arith.index_cast %scan3A_467 : i32 to index
        %get3A_751 = arith.constant 64 : index
        %get3A_752 = tpu.vector_load %arg13[%get3A_750, %get3A_751] {strides = array<i32>} : memref<40x192xf32, #tpu.memory_space<vmem>>, vector<1x16xf32>,
        %get3A_753 = vector.shape_cast %get3A_752 : vector<1x16xf32> to vector<16xf32>
        %get3A_754 = arith.index_cast %scan3A_467 : i32 to index
        %get3A_755 = arith.constant 80 : index
        %get3A_756 = tpu.vector_load %arg13[%get3A_754, %get3A_755] {strides = array<i32>} : memref<40x192xf32, #tpu.memory_space<vmem>>, vector<1x16xf32>,
        %get3A_757 = vector.shape_cast %get3A_756 : vector<1x16xf32> to vector<16xf32>
        %mul3A_758 = arith.mulf %exp3A_740, %get3A_753 : vector<16xf32>
        %swap3A_759 = arith.index_cast %scan3A_467 : i32 to index
        %swap3A_760 = arith.constant 0 : index
        %swap3A_761 = tpu.vector_load %arg22[%swap3A_759, %swap3A_760] {strides = array<i32>} : memref<40x144xf32, #tpu.memory_space<vmem>>, vector<1x16xf32>,
        %swap3A_762 = vector.shape_cast %swap3A_761 : vector<1x16xf32> to vector<16xf32>
        %swap3A_763 = vector.shape_cast %mul3A_758 : vector<16xf32> to vector<1x16xf32>
        tpu.vector_store %arg22[%swap3A_759, %swap3A_760], %swap3A_763 {strides = array<i32>} : memref<40x144xf32, #tpu.memory_space<vmem>>, vector<1x16xf32>,
        %mul3A_764 = arith.mulf %exp3A_740, %get3A_757 : vector<16xf32>
        %swap3A_765 = arith.index_cast %scan3A_467 : i32 to index
        %swap3A_766 = arith.constant 16 : index
        %swap3A_767 = tpu.vector_load %arg22[%swap3A_765, %swap3A_766] {strides = array<i32>} : memref<40x144xf32, #tpu.memory_space<vmem>>, vector<1x16xf32>,
        %swap3A_768 = vector.shape_cast %swap3A_767 : vector<1x16xf32> to vector<16xf32>
        %swap3A_769 = vector.shape_cast %mul3A_764 : vector<16xf32> to vector<1x16xf32>
        tpu.vector_store %arg22[%swap3A_765, %swap3A_766], %swap3A_769 {strides = array<i32>} : memref<40x144xf32, #tpu.memory_space<vmem>>, vector<1x16xf32>,
        %eq3A_770 = arith.constant 1 : i32
        %eq3A_771 = vector.broadcast %eq3A_770 : i32 to vector<16xi32>
        %eq3A_772 = arith.cmpi eq, %iota3A, %eq3A_771 : vector<16xi32>
        %select_n3A_773 = arith.select %eq3A_772, %exp3A_741, %select_n3A_749 : vector<16xi1>, vector<16xf32>
        %get3A_774 = arith.index_cast %scan3A_467 : i32 to index
        %get3A_775 = arith.constant 96 : index
        %get3A_776 = tpu.vector_load %arg13[%get3A_774, %get3A_775] {strides = array<i32>} : memref<40x192xf32, #tpu.memory_space<vmem>>, vector<1x16xf32>,
        %get3A_777 = vector.shape_cast %get3A_776 : vector<1x16xf32> to vector<16xf32>
        %get3A_778 = arith.index_cast %scan3A_467 : i32 to index
        %get3A_779 = arith.constant 112 : index
        %get3A_780 = tpu.vector_load %arg13[%get3A_778, %get3A_779] {strides = array<i32>} : memref<40x192xf32, #tpu.memory_space<vmem>>, vector<1x16xf32>,
        %get3A_781 = vector.shape_cast %get3A_780 : vector<1x16xf32> to vector<16xf32>
        %mul3A_782 = arith.mulf %exp3A_741, %get3A_777 : vector<16xf32>
        %swap3A_783 = arith.index_cast %scan3A_467 : i32 to index
        %swap3A_784 = arith.constant 32 : index
        %swap3A_785 = tpu.vector_load %arg22[%swap3A_783, %swap3A_784] {strides = array<i32>} : memref<40x144xf32, #tpu.memory_space<vmem>>, vector<1x16xf32>,
        %swap3A_786 = vector.shape_cast %swap3A_785 : vector<1x16xf32> to vector<16xf32>
        %swap3A_787 = vector.shape_cast %mul3A_782 : vector<16xf32> to vector<1x16xf32>
        tpu.vector_store %arg22[%swap3A_783, %swap3A_784], %swap3A_787 {strides = array<i32>} : memref<40x144xf32, #tpu.memory_space<vmem>>, vector<1x16xf32>,
        %mul3A_788 = arith.mulf %exp3A_741, %get3A_781 : vector<16xf32>
        %swap3A_789 = arith.index_cast %scan3A_467 : i32 to index
        %swap3A_790 = arith.constant 48 : index
        %swap3A_791 = tpu.vector_load %arg22[%swap3A_789, %swap3A_790] {strides = array<i32>} : memref<40x144xf32, #tpu.memory_space<vmem>>, vector<1x16xf32>,
        %swap3A_792 = vector.shape_cast %swap3A_791 : vector<1x16xf32> to vector<16xf32>
        %swap3A_793 = vector.shape_cast %mul3A_788 : vector<16xf32> to vector<1x16xf32>
        tpu.vector_store %arg22[%swap3A_789, %swap3A_790], %swap3A_793 {strides = array<i32>} : memref<40x144xf32, #tpu.memory_space<vmem>>, vector<1x16xf32>,
        %eq3A_794 = arith.constant 2 : i32
        %eq3A_795 = vector.broadcast %eq3A_794 : i32 to vector<16xi32>
        %eq3A_796 = arith.cmpi eq, %iota3A, %eq3A_795 : vector<16xi32>
        %select_n3A_797 = arith.select %eq3A_796, %exp3A_742, %select_n3A_773 : vector<16xi1>, vector<16xf32>
        %get3A_798 = arith.index_cast %scan3A_467 : i32 to index
        %get3A_799 = arith.constant 128 : index
        %get3A_800 = tpu.vector_load %arg13[%get3A_798, %get3A_799] {strides = array<i32>} : memref<40x192xf32, #tpu.memory_space<vmem>>, vector<1x16xf32>,
        %get3A_801 = vector.shape_cast %get3A_800 : vector<1x16xf32> to vector<16xf32>
        %get3A_802 = arith.index_cast %scan3A_467 : i32 to index
        %get3A_803 = arith.constant 144 : index
        %get3A_804 = tpu.vector_load %arg13[%get3A_802, %get3A_803] {strides = array<i32>} : memref<40x192xf32, #tpu.memory_space<vmem>>, vector<1x16xf32>,
        %get3A_805 = vector.shape_cast %get3A_804 : vector<1x16xf32> to vector<16xf32>
        %mul3A_806 = arith.mulf %exp3A_742, %get3A_801 : vector<16xf32>
        %swap3A_807 = arith.index_cast %scan3A_467 : i32 to index
        %swap3A_808 = arith.constant 64 : index
        %swap3A_809 = tpu.vector_load %arg22[%swap3A_807, %swap3A_808] {strides = array<i32>} : memref<40x144xf32, #tpu.memory_space<vmem>>, vector<1x16xf32>,
        %swap3A_810 = vector.shape_cast %swap3A_809 : vector<1x16xf32> to vector<16xf32>
        %swap3A_811 = vector.shape_cast %mul3A_806 : vector<16xf32> to vector<1x16xf32>
        tpu.vector_store %arg22[%swap3A_807, %swap3A_808], %swap3A_811 {strides = array<i32>} : memref<40x144xf32, #tpu.memory_space<vmem>>, vector<1x16xf32>,
        %mul3A_812 = arith.mulf %exp3A_742, %get3A_805 : vector<16xf32>
        %swap3A_813 = arith.index_cast %scan3A_467 : i32 to index
        %swap3A_814 = arith.constant 80 : index
        %swap3A_815 = tpu.vector_load %arg22[%swap3A_813, %swap3A_814] {strides = array<i32>} : memref<40x144xf32, #tpu.memory_space<vmem>>, vector<1x16xf32>,
        %swap3A_816 = vector.shape_cast %swap3A_815 : vector<1x16xf32> to vector<16xf32>
        %swap3A_817 = vector.shape_cast %mul3A_812 : vector<16xf32> to vector<1x16xf32>
        tpu.vector_store %arg22[%swap3A_813, %swap3A_814], %swap3A_817 {strides = array<i32>} : memref<40x144xf32, #tpu.memory_space<vmem>>, vector<1x16xf32>,
        %eq3A_818 = arith.constant 3 : i32
        %eq3A_819 = vector.broadcast %eq3A_818 : i32 to vector<16xi32>
        %eq3A_820 = arith.cmpi eq, %iota3A, %eq3A_819 : vector<16xi32>
        %select_n3A_821 = arith.select %eq3A_820, %exp3A_743, %select_n3A_797 : vector<16xi1>, vector<16xf32>
        %get3A_822 = arith.index_cast %scan3A_467 : i32 to index
        %get3A_823 = arith.constant 160 : index
        %get3A_824 = tpu.vector_load %arg13[%get3A_822, %get3A_823] {strides = array<i32>} : memref<40x192xf32, #tpu.memory_space<vmem>>, vector<1x16xf32>,
        %get3A_825 = vector.shape_cast %get3A_824 : vector<1x16xf32> to vector<16xf32>
        %get3A_826 = arith.index_cast %scan3A_467 : i32 to index
        %get3A_827 = arith.constant 176 : index
        %get3A_828 = tpu.vector_load %arg13[%get3A_826, %get3A_827] {strides = array<i32>} : memref<40x192xf32, #tpu.memory_space<vmem>>, vector<1x16xf32>,
        %get3A_829 = vector.shape_cast %get3A_828 : vector<1x16xf32> to vector<16xf32>
        %mul3A_830 = arith.mulf %exp3A_743, %get3A_825 : vector<16xf32>
        %swap3A_831 = arith.index_cast %scan3A_467 : i32 to index
        %swap3A_832 = arith.constant 96 : index
        %swap3A_833 = tpu.vector_load %arg22[%swap3A_831, %swap3A_832] {strides = array<i32>} : memref<40x144xf32, #tpu.memory_space<vmem>>, vector<1x16xf32>,
        %swap3A_834 = vector.shape_cast %swap3A_833 : vector<1x16xf32> to vector<16xf32>
        %swap3A_835 = vector.shape_cast %mul3A_830 : vector<16xf32> to vector<1x16xf32>
        tpu.vector_store %arg22[%swap3A_831, %swap3A_832], %swap3A_835 {strides = array<i32>} : memref<40x144xf32, #tpu.memory_space<vmem>>, vector<1x16xf32>,
        %mul3A_836 = arith.mulf %exp3A_743, %get3A_829 : vector<16xf32>
        %swap3A_837 = arith.index_cast %scan3A_467 : i32 to index
        %swap3A_838 = arith.constant 112 : index
        %swap3A_839 = tpu.vector_load %arg22[%swap3A_837, %swap3A_838] {strides = array<i32>} : memref<40x144xf32, #tpu.memory_space<vmem>>, vector<1x16xf32>,
        %swap3A_840 = vector.shape_cast %swap3A_839 : vector<1x16xf32> to vector<16xf32>
        %swap3A_841 = vector.shape_cast %mul3A_836 : vector<16xf32> to vector<1x16xf32>
        tpu.vector_store %arg22[%swap3A_837, %swap3A_838], %swap3A_841 {strides = array<i32>} : memref<40x144xf32, #tpu.memory_space<vmem>>, vector<1x16xf32>,
        %swap3A_842 = arith.index_cast %scan3A_467 : i32 to index
        %swap3A_843 = arith.constant 128 : index
        %swap3A_844 = tpu.vector_load %arg22[%swap3A_842, %swap3A_843] {strides = array<i32>} : memref<40x144xf32, #tpu.memory_space<vmem>>, vector<1x16xf32>,
        %swap3A_845 = vector.shape_cast %swap3A_844 : vector<1x16xf32> to vector<16xf32>
        %swap3A_846 = vector.shape_cast %select_n3A_821 : vector<16xf32> to vector<1x16xf32>
        tpu.vector_store %arg22[%swap3A_842, %swap3A_843], %swap3A_846 {strides = array<i32>} : memref<40x144xf32, #tpu.memory_space<vmem>>, vector<1x16xf32>,
      }
      %scan3A_70 = arith.constant 40 : i32
      "tpu.region"() ({
        %run_scoped3A = tpu.sem_alloc : memref<!tpu.dma_semaphore, #tpu.memory_space<semaphore_mem>>
        %dma_start3A_93 = arith.constant 0 : i32
        %dma_start3A_94 = tpu.memref_slice %arg9[%multiple_of3A_64, %dma_start3A_93] : memref<320000x64xf32, #tpu.memory_space<hbm>> -> memref<40x64xf32, #tpu.memory_space<hbm>>
        %dma_start3A_95 = arith.constant 0 : i32
        %dma_start3A_96 = tpu.memref_slice %arg9[%multiple_of3A_64, %dma_start3A_95] : memref<320000x64xf32, #tpu.memory_space<hbm>> -> memref<40x64xf32, #tpu.memory_space<hbm>>
        tpu.enqueue_dma source(%arg21 : memref<40x64xf32, #tpu.memory_space<vmem>>) target(%dma_start3A_96 : memref<40x64xf32, #tpu.memory_space<hbm>>) target_semaphore(%run_scoped3A : memref<!tpu.dma_semaphore, #tpu.memory_space<semaphore_mem>>)
        %dma_wait3A_97 = arith.constant 0 : i32
        %dma_wait3A_98 = tpu.memref_slice %arg9[%multiple_of3A_64, %dma_wait3A_97] : memref<320000x64xf32, #tpu.memory_space<hbm>> -> memref<40x64xf32, #tpu.memory_space<hbm>>
        %dma_wait3A_99 = arith.constant 0 : i32
        %dma_wait3A_100 = tpu.memref_slice %arg9[%multiple_of3A_64, %dma_wait3A_99] : memref<320000x64xf32, #tpu.memory_space<hbm>> -> memref<40x64xf32, #tpu.memory_space<hbm>>
        tpu.wait_dma2 semaphore(%run_scoped3A : memref<!tpu.dma_semaphore, #tpu.memory_space<semaphore_mem>>) src(%arg21 : memref<40x64xf32, #tpu.memory_space<vmem>>) dst(%dma_wait3A_100 : memref<40x64xf32, #tpu.memory_space<hbm>>)
        tpu.yield
      }) : () -> ()
      "tpu.region"() ({
        %run_scoped3A = tpu.sem_alloc : memref<!tpu.dma_semaphore, #tpu.memory_space<semaphore_mem>>
        %dma_start3A_93 = arith.constant 0 : i32
        %dma_start3A_94 = arith.constant 0 : i32
        %dma_start3A_95 = tpu.memref_slice %arg24[%dma_start3A_93, %dma_start3A_94] : memref<10112x144xf32, #tpu.memory_space<vmem_shared>> -> memref<10112x144xf32, #tpu.memory_space<vmem_shared>>
        tpu.enqueue_indirect_dma source(%arg22 : memref<40x144xf32, #tpu.memory_space<vmem>>) target(%dma_start3A_95 : memref<10112x144xf32, #tpu.memory_space<vmem_shared>>) offsets(%arg12 : memref<40xi32, #tpu.memory_space<vmem>>) semaphore(%run_scoped3A : memref<!tpu.dma_semaphore, #tpu.memory_space<semaphore_mem>>) {add = true}
        %dma_wait3A_96 = arith.constant 0 : i32
        %dma_wait3A_97 = arith.constant 0 : i32
        %dma_wait3A_98 = tpu.memref_slice %arg24[%dma_wait3A_96, %dma_wait3A_97] : memref<10112x144xf32, #tpu.memory_space<vmem_shared>> -> memref<10112x144xf32, #tpu.memory_space<vmem_shared>>
        tpu.wait_indirect_dma semaphore(%run_scoped3A : memref<!tpu.dma_semaphore, #tpu.memory_space<semaphore_mem>>) src(%arg22 : memref<40x144xf32, #tpu.memory_space<vmem>>) dst(%dma_wait3A_98 : memref<10112x144xf32, #tpu.memory_space<vmem_shared>>)
        tpu.yield
      }) : () -> ()
      %lt3A = arith.constant 124 : i32
      %lt3A_71 = arith.cmpi slt, %scan3A_37, %lt3A : i32
      %convert_element_type3A = arith.extui %lt3A_71 : i1 to i32
      %cond3A = arith.constant 0 : i32
      %cond3A_72 = arith.cmpi ne, %convert_element_type3A, %cond3A : i32
      scf.if %cond3A_72 {
        %add3A_93 = arith.constant 2 : i32
        %add3A_94 = arith.addi %mul3A_39, %add3A_93 : i32
        %mul3A_95 = arith.constant 10000 : i32
        %mul3A_96 = arith.muli %add3A, %mul3A_95 : i32
        %mul3A_97 = arith.constant 40 : i32
        %mul3A_98 = arith.muli %add3A_94, %mul3A_97 : i32
        %add3A_99 = arith.addi %mul3A_96, %mul3A_98 : i32
        %multiple_of3A_100 = tpu.assume_multiple %add3A_99, 40 : i32
        "tpu.region"() ({
          %run_scoped3A = tpu.sem_alloc : memref<!tpu.dma_semaphore, #tpu.memory_space<semaphore_mem>>
          %dma_start3A_107 = tpu.memref_slice %arg2[%multiple_of3A_100] : memref<320000xi32, #tpu.memory_space<hbm>> -> memref<40xi32, #tpu.memory_space<hbm>>
          %dma_start3A_108 = tpu.memref_slice %arg2[%multiple_of3A_100] : memref<320000xi32, #tpu.memory_space<hbm>> -> memref<40xi32, #tpu.memory_space<hbm>>
          tpu.enqueue_dma source(%dma_start3A_108 : memref<40xi32, #tpu.memory_space<hbm>>) target(%arg11 : memref<40xi32, #tpu.memory_space<vmem>>) target_semaphore(%run_scoped3A : memref<!tpu.dma_semaphore, #tpu.memory_space<semaphore_mem>>)
          %dma_wait3A_109 = tpu.memref_slice %arg2[%multiple_of3A_100] : memref<320000xi32, #tpu.memory_space<hbm>> -> memref<40xi32, #tpu.memory_space<hbm>>
          %dma_wait3A_110 = tpu.memref_slice %arg2[%multiple_of3A_100] : memref<320000xi32, #tpu.memory_space<hbm>> -> memref<40xi32, #tpu.memory_space<hbm>>
          tpu.wait_dma2 semaphore(%run_scoped3A : memref<!tpu.dma_semaphore, #tpu.memory_space<semaphore_mem>>) src(%dma_wait3A_110 : memref<40xi32, #tpu.memory_space<hbm>>) dst(%arg11 : memref<40xi32, #tpu.memory_space<vmem>>)
          tpu.yield
        }) : () -> ()
        "tpu.region"() ({
          %run_scoped3A = tpu.sem_alloc : memref<!tpu.dma_semaphore, #tpu.memory_space<semaphore_mem>>
          %dma_start3A_107 = tpu.memref_slice %arg3[%multiple_of3A_100] : memref<320000xi32, #tpu.memory_space<hbm>> -> memref<40xi32, #tpu.memory_space<hbm>>
          %dma_start3A_108 = tpu.memref_slice %arg3[%multiple_of3A_100] : memref<320000xi32, #tpu.memory_space<hbm>> -> memref<40xi32, #tpu.memory_space<hbm>>
          tpu.enqueue_dma source(%dma_start3A_108 : memref<40xi32, #tpu.memory_space<hbm>>) target(%arg12 : memref<40xi32, #tpu.memory_space<vmem>>) target_semaphore(%run_scoped3A : memref<!tpu.dma_semaphore, #tpu.memory_space<semaphore_mem>>)
          %dma_wait3A_109 = tpu.memref_slice %arg3[%multiple_of3A_100] : memref<320000xi32, #tpu.memory_space<hbm>> -> memref<40xi32, #tpu.memory_space<hbm>>
          %dma_wait3A_110 = tpu.memref_slice %arg3[%multiple_of3A_100] : memref<320000xi32, #tpu.memory_space<hbm>> -> memref<40xi32, #tpu.memory_space<hbm>>
          tpu.wait_dma2 semaphore(%run_scoped3A : memref<!tpu.dma_semaphore, #tpu.memory_space<semaphore_mem>>) src(%dma_wait3A_110 : memref<40xi32, #tpu.memory_space<hbm>>) dst(%arg12 : memref<40xi32, #tpu.memory_space<vmem>>)
          tpu.yield
        }) : () -> ()
        %dma_start3A_101 = arith.constant 0 : i32
        %dma_start3A_102 = arith.constant 0 : i32
        %dma_start3A_103 = tpu.memref_slice %arg4[%dma_start3A_101, %dma_start3A_102] : memref<10000x192xf32, #tpu.memory_space<hbm>> -> memref<10000x192xf32, #tpu.memory_space<hbm>>
        tpu.enqueue_indirect_dma source(%dma_start3A_103 : memref<10000x192xf32, #tpu.memory_space<hbm>>) target(%arg13 : memref<40x192xf32, #tpu.memory_space<vmem>>) offsets(%arg11 : memref<40xi32, #tpu.memory_space<vmem>>) semaphore(%arg25 : memref<!tpu.dma_semaphore, #tpu.memory_space<semaphore_mem>>)
        %dma_start3A_104 = arith.constant 0 : i32
        %dma_start3A_105 = arith.constant 0 : i32
        %dma_start3A_106 = tpu.memref_slice %arg5[%dma_start3A_104, %dma_start3A_105] : memref<10000x64xf32, #tpu.memory_space<hbm>> -> memref<10000x64xf32, #tpu.memory_space<hbm>>
        tpu.enqueue_indirect_dma source(%dma_start3A_106 : memref<10000x64xf32, #tpu.memory_space<hbm>>) target(%arg14 : memref<40x64xf32, #tpu.memory_space<vmem>>) offsets(%arg12 : memref<40xi32, #tpu.memory_space<vmem>>) semaphore(%arg25 : memref<!tpu.dma_semaphore, #tpu.memory_space<semaphore_mem>>)
        "tpu.region"() ({
          %run_scoped3A = tpu.sem_alloc : memref<!tpu.dma_semaphore, #tpu.memory_space<semaphore_mem>>
          %dma_start3A_107 = arith.constant 0 : i32
          %dma_start3A_108 = tpu.memref_slice %arg6[%multiple_of3A_100, %dma_start3A_107] : memref<320000x64xf32, #tpu.memory_space<hbm>> -> memref<40x64xf32, #tpu.memory_space<hbm>>
          %dma_start3A_109 = arith.constant 0 : i32
          %dma_start3A_110 = tpu.memref_slice %arg6[%multiple_of3A_100, %dma_start3A_109] : memref<320000x64xf32, #tpu.memory_space<hbm>> -> memref<40x64xf32, #tpu.memory_space<hbm>>
          tpu.enqueue_dma source(%dma_start3A_110 : memref<40x64xf32, #tpu.memory_space<hbm>>) target(%arg15 : memref<40x64xf32, #tpu.memory_space<vmem>>) target_semaphore(%run_scoped3A : memref<!tpu.dma_semaphore, #tpu.memory_space<semaphore_mem>>)
          %dma_wait3A_111 = arith.constant 0 : i32
          %dma_wait3A_112 = tpu.memref_slice %arg6[%multiple_of3A_100, %dma_wait3A_111] : memref<320000x64xf32, #tpu.memory_space<hbm>> -> memref<40x64xf32, #tpu.memory_space<hbm>>
          %dma_wait3A_113 = arith.constant 0 : i32
          %dma_wait3A_114 = tpu.memref_slice %arg6[%multiple_of3A_100, %dma_wait3A_113] : memref<320000x64xf32, #tpu.memory_space<hbm>> -> memref<40x64xf32, #tpu.memory_space<hbm>>
          tpu.wait_dma2 semaphore(%run_scoped3A : memref<!tpu.dma_semaphore, #tpu.memory_space<semaphore_mem>>) src(%dma_wait3A_114 : memref<40x64xf32, #tpu.memory_space<hbm>>) dst(%arg15 : memref<40x64xf32, #tpu.memory_space<vmem>>)
          tpu.yield
        }) : () -> ()
      } else {
      }
      %dma_wait3A_73 = arith.constant 0 : i32
      %dma_wait3A_74 = arith.constant 0 : i32
      %dma_wait3A_75 = tpu.memref_slice %arg4[%dma_wait3A_73, %dma_wait3A_74] : memref<10000x192xf32, #tpu.memory_space<hbm>> -> memref<10000x192xf32, #tpu.memory_space<hbm>>
      tpu.wait_indirect_dma semaphore(%arg26 : memref<!tpu.dma_semaphore, #tpu.memory_space<semaphore_mem>>) src(%dma_wait3A_75 : memref<10000x192xf32, #tpu.memory_space<hbm>>) dst(%arg18 : memref<40x192xf32, #tpu.memory_space<vmem>>)
      %dma_wait3A_76 = arith.constant 0 : i32
      %dma_wait3A_77 = arith.constant 0 : i32
      %dma_wait3A_78 = tpu.memref_slice %arg5[%dma_wait3A_76, %dma_wait3A_77] : memref<10000x64xf32, #tpu.memory_space<hbm>> -> memref<10000x64xf32, #tpu.memory_space<hbm>>
      tpu.wait_indirect_dma semaphore(%arg26 : memref<!tpu.dma_semaphore, #tpu.memory_space<semaphore_mem>>) src(%dma_wait3A_78 : memref<10000x64xf32, #tpu.memory_space<hbm>>) dst(%arg19 : memref<40x64xf32, #tpu.memory_space<vmem>>)
      %add3A_79 = arith.constant 1 : i32
      %add3A_80 = arith.addi %mul3A_39, %add3A_79 : i32
      %mul3A_81 = arith.constant 10000 : i32
      %mul3A_82 = arith.muli %add3A, %mul3A_81 : i32
      %mul3A_83 = arith.constant 40 : i32
      %mul3A_84 = arith.muli %add3A_80, %mul3A_83 : i32
      %add3A_85 = arith.addi %mul3A_82, %mul3A_84 : i32
      %multiple_of3A_86 = tpu.assume_multiple %add3A_85, 40 : i32
      %scan3A_87 = arith.constant 0 : i32
      %scan3A_88 = arith.constant 0 : i32
      %scan3A_89 = arith.constant 40 : i32
      %scan3A_90 = arith.addi %scan3A_88, %scan3A_89 : i32
      %scan3A_91 = arith.constant 2 : i32
      scf.for %scan3A_93 = %scan3A_88 to %scan3A_90 step %scan3A_91  : i32 {
        %get3A_94 = arith.index_cast %scan3A_93 : i32 to index
        %get3A_95 = arith.constant 0 : index
        %get3A_96 = tpu.vector_load %arg18[%get3A_94, %get3A_95] {strides = array<i32>} : memref<40x192xf32, #tpu.memory_space<vmem>>, vector<1x16xf32>,
        %get3A_97 = vector.shape_cast %get3A_96 : vector<1x16xf32> to vector<16xf32>
        %get3A_98 = arith.index_cast %scan3A_93 : i32 to index
        %get3A_99 = arith.constant 0 : index
        %get3A_100 = tpu.vector_load %arg19[%get3A_98, %get3A_99] {strides = array<i32>} : memref<40x64xf32, #tpu.memory_space<vmem>>, vector<1x16xf32>,
        %get3A_101 = vector.shape_cast %get3A_100 : vector<1x16xf32> to vector<16xf32>
        %add3A_102 = arith.addf %get3A_97, %get3A_101 : vector<16xf32>
        %get3A_103 = arith.index_cast %scan3A_93 : i32 to index
        %get3A_104 = arith.constant 0 : index
        %get3A_105 = tpu.vector_load %arg20[%get3A_103, %get3A_104] {strides = array<i32>} : memref<40x64xf32, #tpu.memory_space<vmem>>, vector<1x16xf32>,
        %get3A_106 = vector.shape_cast %get3A_105 : vector<1x16xf32> to vector<16xf32>
        %add3A_107 = arith.addf %add3A_102, %get3A_106 : vector<16xf32>
        %mul3A_108 = arith.constant 0.00999999977 : f32
        %mul3A_109 = vector.broadcast %mul3A_108 : f32 to vector<16xf32>
        %mul3A_110 = arith.mulf %add3A_107, %mul3A_109 : vector<16xf32>
        %max3A = arith.maximumf %add3A_107, %mul3A_110 : vector<16xf32>
        %get3A_111 = arith.index_cast %scan3A_93 : i32 to index
        %get3A_112 = arith.constant 16 : index
        %get3A_113 = tpu.vector_load %arg18[%get3A_111, %get3A_112] {strides = array<i32>} : memref<40x192xf32, #tpu.memory_space<vmem>>, vector<1x16xf32>,
        %get3A_114 = vector.shape_cast %get3A_113 : vector<1x16xf32> to vector<16xf32>
        %get3A_115 = arith.index_cast %scan3A_93 : i32 to index
        %get3A_116 = arith.constant 16 : index
        %get3A_117 = tpu.vector_load %arg19[%get3A_115, %get3A_116] {strides = array<i32>} : memref<40x64xf32, #tpu.memory_space<vmem>>, vector<1x16xf32>,
        %get3A_118 = vector.shape_cast %get3A_117 : vector<1x16xf32> to vector<16xf32>
        %add3A_119 = arith.addf %get3A_114, %get3A_118 : vector<16xf32>
        %get3A_120 = arith.index_cast %scan3A_93 : i32 to index
        %get3A_121 = arith.constant 16 : index
        %get3A_122 = tpu.vector_load %arg20[%get3A_120, %get3A_121] {strides = array<i32>} : memref<40x64xf32, #tpu.memory_space<vmem>>, vector<1x16xf32>,
        %get3A_123 = vector.shape_cast %get3A_122 : vector<1x16xf32> to vector<16xf32>
        %add3A_124 = arith.addf %add3A_119, %get3A_123 : vector<16xf32>
        %mul3A_125 = arith.constant 0.00999999977 : f32
        %mul3A_126 = vector.broadcast %mul3A_125 : f32 to vector<16xf32>
        %mul3A_127 = arith.mulf %add3A_124, %mul3A_126 : vector<16xf32>
        %max3A_128 = arith.maximumf %add3A_124, %mul3A_127 : vector<16xf32>
        %get3A_129 = arith.index_cast %scan3A_93 : i32 to index
        %get3A_130 = arith.constant 32 : index
        %get3A_131 = tpu.vector_load %arg18[%get3A_129, %get3A_130] {strides = array<i32>} : memref<40x192xf32, #tpu.memory_space<vmem>>, vector<1x16xf32>,
        %get3A_132 = vector.shape_cast %get3A_131 : vector<1x16xf32> to vector<16xf32>
        %get3A_133 = arith.index_cast %scan3A_93 : i32 to index
        %get3A_134 = arith.constant 32 : index
        %get3A_135 = tpu.vector_load %arg19[%get3A_133, %get3A_134] {strides = array<i32>} : memref<40x64xf32, #tpu.memory_space<vmem>>, vector<1x16xf32>,
        %get3A_136 = vector.shape_cast %get3A_135 : vector<1x16xf32> to vector<16xf32>
        %add3A_137 = arith.addf %get3A_132, %get3A_136 : vector<16xf32>
        %get3A_138 = arith.index_cast %scan3A_93 : i32 to index
        %get3A_139 = arith.constant 32 : index
        %get3A_140 = tpu.vector_load %arg20[%get3A_138, %get3A_139] {strides = array<i32>} : memref<40x64xf32, #tpu.memory_space<vmem>>, vector<1x16xf32>,
        %get3A_141 = vector.shape_cast %get3A_140 : vector<1x16xf32> to vector<16xf32>
        %add3A_142 = arith.addf %add3A_137, %get3A_141 : vector<16xf32>
        %mul3A_143 = arith.constant 0.00999999977 : f32
        %mul3A_144 = vector.broadcast %mul3A_143 : f32 to vector<16xf32>
        %mul3A_145 = arith.mulf %add3A_142, %mul3A_144 : vector<16xf32>
        %max3A_146 = arith.maximumf %add3A_142, %mul3A_145 : vector<16xf32>
        %get3A_147 = arith.index_cast %scan3A_93 : i32 to index
        %get3A_148 = arith.constant 48 : index
        %get3A_149 = tpu.vector_load %arg18[%get3A_147, %get3A_148] {strides = array<i32>} : memref<40x192xf32, #tpu.memory_space<vmem>>, vector<1x16xf32>,
        %get3A_150 = vector.shape_cast %get3A_149 : vector<1x16xf32> to vector<16xf32>
        %get3A_151 = arith.index_cast %scan3A_93 : i32 to index
        %get3A_152 = arith.constant 48 : index
        %get3A_153 = tpu.vector_load %arg19[%get3A_151, %get3A_152] {strides = array<i32>} : memref<40x64xf32, #tpu.memory_space<vmem>>, vector<1x16xf32>,
        %get3A_154 = vector.shape_cast %get3A_153 : vector<1x16xf32> to vector<16xf32>
        %add3A_155 = arith.addf %get3A_150, %get3A_154 : vector<16xf32>
        %get3A_156 = arith.index_cast %scan3A_93 : i32 to index
        %get3A_157 = arith.constant 48 : index
        %get3A_158 = tpu.vector_load %arg20[%get3A_156, %get3A_157] {strides = array<i32>} : memref<40x64xf32, #tpu.memory_space<vmem>>, vector<1x16xf32>,
        %get3A_159 = vector.shape_cast %get3A_158 : vector<1x16xf32> to vector<16xf32>
        %add3A_160 = arith.addf %add3A_155, %get3A_159 : vector<16xf32>
        %mul3A_161 = arith.constant 0.00999999977 : f32
        %mul3A_162 = vector.broadcast %mul3A_161 : f32 to vector<16xf32>
        %mul3A_163 = arith.mulf %add3A_160, %mul3A_162 : vector<16xf32>
        %max3A_164 = arith.maximumf %add3A_160, %mul3A_163 : vector<16xf32>
        %swap3A = arith.index_cast %scan3A_93 : i32 to index
        %swap3A_165 = arith.constant 0 : index
        %swap3A_166 = tpu.vector_load %arg21[%swap3A, %swap3A_165] {strides = array<i32>} : memref<40x64xf32, #tpu.memory_space<vmem>>, vector<1x16xf32>,
        %swap3A_167 = vector.shape_cast %swap3A_166 : vector<1x16xf32> to vector<16xf32>
        %swap3A_168 = vector.shape_cast %max3A : vector<16xf32> to vector<1x16xf32>
        tpu.vector_store %arg21[%swap3A, %swap3A_165], %swap3A_168 {strides = array<i32>} : memref<40x64xf32, #tpu.memory_space<vmem>>, vector<1x16xf32>,
        %swap3A_169 = arith.index_cast %scan3A_93 : i32 to index
        %swap3A_170 = arith.constant 16 : index
        %swap3A_171 = tpu.vector_load %arg21[%swap3A_169, %swap3A_170] {strides = array<i32>} : memref<40x64xf32, #tpu.memory_space<vmem>>, vector<1x16xf32>,
        %swap3A_172 = vector.shape_cast %swap3A_171 : vector<1x16xf32> to vector<16xf32>
        %swap3A_173 = vector.shape_cast %max3A_128 : vector<16xf32> to vector<1x16xf32>
        tpu.vector_store %arg21[%swap3A_169, %swap3A_170], %swap3A_173 {strides = array<i32>} : memref<40x64xf32, #tpu.memory_space<vmem>>, vector<1x16xf32>,
        %swap3A_174 = arith.index_cast %scan3A_93 : i32 to index
        %swap3A_175 = arith.constant 32 : index
        %swap3A_176 = tpu.vector_load %arg21[%swap3A_174, %swap3A_175] {strides = array<i32>} : memref<40x64xf32, #tpu.memory_space<vmem>>, vector<1x16xf32>,
        %swap3A_177 = vector.shape_cast %swap3A_176 : vector<1x16xf32> to vector<16xf32>
        %swap3A_178 = vector.shape_cast %max3A_146 : vector<16xf32> to vector<1x16xf32>
        tpu.vector_store %arg21[%swap3A_174, %swap3A_175], %swap3A_178 {strides = array<i32>} : memref<40x64xf32, #tpu.memory_space<vmem>>, vector<1x16xf32>,
        %swap3A_179 = arith.index_cast %scan3A_93 : i32 to index
        %swap3A_180 = arith.constant 48 : index
        %swap3A_181 = tpu.vector_load %arg21[%swap3A_179, %swap3A_180] {strides = array<i32>} : memref<40x64xf32, #tpu.memory_space<vmem>>, vector<1x16xf32>,
        %swap3A_182 = vector.shape_cast %swap3A_181 : vector<1x16xf32> to vector<16xf32>
        %swap3A_183 = vector.shape_cast %max3A_164 : vector<16xf32> to vector<1x16xf32>
        tpu.vector_store %arg21[%swap3A_179, %swap3A_180], %swap3A_183 {strides = array<i32>} : memref<40x64xf32, #tpu.memory_space<vmem>>, vector<1x16xf32>,
        %mul3A_184 = arith.mulf %max3A, %get3A_6 : vector<16xf32>
        %mul3A_185 = arith.mulf %max3A_128, %get3A_6 : vector<16xf32>
        %mul3A_186 = arith.mulf %max3A_146, %get3A_6 : vector<16xf32>
        %mul3A_187 = arith.mulf %max3A_164, %get3A_6 : vector<16xf32>
        %lt3A_188 = arith.constant 0 : i32
        %lt3A_189 = vector.broadcast %lt3A_188 : i32 to vector<16xi32>
        %lt3A_190 = arith.cmpi slt, %xor3A_8, %lt3A_189 : vector<16xi32>
        %add3A_191 = arith.constant 16 : i32
        %add3A_192 = vector.broadcast %add3A_191 : i32 to vector<16xi32>
        %add3A_193 = arith.addi %xor3A_8, %add3A_192 : vector<16xi32>
        %select_n3A = arith.select %lt3A_190, %add3A_193, %xor3A_8 : vector<16xi1>, vector<16xi32>
        %broadcast_in_dim3A = vector.shape_cast %select_n3A : vector<16xi32> to vector<16x1xi32>
        %gather3A = vector.shape_cast %broadcast_in_dim3A : vector<16x1xi32> to vector<16xi32>
        %gather3A_194 = tpu.dynamic_gather %mul3A_184[%gather3A] in [0] : vector<16xf32>, vector<16xi32> -> vector<16xf32>
        %add3A_195 = arith.addf %mul3A_184, %gather3A_194 : vector<16xf32>
        %lt3A_196 = arith.constant 0 : i32
        %lt3A_197 = vector.broadcast %lt3A_196 : i32 to vector<16xi32>
        %lt3A_198 = arith.cmpi slt, %xor3A_8, %lt3A_197 : vector<16xi32>
        %add3A_199 = arith.constant 16 : i32
        %add3A_200 = vector.broadcast %add3A_199 : i32 to vector<16xi32>
        %add3A_201 = arith.addi %xor3A_8, %add3A_200 : vector<16xi32>
        %select_n3A_202 = arith.select %lt3A_198, %add3A_201, %xor3A_8 : vector<16xi1>, vector<16xi32>
        %broadcast_in_dim3A_203 = vector.shape_cast %select_n3A_202 : vector<16xi32> to vector<16x1xi32>
        %gather3A_204 = vector.shape_cast %broadcast_in_dim3A_203 : vector<16x1xi32> to vector<16xi32>
        %gather3A_205 = tpu.dynamic_gather %mul3A_185[%gather3A_204] in [0] : vector<16xf32>, vector<16xi32> -> vector<16xf32>
        %add3A_206 = arith.addf %mul3A_185, %gather3A_205 : vector<16xf32>
        %lt3A_207 = arith.constant 0 : i32
        %lt3A_208 = vector.broadcast %lt3A_207 : i32 to vector<16xi32>
        %lt3A_209 = arith.cmpi slt, %xor3A_8, %lt3A_208 : vector<16xi32>
        %add3A_210 = arith.constant 16 : i32
        %add3A_211 = vector.broadcast %add3A_210 : i32 to vector<16xi32>
        %add3A_212 = arith.addi %xor3A_8, %add3A_211 : vector<16xi32>
        %select_n3A_213 = arith.select %lt3A_209, %add3A_212, %xor3A_8 : vector<16xi1>, vector<16xi32>
        %broadcast_in_dim3A_214 = vector.shape_cast %select_n3A_213 : vector<16xi32> to vector<16x1xi32>
        %gather3A_215 = vector.shape_cast %broadcast_in_dim3A_214 : vector<16x1xi32> to vector<16xi32>
        %gather3A_216 = tpu.dynamic_gather %mul3A_186[%gather3A_215] in [0] : vector<16xf32>, vector<16xi32> -> vector<16xf32>
        %add3A_217 = arith.addf %mul3A_186, %gather3A_216 : vector<16xf32>
        %lt3A_218 = arith.constant 0 : i32
        %lt3A_219 = vector.broadcast %lt3A_218 : i32 to vector<16xi32>
        %lt3A_220 = arith.cmpi slt, %xor3A_8, %lt3A_219 : vector<16xi32>
        %add3A_221 = arith.constant 16 : i32
        %add3A_222 = vector.broadcast %add3A_221 : i32 to vector<16xi32>
        %add3A_223 = arith.addi %xor3A_8, %add3A_222 : vector<16xi32>
        %select_n3A_224 = arith.select %lt3A_220, %add3A_223, %xor3A_8 : vector<16xi1>, vector<16xi32>
        %broadcast_in_dim3A_225 = vector.shape_cast %select_n3A_224 : vector<16xi32> to vector<16x1xi32>
        %gather3A_226 = vector.shape_cast %broadcast_in_dim3A_225 : vector<16x1xi32> to vector<16xi32>
        %gather3A_227 = tpu.dynamic_gather %mul3A_187[%gather3A_226] in [0] : vector<16xf32>, vector<16xi32> -> vector<16xf32>
        %add3A_228 = arith.addf %mul3A_187, %gather3A_227 : vector<16xf32>
        %lt3A_229 = arith.constant 0 : i32
        %lt3A_230 = vector.broadcast %lt3A_229 : i32 to vector<16xi32>
        %lt3A_231 = arith.cmpi slt, %xor3A_11, %lt3A_230 : vector<16xi32>
        %add3A_232 = arith.constant 16 : i32
        %add3A_233 = vector.broadcast %add3A_232 : i32 to vector<16xi32>
        %add3A_234 = arith.addi %xor3A_11, %add3A_233 : vector<16xi32>
        %select_n3A_235 = arith.select %lt3A_231, %add3A_234, %xor3A_11 : vector<16xi1>, vector<16xi32>
        %broadcast_in_dim3A_236 = vector.shape_cast %select_n3A_235 : vector<16xi32> to vector<16x1xi32>
        %gather3A_237 = vector.shape_cast %broadcast_in_dim3A_236 : vector<16x1xi32> to vector<16xi32>
        %gather3A_238 = tpu.dynamic_gather %add3A_195[%gather3A_237] in [0] : vector<16xf32>, vector<16xi32> -> vector<16xf32>
        %add3A_239 = arith.addf %add3A_195, %gather3A_238 : vector<16xf32>
        %lt3A_240 = arith.constant 0 : i32
        %lt3A_241 = vector.broadcast %lt3A_240 : i32 to vector<16xi32>
        %lt3A_242 = arith.cmpi slt, %xor3A_11, %lt3A_241 : vector<16xi32>
        %add3A_243 = arith.constant 16 : i32
        %add3A_244 = vector.broadcast %add3A_243 : i32 to vector<16xi32>
        %add3A_245 = arith.addi %xor3A_11, %add3A_244 : vector<16xi32>
        %select_n3A_246 = arith.select %lt3A_242, %add3A_245, %xor3A_11 : vector<16xi1>, vector<16xi32>
        %broadcast_in_dim3A_247 = vector.shape_cast %select_n3A_246 : vector<16xi32> to vector<16x1xi32>
        %gather3A_248 = vector.shape_cast %broadcast_in_dim3A_247 : vector<16x1xi32> to vector<16xi32>
        %gather3A_249 = tpu.dynamic_gather %add3A_206[%gather3A_248] in [0] : vector<16xf32>, vector<16xi32> -> vector<16xf32>
        %add3A_250 = arith.addf %add3A_206, %gather3A_249 : vector<16xf32>
        %lt3A_251 = arith.constant 0 : i32
        %lt3A_252 = vector.broadcast %lt3A_251 : i32 to vector<16xi32>
        %lt3A_253 = arith.cmpi slt, %xor3A_11, %lt3A_252 : vector<16xi32>
        %add3A_254 = arith.constant 16 : i32
        %add3A_255 = vector.broadcast %add3A_254 : i32 to vector<16xi32>
        %add3A_256 = arith.addi %xor3A_11, %add3A_255 : vector<16xi32>
        %select_n3A_257 = arith.select %lt3A_253, %add3A_256, %xor3A_11 : vector<16xi1>, vector<16xi32>
        %broadcast_in_dim3A_258 = vector.shape_cast %select_n3A_257 : vector<16xi32> to vector<16x1xi32>
        %gather3A_259 = vector.shape_cast %broadcast_in_dim3A_258 : vector<16x1xi32> to vector<16xi32>
        %gather3A_260 = tpu.dynamic_gather %add3A_217[%gather3A_259] in [0] : vector<16xf32>, vector<16xi32> -> vector<16xf32>
        %add3A_261 = arith.addf %add3A_217, %gather3A_260 : vector<16xf32>
        %lt3A_262 = arith.constant 0 : i32
        %lt3A_263 = vector.broadcast %lt3A_262 : i32 to vector<16xi32>
        %lt3A_264 = arith.cmpi slt, %xor3A_11, %lt3A_263 : vector<16xi32>
        %add3A_265 = arith.constant 16 : i32
        %add3A_266 = vector.broadcast %add3A_265 : i32 to vector<16xi32>
        %add3A_267 = arith.addi %xor3A_11, %add3A_266 : vector<16xi32>
        %select_n3A_268 = arith.select %lt3A_264, %add3A_267, %xor3A_11 : vector<16xi1>, vector<16xi32>
        %broadcast_in_dim3A_269 = vector.shape_cast %select_n3A_268 : vector<16xi32> to vector<16x1xi32>
        %gather3A_270 = vector.shape_cast %broadcast_in_dim3A_269 : vector<16x1xi32> to vector<16xi32>
        %gather3A_271 = tpu.dynamic_gather %add3A_228[%gather3A_270] in [0] : vector<16xf32>, vector<16xi32> -> vector<16xf32>
        %add3A_272 = arith.addf %add3A_228, %gather3A_271 : vector<16xf32>
        %lt3A_273 = arith.constant 0 : i32
        %lt3A_274 = vector.broadcast %lt3A_273 : i32 to vector<16xi32>
        %lt3A_275 = arith.cmpi slt, %xor3A_14, %lt3A_274 : vector<16xi32>
        %add3A_276 = arith.constant 16 : i32
        %add3A_277 = vector.broadcast %add3A_276 : i32 to vector<16xi32>
        %add3A_278 = arith.addi %xor3A_14, %add3A_277 : vector<16xi32>
        %select_n3A_279 = arith.select %lt3A_275, %add3A_278, %xor3A_14 : vector<16xi1>, vector<16xi32>
        %broadcast_in_dim3A_280 = vector.shape_cast %select_n3A_279 : vector<16xi32> to vector<16x1xi32>
        %gather3A_281 = vector.shape_cast %broadcast_in_dim3A_280 : vector<16x1xi32> to vector<16xi32>
        %gather3A_282 = tpu.dynamic_gather %add3A_239[%gather3A_281] in [0] : vector<16xf32>, vector<16xi32> -> vector<16xf32>
        %add3A_283 = arith.addf %add3A_239, %gather3A_282 : vector<16xf32>
        %lt3A_284 = arith.constant 0 : i32
        %lt3A_285 = vector.broadcast %lt3A_284 : i32 to vector<16xi32>
        %lt3A_286 = arith.cmpi slt, %xor3A_14, %lt3A_285 : vector<16xi32>
        %add3A_287 = arith.constant 16 : i32
        %add3A_288 = vector.broadcast %add3A_287 : i32 to vector<16xi32>
        %add3A_289 = arith.addi %xor3A_14, %add3A_288 : vector<16xi32>
        %select_n3A_290 = arith.select %lt3A_286, %add3A_289, %xor3A_14 : vector<16xi1>, vector<16xi32>
        %broadcast_in_dim3A_291 = vector.shape_cast %select_n3A_290 : vector<16xi32> to vector<16x1xi32>
        %gather3A_292 = vector.shape_cast %broadcast_in_dim3A_291 : vector<16x1xi32> to vector<16xi32>
        %gather3A_293 = tpu.dynamic_gather %add3A_250[%gather3A_292] in [0] : vector<16xf32>, vector<16xi32> -> vector<16xf32>
        %add3A_294 = arith.addf %add3A_250, %gather3A_293 : vector<16xf32>
        %lt3A_295 = arith.constant 0 : i32
        %lt3A_296 = vector.broadcast %lt3A_295 : i32 to vector<16xi32>
        %lt3A_297 = arith.cmpi slt, %xor3A_14, %lt3A_296 : vector<16xi32>
        %add3A_298 = arith.constant 16 : i32
        %add3A_299 = vector.broadcast %add3A_298 : i32 to vector<16xi32>
        %add3A_300 = arith.addi %xor3A_14, %add3A_299 : vector<16xi32>
        %select_n3A_301 = arith.select %lt3A_297, %add3A_300, %xor3A_14 : vector<16xi1>, vector<16xi32>
        %broadcast_in_dim3A_302 = vector.shape_cast %select_n3A_301 : vector<16xi32> to vector<16x1xi32>
        %gather3A_303 = vector.shape_cast %broadcast_in_dim3A_302 : vector<16x1xi32> to vector<16xi32>
        %gather3A_304 = tpu.dynamic_gather %add3A_261[%gather3A_303] in [0] : vector<16xf32>, vector<16xi32> -> vector<16xf32>
        %add3A_305 = arith.addf %add3A_261, %gather3A_304 : vector<16xf32>
        %lt3A_306 = arith.constant 0 : i32
        %lt3A_307 = vector.broadcast %lt3A_306 : i32 to vector<16xi32>
        %lt3A_308 = arith.cmpi slt, %xor3A_14, %lt3A_307 : vector<16xi32>
        %add3A_309 = arith.constant 16 : i32
        %add3A_310 = vector.broadcast %add3A_309 : i32 to vector<16xi32>
        %add3A_311 = arith.addi %xor3A_14, %add3A_310 : vector<16xi32>
        %select_n3A_312 = arith.select %lt3A_308, %add3A_311, %xor3A_14 : vector<16xi1>, vector<16xi32>
        %broadcast_in_dim3A_313 = vector.shape_cast %select_n3A_312 : vector<16xi32> to vector<16x1xi32>
        %gather3A_314 = vector.shape_cast %broadcast_in_dim3A_313 : vector<16x1xi32> to vector<16xi32>
        %gather3A_315 = tpu.dynamic_gather %add3A_272[%gather3A_314] in [0] : vector<16xf32>, vector<16xi32> -> vector<16xf32>
        %add3A_316 = arith.addf %add3A_272, %gather3A_315 : vector<16xf32>
        %lt3A_317 = arith.constant 0 : i32
        %lt3A_318 = vector.broadcast %lt3A_317 : i32 to vector<16xi32>
        %lt3A_319 = arith.cmpi slt, %xor3A_17, %lt3A_318 : vector<16xi32>
        %add3A_320 = arith.constant 16 : i32
        %add3A_321 = vector.broadcast %add3A_320 : i32 to vector<16xi32>
        %add3A_322 = arith.addi %xor3A_17, %add3A_321 : vector<16xi32>
        %select_n3A_323 = arith.select %lt3A_319, %add3A_322, %xor3A_17 : vector<16xi1>, vector<16xi32>
        %broadcast_in_dim3A_324 = vector.shape_cast %select_n3A_323 : vector<16xi32> to vector<16x1xi32>
        %gather3A_325 = vector.shape_cast %broadcast_in_dim3A_324 : vector<16x1xi32> to vector<16xi32>
        %gather3A_326 = tpu.dynamic_gather %add3A_283[%gather3A_325] in [0] : vector<16xf32>, vector<16xi32> -> vector<16xf32>
        %add3A_327 = arith.addf %add3A_283, %gather3A_326 : vector<16xf32>
        %lt3A_328 = arith.constant 0 : i32
        %lt3A_329 = vector.broadcast %lt3A_328 : i32 to vector<16xi32>
        %lt3A_330 = arith.cmpi slt, %xor3A_17, %lt3A_329 : vector<16xi32>
        %add3A_331 = arith.constant 16 : i32
        %add3A_332 = vector.broadcast %add3A_331 : i32 to vector<16xi32>
        %add3A_333 = arith.addi %xor3A_17, %add3A_332 : vector<16xi32>
        %select_n3A_334 = arith.select %lt3A_330, %add3A_333, %xor3A_17 : vector<16xi1>, vector<16xi32>
        %broadcast_in_dim3A_335 = vector.shape_cast %select_n3A_334 : vector<16xi32> to vector<16x1xi32>
        %gather3A_336 = vector.shape_cast %broadcast_in_dim3A_335 : vector<16x1xi32> to vector<16xi32>
        %gather3A_337 = tpu.dynamic_gather %add3A_294[%gather3A_336] in [0] : vector<16xf32>, vector<16xi32> -> vector<16xf32>
        %add3A_338 = arith.addf %add3A_294, %gather3A_337 : vector<16xf32>
        %lt3A_339 = arith.constant 0 : i32
        %lt3A_340 = vector.broadcast %lt3A_339 : i32 to vector<16xi32>
        %lt3A_341 = arith.cmpi slt, %xor3A_17, %lt3A_340 : vector<16xi32>
        %add3A_342 = arith.constant 16 : i32
        %add3A_343 = vector.broadcast %add3A_342 : i32 to vector<16xi32>
        %add3A_344 = arith.addi %xor3A_17, %add3A_343 : vector<16xi32>
        %select_n3A_345 = arith.select %lt3A_341, %add3A_344, %xor3A_17 : vector<16xi1>, vector<16xi32>
        %broadcast_in_dim3A_346 = vector.shape_cast %select_n3A_345 : vector<16xi32> to vector<16x1xi32>
        %gather3A_347 = vector.shape_cast %broadcast_in_dim3A_346 : vector<16x1xi32> to vector<16xi32>
        %gather3A_348 = tpu.dynamic_gather %add3A_305[%gather3A_347] in [0] : vector<16xf32>, vector<16xi32> -> vector<16xf32>
        %add3A_349 = arith.addf %add3A_305, %gather3A_348 : vector<16xf32>
        %lt3A_350 = arith.constant 0 : i32
        %lt3A_351 = vector.broadcast %lt3A_350 : i32 to vector<16xi32>
        %lt3A_352 = arith.cmpi slt, %xor3A_17, %lt3A_351 : vector<16xi32>
        %add3A_353 = arith.constant 16 : i32
        %add3A_354 = vector.broadcast %add3A_353 : i32 to vector<16xi32>
        %add3A_355 = arith.addi %xor3A_17, %add3A_354 : vector<16xi32>
        %select_n3A_356 = arith.select %lt3A_352, %add3A_355, %xor3A_17 : vector<16xi1>, vector<16xi32>
        %broadcast_in_dim3A_357 = vector.shape_cast %select_n3A_356 : vector<16xi32> to vector<16x1xi32>
        %gather3A_358 = vector.shape_cast %broadcast_in_dim3A_357 : vector<16x1xi32> to vector<16xi32>
        %gather3A_359 = tpu.dynamic_gather %add3A_316[%gather3A_358] in [0] : vector<16xf32>, vector<16xi32> -> vector<16xf32>
        %add3A_360 = arith.addf %add3A_316, %gather3A_359 : vector<16xf32>
        %exp3A = math.exp %add3A_327 : vector<16xf32>
        %exp3A_361 = math.exp %add3A_338 : vector<16xf32>
        %exp3A_362 = math.exp %add3A_349 : vector<16xf32>
        %exp3A_363 = math.exp %add3A_360 : vector<16xf32>
        %broadcast_in_dim3A_364 = arith.constant 0.000000e+00 : f32
        %broadcast_in_dim3A_365 = vector.broadcast %broadcast_in_dim3A_364 : f32 to vector<16xf32>
        %eq3A = arith.constant 0 : i32
        %eq3A_366 = vector.broadcast %eq3A : i32 to vector<16xi32>
        %eq3A_367 = arith.cmpi eq, %iota3A, %eq3A_366 : vector<16xi32>
        %select_n3A_368 = arith.select %eq3A_367, %exp3A, %broadcast_in_dim3A_365 : vector<16xi1>, vector<16xf32>
        %get3A_369 = arith.index_cast %scan3A_93 : i32 to index
        %get3A_370 = arith.constant 64 : index
        %get3A_371 = tpu.vector_load %arg18[%get3A_369, %get3A_370] {strides = array<i32>} : memref<40x192xf32, #tpu.memory_space<vmem>>, vector<1x16xf32>,
        %get3A_372 = vector.shape_cast %get3A_371 : vector<1x16xf32> to vector<16xf32>
        %get3A_373 = arith.index_cast %scan3A_93 : i32 to index
        %get3A_374 = arith.constant 80 : index
        %get3A_375 = tpu.vector_load %arg18[%get3A_373, %get3A_374] {strides = array<i32>} : memref<40x192xf32, #tpu.memory_space<vmem>>, vector<1x16xf32>,
        %get3A_376 = vector.shape_cast %get3A_375 : vector<1x16xf32> to vector<16xf32>
        %mul3A_377 = arith.mulf %exp3A, %get3A_372 : vector<16xf32>
        %swap3A_378 = arith.index_cast %scan3A_93 : i32 to index
        %swap3A_379 = arith.constant 0 : index
        %swap3A_380 = tpu.vector_load %arg22[%swap3A_378, %swap3A_379] {strides = array<i32>} : memref<40x144xf32, #tpu.memory_space<vmem>>, vector<1x16xf32>,
        %swap3A_381 = vector.shape_cast %swap3A_380 : vector<1x16xf32> to vector<16xf32>
        %swap3A_382 = vector.shape_cast %mul3A_377 : vector<16xf32> to vector<1x16xf32>
        tpu.vector_store %arg22[%swap3A_378, %swap3A_379], %swap3A_382 {strides = array<i32>} : memref<40x144xf32, #tpu.memory_space<vmem>>, vector<1x16xf32>,
        %mul3A_383 = arith.mulf %exp3A, %get3A_376 : vector<16xf32>
        %swap3A_384 = arith.index_cast %scan3A_93 : i32 to index
        %swap3A_385 = arith.constant 16 : index
        %swap3A_386 = tpu.vector_load %arg22[%swap3A_384, %swap3A_385] {strides = array<i32>} : memref<40x144xf32, #tpu.memory_space<vmem>>, vector<1x16xf32>,
        %swap3A_387 = vector.shape_cast %swap3A_386 : vector<1x16xf32> to vector<16xf32>
        %swap3A_388 = vector.shape_cast %mul3A_383 : vector<16xf32> to vector<1x16xf32>
        tpu.vector_store %arg22[%swap3A_384, %swap3A_385], %swap3A_388 {strides = array<i32>} : memref<40x144xf32, #tpu.memory_space<vmem>>, vector<1x16xf32>,
        %eq3A_389 = arith.constant 1 : i32
        %eq3A_390 = vector.broadcast %eq3A_389 : i32 to vector<16xi32>
        %eq3A_391 = arith.cmpi eq, %iota3A, %eq3A_390 : vector<16xi32>
        %select_n3A_392 = arith.select %eq3A_391, %exp3A_361, %select_n3A_368 : vector<16xi1>, vector<16xf32>
        %get3A_393 = arith.index_cast %scan3A_93 : i32 to index
        %get3A_394 = arith.constant 96 : index
        %get3A_395 = tpu.vector_load %arg18[%get3A_393, %get3A_394] {strides = array<i32>} : memref<40x192xf32, #tpu.memory_space<vmem>>, vector<1x16xf32>,
        %get3A_396 = vector.shape_cast %get3A_395 : vector<1x16xf32> to vector<16xf32>
        %get3A_397 = arith.index_cast %scan3A_93 : i32 to index
        %get3A_398 = arith.constant 112 : index
        %get3A_399 = tpu.vector_load %arg18[%get3A_397, %get3A_398] {strides = array<i32>} : memref<40x192xf32, #tpu.memory_space<vmem>>, vector<1x16xf32>,
        %get3A_400 = vector.shape_cast %get3A_399 : vector<1x16xf32> to vector<16xf32>
        %mul3A_401 = arith.mulf %exp3A_361, %get3A_396 : vector<16xf32>
        %swap3A_402 = arith.index_cast %scan3A_93 : i32 to index
        %swap3A_403 = arith.constant 32 : index
        %swap3A_404 = tpu.vector_load %arg22[%swap3A_402, %swap3A_403] {strides = array<i32>} : memref<40x144xf32, #tpu.memory_space<vmem>>, vector<1x16xf32>,
        %swap3A_405 = vector.shape_cast %swap3A_404 : vector<1x16xf32> to vector<16xf32>
        %swap3A_406 = vector.shape_cast %mul3A_401 : vector<16xf32> to vector<1x16xf32>
        tpu.vector_store %arg22[%swap3A_402, %swap3A_403], %swap3A_406 {strides = array<i32>} : memref<40x144xf32, #tpu.memory_space<vmem>>, vector<1x16xf32>,
        %mul3A_407 = arith.mulf %exp3A_361, %get3A_400 : vector<16xf32>
        %swap3A_408 = arith.index_cast %scan3A_93 : i32 to index
        %swap3A_409 = arith.constant 48 : index
        %swap3A_410 = tpu.vector_load %arg22[%swap3A_408, %swap3A_409] {strides = array<i32>} : memref<40x144xf32, #tpu.memory_space<vmem>>, vector<1x16xf32>,
        %swap3A_411 = vector.shape_cast %swap3A_410 : vector<1x16xf32> to vector<16xf32>
        %swap3A_412 = vector.shape_cast %mul3A_407 : vector<16xf32> to vector<1x16xf32>
        tpu.vector_store %arg22[%swap3A_408, %swap3A_409], %swap3A_412 {strides = array<i32>} : memref<40x144xf32, #tpu.memory_space<vmem>>, vector<1x16xf32>,
        %eq3A_413 = arith.constant 2 : i32
        %eq3A_414 = vector.broadcast %eq3A_413 : i32 to vector<16xi32>
        %eq3A_415 = arith.cmpi eq, %iota3A, %eq3A_414 : vector<16xi32>
        %select_n3A_416 = arith.select %eq3A_415, %exp3A_362, %select_n3A_392 : vector<16xi1>, vector<16xf32>
        %get3A_417 = arith.index_cast %scan3A_93 : i32 to index
        %get3A_418 = arith.constant 128 : index
        %get3A_419 = tpu.vector_load %arg18[%get3A_417, %get3A_418] {strides = array<i32>} : memref<40x192xf32, #tpu.memory_space<vmem>>, vector<1x16xf32>,
        %get3A_420 = vector.shape_cast %get3A_419 : vector<1x16xf32> to vector<16xf32>
        %get3A_421 = arith.index_cast %scan3A_93 : i32 to index
        %get3A_422 = arith.constant 144 : index
        %get3A_423 = tpu.vector_load %arg18[%get3A_421, %get3A_422] {strides = array<i32>} : memref<40x192xf32, #tpu.memory_space<vmem>>, vector<1x16xf32>,
        %get3A_424 = vector.shape_cast %get3A_423 : vector<1x16xf32> to vector<16xf32>
        %mul3A_425 = arith.mulf %exp3A_362, %get3A_420 : vector<16xf32>
        %swap3A_426 = arith.index_cast %scan3A_93 : i32 to index
        %swap3A_427 = arith.constant 64 : index
        %swap3A_428 = tpu.vector_load %arg22[%swap3A_426, %swap3A_427] {strides = array<i32>} : memref<40x144xf32, #tpu.memory_space<vmem>>, vector<1x16xf32>,
        %swap3A_429 = vector.shape_cast %swap3A_428 : vector<1x16xf32> to vector<16xf32>
        %swap3A_430 = vector.shape_cast %mul3A_425 : vector<16xf32> to vector<1x16xf32>
        tpu.vector_store %arg22[%swap3A_426, %swap3A_427], %swap3A_430 {strides = array<i32>} : memref<40x144xf32, #tpu.memory_space<vmem>>, vector<1x16xf32>,
        %mul3A_431 = arith.mulf %exp3A_362, %get3A_424 : vector<16xf32>
        %swap3A_432 = arith.index_cast %scan3A_93 : i32 to index
        %swap3A_433 = arith.constant 80 : index
        %swap3A_434 = tpu.vector_load %arg22[%swap3A_432, %swap3A_433] {strides = array<i32>} : memref<40x144xf32, #tpu.memory_space<vmem>>, vector<1x16xf32>,
        %swap3A_435 = vector.shape_cast %swap3A_434 : vector<1x16xf32> to vector<16xf32>
        %swap3A_436 = vector.shape_cast %mul3A_431 : vector<16xf32> to vector<1x16xf32>
        tpu.vector_store %arg22[%swap3A_432, %swap3A_433], %swap3A_436 {strides = array<i32>} : memref<40x144xf32, #tpu.memory_space<vmem>>, vector<1x16xf32>,
        %eq3A_437 = arith.constant 3 : i32
        %eq3A_438 = vector.broadcast %eq3A_437 : i32 to vector<16xi32>
        %eq3A_439 = arith.cmpi eq, %iota3A, %eq3A_438 : vector<16xi32>
        %select_n3A_440 = arith.select %eq3A_439, %exp3A_363, %select_n3A_416 : vector<16xi1>, vector<16xf32>
        %get3A_441 = arith.index_cast %scan3A_93 : i32 to index
        %get3A_442 = arith.constant 160 : index
        %get3A_443 = tpu.vector_load %arg18[%get3A_441, %get3A_442] {strides = array<i32>} : memref<40x192xf32, #tpu.memory_space<vmem>>, vector<1x16xf32>,
        %get3A_444 = vector.shape_cast %get3A_443 : vector<1x16xf32> to vector<16xf32>
        %get3A_445 = arith.index_cast %scan3A_93 : i32 to index
        %get3A_446 = arith.constant 176 : index
        %get3A_447 = tpu.vector_load %arg18[%get3A_445, %get3A_446] {strides = array<i32>} : memref<40x192xf32, #tpu.memory_space<vmem>>, vector<1x16xf32>,
        %get3A_448 = vector.shape_cast %get3A_447 : vector<1x16xf32> to vector<16xf32>
        %mul3A_449 = arith.mulf %exp3A_363, %get3A_444 : vector<16xf32>
        %swap3A_450 = arith.index_cast %scan3A_93 : i32 to index
        %swap3A_451 = arith.constant 96 : index
        %swap3A_452 = tpu.vector_load %arg22[%swap3A_450, %swap3A_451] {strides = array<i32>} : memref<40x144xf32, #tpu.memory_space<vmem>>, vector<1x16xf32>,
        %swap3A_453 = vector.shape_cast %swap3A_452 : vector<1x16xf32> to vector<16xf32>
        %swap3A_454 = vector.shape_cast %mul3A_449 : vector<16xf32> to vector<1x16xf32>
        tpu.vector_store %arg22[%swap3A_450, %swap3A_451], %swap3A_454 {strides = array<i32>} : memref<40x144xf32, #tpu.memory_space<vmem>>, vector<1x16xf32>,
        %mul3A_455 = arith.mulf %exp3A_363, %get3A_448 : vector<16xf32>
        %swap3A_456 = arith.index_cast %scan3A_93 : i32 to index
        %swap3A_457 = arith.constant 112 : index
        %swap3A_458 = tpu.vector_load %arg22[%swap3A_456, %swap3A_457] {strides = array<i32>} : memref<40x144xf32, #tpu.memory_space<vmem>>, vector<1x16xf32>,
        %swap3A_459 = vector.shape_cast %swap3A_458 : vector<1x16xf32> to vector<16xf32>
        %swap3A_460 = vector.shape_cast %mul3A_455 : vector<16xf32> to vector<1x16xf32>
        tpu.vector_store %arg22[%swap3A_456, %swap3A_457], %swap3A_460 {strides = array<i32>} : memref<40x144xf32, #tpu.memory_space<vmem>>, vector<1x16xf32>,
        %swap3A_461 = arith.index_cast %scan3A_93 : i32 to index
        %swap3A_462 = arith.constant 128 : index
        %swap3A_463 = tpu.vector_load %arg22[%swap3A_461, %swap3A_462] {strides = array<i32>} : memref<40x144xf32, #tpu.memory_space<vmem>>, vector<1x16xf32>,
        %swap3A_464 = vector.shape_cast %swap3A_463 : vector<1x16xf32> to vector<16xf32>
        %swap3A_465 = vector.shape_cast %select_n3A_440 : vector<16xf32> to vector<1x16xf32>
        tpu.vector_store %arg22[%swap3A_461, %swap3A_462], %swap3A_465 {strides = array<i32>} : memref<40x144xf32, #tpu.memory_space<vmem>>, vector<1x16xf32>,
        %scan3A_466 = arith.constant 1 : i32
        %scan3A_467 = arith.addi %scan3A_93, %scan3A_466 : i32
        %get3A_468 = arith.index_cast %scan3A_467 : i32 to index
        %get3A_469 = arith.constant 0 : index
        %get3A_470 = tpu.vector_load %arg18[%get3A_468, %get3A_469] {strides = array<i32>} : memref<40x192xf32, #tpu.memory_space<vmem>>, vector<1x16xf32>,
        %get3A_471 = vector.shape_cast %get3A_470 : vector<1x16xf32> to vector<16xf32>
        %get3A_472 = arith.index_cast %scan3A_467 : i32 to index
        %get3A_473 = arith.constant 0 : index
        %get3A_474 = tpu.vector_load %arg19[%get3A_472, %get3A_473] {strides = array<i32>} : memref<40x64xf32, #tpu.memory_space<vmem>>, vector<1x16xf32>,
        %get3A_475 = vector.shape_cast %get3A_474 : vector<1x16xf32> to vector<16xf32>
        %add3A_476 = arith.addf %get3A_471, %get3A_475 : vector<16xf32>
        %get3A_477 = arith.index_cast %scan3A_467 : i32 to index
        %get3A_478 = arith.constant 0 : index
        %get3A_479 = tpu.vector_load %arg20[%get3A_477, %get3A_478] {strides = array<i32>} : memref<40x64xf32, #tpu.memory_space<vmem>>, vector<1x16xf32>,
        %get3A_480 = vector.shape_cast %get3A_479 : vector<1x16xf32> to vector<16xf32>
        %add3A_481 = arith.addf %add3A_476, %get3A_480 : vector<16xf32>
        %mul3A_482 = arith.constant 0.00999999977 : f32
        %mul3A_483 = vector.broadcast %mul3A_482 : f32 to vector<16xf32>
        %mul3A_484 = arith.mulf %add3A_481, %mul3A_483 : vector<16xf32>
        %max3A_485 = arith.maximumf %add3A_481, %mul3A_484 : vector<16xf32>
        %get3A_486 = arith.index_cast %scan3A_467 : i32 to index
        %get3A_487 = arith.constant 16 : index
        %get3A_488 = tpu.vector_load %arg18[%get3A_486, %get3A_487] {strides = array<i32>} : memref<40x192xf32, #tpu.memory_space<vmem>>, vector<1x16xf32>,
        %get3A_489 = vector.shape_cast %get3A_488 : vector<1x16xf32> to vector<16xf32>
        %get3A_490 = arith.index_cast %scan3A_467 : i32 to index
        %get3A_491 = arith.constant 16 : index
        %get3A_492 = tpu.vector_load %arg19[%get3A_490, %get3A_491] {strides = array<i32>} : memref<40x64xf32, #tpu.memory_space<vmem>>, vector<1x16xf32>,
        %get3A_493 = vector.shape_cast %get3A_492 : vector<1x16xf32> to vector<16xf32>
        %add3A_494 = arith.addf %get3A_489, %get3A_493 : vector<16xf32>
        %get3A_495 = arith.index_cast %scan3A_467 : i32 to index
        %get3A_496 = arith.constant 16 : index
        %get3A_497 = tpu.vector_load %arg20[%get3A_495, %get3A_496] {strides = array<i32>} : memref<40x64xf32, #tpu.memory_space<vmem>>, vector<1x16xf32>,
        %get3A_498 = vector.shape_cast %get3A_497 : vector<1x16xf32> to vector<16xf32>
        %add3A_499 = arith.addf %add3A_494, %get3A_498 : vector<16xf32>
        %mul3A_500 = arith.constant 0.00999999977 : f32
        %mul3A_501 = vector.broadcast %mul3A_500 : f32 to vector<16xf32>
        %mul3A_502 = arith.mulf %add3A_499, %mul3A_501 : vector<16xf32>
        %max3A_503 = arith.maximumf %add3A_499, %mul3A_502 : vector<16xf32>
        %get3A_504 = arith.index_cast %scan3A_467 : i32 to index
        %get3A_505 = arith.constant 32 : index
        %get3A_506 = tpu.vector_load %arg18[%get3A_504, %get3A_505] {strides = array<i32>} : memref<40x192xf32, #tpu.memory_space<vmem>>, vector<1x16xf32>,
        %get3A_507 = vector.shape_cast %get3A_506 : vector<1x16xf32> to vector<16xf32>
        %get3A_508 = arith.index_cast %scan3A_467 : i32 to index
        %get3A_509 = arith.constant 32 : index
        %get3A_510 = tpu.vector_load %arg19[%get3A_508, %get3A_509] {strides = array<i32>} : memref<40x64xf32, #tpu.memory_space<vmem>>, vector<1x16xf32>,
        %get3A_511 = vector.shape_cast %get3A_510 : vector<1x16xf32> to vector<16xf32>
        %add3A_512 = arith.addf %get3A_507, %get3A_511 : vector<16xf32>
        %get3A_513 = arith.index_cast %scan3A_467 : i32 to index
        %get3A_514 = arith.constant 32 : index
        %get3A_515 = tpu.vector_load %arg20[%get3A_513, %get3A_514] {strides = array<i32>} : memref<40x64xf32, #tpu.memory_space<vmem>>, vector<1x16xf32>,
        %get3A_516 = vector.shape_cast %get3A_515 : vector<1x16xf32> to vector<16xf32>
        %add3A_517 = arith.addf %add3A_512, %get3A_516 : vector<16xf32>
        %mul3A_518 = arith.constant 0.00999999977 : f32
        %mul3A_519 = vector.broadcast %mul3A_518 : f32 to vector<16xf32>
        %mul3A_520 = arith.mulf %add3A_517, %mul3A_519 : vector<16xf32>
        %max3A_521 = arith.maximumf %add3A_517, %mul3A_520 : vector<16xf32>
        %get3A_522 = arith.index_cast %scan3A_467 : i32 to index
        %get3A_523 = arith.constant 48 : index
        %get3A_524 = tpu.vector_load %arg18[%get3A_522, %get3A_523] {strides = array<i32>} : memref<40x192xf32, #tpu.memory_space<vmem>>, vector<1x16xf32>,
        %get3A_525 = vector.shape_cast %get3A_524 : vector<1x16xf32> to vector<16xf32>
        %get3A_526 = arith.index_cast %scan3A_467 : i32 to index
        %get3A_527 = arith.constant 48 : index
        %get3A_528 = tpu.vector_load %arg19[%get3A_526, %get3A_527] {strides = array<i32>} : memref<40x64xf32, #tpu.memory_space<vmem>>, vector<1x16xf32>,
        %get3A_529 = vector.shape_cast %get3A_528 : vector<1x16xf32> to vector<16xf32>
        %add3A_530 = arith.addf %get3A_525, %get3A_529 : vector<16xf32>
        %get3A_531 = arith.index_cast %scan3A_467 : i32 to index
        %get3A_532 = arith.constant 48 : index
        %get3A_533 = tpu.vector_load %arg20[%get3A_531, %get3A_532] {strides = array<i32>} : memref<40x64xf32, #tpu.memory_space<vmem>>, vector<1x16xf32>,
        %get3A_534 = vector.shape_cast %get3A_533 : vector<1x16xf32> to vector<16xf32>
        %add3A_535 = arith.addf %add3A_530, %get3A_534 : vector<16xf32>
        %mul3A_536 = arith.constant 0.00999999977 : f32
        %mul3A_537 = vector.broadcast %mul3A_536 : f32 to vector<16xf32>
        %mul3A_538 = arith.mulf %add3A_535, %mul3A_537 : vector<16xf32>
        %max3A_539 = arith.maximumf %add3A_535, %mul3A_538 : vector<16xf32>
        %swap3A_540 = arith.index_cast %scan3A_467 : i32 to index
        %swap3A_541 = arith.constant 0 : index
        %swap3A_542 = tpu.vector_load %arg21[%swap3A_540, %swap3A_541] {strides = array<i32>} : memref<40x64xf32, #tpu.memory_space<vmem>>, vector<1x16xf32>,
        %swap3A_543 = vector.shape_cast %swap3A_542 : vector<1x16xf32> to vector<16xf32>
        %swap3A_544 = vector.shape_cast %max3A_485 : vector<16xf32> to vector<1x16xf32>
        tpu.vector_store %arg21[%swap3A_540, %swap3A_541], %swap3A_544 {strides = array<i32>} : memref<40x64xf32, #tpu.memory_space<vmem>>, vector<1x16xf32>,
        %swap3A_545 = arith.index_cast %scan3A_467 : i32 to index
        %swap3A_546 = arith.constant 16 : index
        %swap3A_547 = tpu.vector_load %arg21[%swap3A_545, %swap3A_546] {strides = array<i32>} : memref<40x64xf32, #tpu.memory_space<vmem>>, vector<1x16xf32>,
        %swap3A_548 = vector.shape_cast %swap3A_547 : vector<1x16xf32> to vector<16xf32>
        %swap3A_549 = vector.shape_cast %max3A_503 : vector<16xf32> to vector<1x16xf32>
        tpu.vector_store %arg21[%swap3A_545, %swap3A_546], %swap3A_549 {strides = array<i32>} : memref<40x64xf32, #tpu.memory_space<vmem>>, vector<1x16xf32>,
        %swap3A_550 = arith.index_cast %scan3A_467 : i32 to index
        %swap3A_551 = arith.constant 32 : index
        %swap3A_552 = tpu.vector_load %arg21[%swap3A_550, %swap3A_551] {strides = array<i32>} : memref<40x64xf32, #tpu.memory_space<vmem>>, vector<1x16xf32>,
        %swap3A_553 = vector.shape_cast %swap3A_552 : vector<1x16xf32> to vector<16xf32>
        %swap3A_554 = vector.shape_cast %max3A_521 : vector<16xf32> to vector<1x16xf32>
        tpu.vector_store %arg21[%swap3A_550, %swap3A_551], %swap3A_554 {strides = array<i32>} : memref<40x64xf32, #tpu.memory_space<vmem>>, vector<1x16xf32>,
        %swap3A_555 = arith.index_cast %scan3A_467 : i32 to index
        %swap3A_556 = arith.constant 48 : index
        %swap3A_557 = tpu.vector_load %arg21[%swap3A_555, %swap3A_556] {strides = array<i32>} : memref<40x64xf32, #tpu.memory_space<vmem>>, vector<1x16xf32>,
        %swap3A_558 = vector.shape_cast %swap3A_557 : vector<1x16xf32> to vector<16xf32>
        %swap3A_559 = vector.shape_cast %max3A_539 : vector<16xf32> to vector<1x16xf32>
        tpu.vector_store %arg21[%swap3A_555, %swap3A_556], %swap3A_559 {strides = array<i32>} : memref<40x64xf32, #tpu.memory_space<vmem>>, vector<1x16xf32>,
        %mul3A_560 = arith.mulf %max3A_485, %get3A_6 : vector<16xf32>
        %mul3A_561 = arith.mulf %max3A_503, %get3A_6 : vector<16xf32>
        %mul3A_562 = arith.mulf %max3A_521, %get3A_6 : vector<16xf32>
        %mul3A_563 = arith.mulf %max3A_539, %get3A_6 : vector<16xf32>
        %lt3A_564 = arith.constant 0 : i32
        %lt3A_565 = vector.broadcast %lt3A_564 : i32 to vector<16xi32>
        %lt3A_566 = arith.cmpi slt, %xor3A_8, %lt3A_565 : vector<16xi32>
        %add3A_567 = arith.constant 16 : i32
        %add3A_568 = vector.broadcast %add3A_567 : i32 to vector<16xi32>
        %add3A_569 = arith.addi %xor3A_8, %add3A_568 : vector<16xi32>
        %select_n3A_570 = arith.select %lt3A_566, %add3A_569, %xor3A_8 : vector<16xi1>, vector<16xi32>
        %broadcast_in_dim3A_571 = vector.shape_cast %select_n3A_570 : vector<16xi32> to vector<16x1xi32>
        %gather3A_572 = vector.shape_cast %broadcast_in_dim3A_571 : vector<16x1xi32> to vector<16xi32>
        %gather3A_573 = tpu.dynamic_gather %mul3A_560[%gather3A_572] in [0] : vector<16xf32>, vector<16xi32> -> vector<16xf32>
        %add3A_574 = arith.addf %mul3A_560, %gather3A_573 : vector<16xf32>
        %lt3A_575 = arith.constant 0 : i32
        %lt3A_576 = vector.broadcast %lt3A_575 : i32 to vector<16xi32>
        %lt3A_577 = arith.cmpi slt, %xor3A_8, %lt3A_576 : vector<16xi32>
        %add3A_578 = arith.constant 16 : i32
        %add3A_579 = vector.broadcast %add3A_578 : i32 to vector<16xi32>
        %add3A_580 = arith.addi %xor3A_8, %add3A_579 : vector<16xi32>
        %select_n3A_581 = arith.select %lt3A_577, %add3A_580, %xor3A_8 : vector<16xi1>, vector<16xi32>
        %broadcast_in_dim3A_582 = vector.shape_cast %select_n3A_581 : vector<16xi32> to vector<16x1xi32>
        %gather3A_583 = vector.shape_cast %broadcast_in_dim3A_582 : vector<16x1xi32> to vector<16xi32>
        %gather3A_584 = tpu.dynamic_gather %mul3A_561[%gather3A_583] in [0] : vector<16xf32>, vector<16xi32> -> vector<16xf32>
        %add3A_585 = arith.addf %mul3A_561, %gather3A_584 : vector<16xf32>
        %lt3A_586 = arith.constant 0 : i32
        %lt3A_587 = vector.broadcast %lt3A_586 : i32 to vector<16xi32>
        %lt3A_588 = arith.cmpi slt, %xor3A_8, %lt3A_587 : vector<16xi32>
        %add3A_589 = arith.constant 16 : i32
        %add3A_590 = vector.broadcast %add3A_589 : i32 to vector<16xi32>
        %add3A_591 = arith.addi %xor3A_8, %add3A_590 : vector<16xi32>
        %select_n3A_592 = arith.select %lt3A_588, %add3A_591, %xor3A_8 : vector<16xi1>, vector<16xi32>
        %broadcast_in_dim3A_593 = vector.shape_cast %select_n3A_592 : vector<16xi32> to vector<16x1xi32>
        %gather3A_594 = vector.shape_cast %broadcast_in_dim3A_593 : vector<16x1xi32> to vector<16xi32>
        %gather3A_595 = tpu.dynamic_gather %mul3A_562[%gather3A_594] in [0] : vector<16xf32>, vector<16xi32> -> vector<16xf32>
        %add3A_596 = arith.addf %mul3A_562, %gather3A_595 : vector<16xf32>
        %lt3A_597 = arith.constant 0 : i32
        %lt3A_598 = vector.broadcast %lt3A_597 : i32 to vector<16xi32>
        %lt3A_599 = arith.cmpi slt, %xor3A_8, %lt3A_598 : vector<16xi32>
        %add3A_600 = arith.constant 16 : i32
        %add3A_601 = vector.broadcast %add3A_600 : i32 to vector<16xi32>
        %add3A_602 = arith.addi %xor3A_8, %add3A_601 : vector<16xi32>
        %select_n3A_603 = arith.select %lt3A_599, %add3A_602, %xor3A_8 : vector<16xi1>, vector<16xi32>
        %broadcast_in_dim3A_604 = vector.shape_cast %select_n3A_603 : vector<16xi32> to vector<16x1xi32>
        %gather3A_605 = vector.shape_cast %broadcast_in_dim3A_604 : vector<16x1xi32> to vector<16xi32>
        %gather3A_606 = tpu.dynamic_gather %mul3A_563[%gather3A_605] in [0] : vector<16xf32>, vector<16xi32> -> vector<16xf32>
        %add3A_607 = arith.addf %mul3A_563, %gather3A_606 : vector<16xf32>
        %lt3A_608 = arith.constant 0 : i32
        %lt3A_609 = vector.broadcast %lt3A_608 : i32 to vector<16xi32>
        %lt3A_610 = arith.cmpi slt, %xor3A_11, %lt3A_609 : vector<16xi32>
        %add3A_611 = arith.constant 16 : i32
        %add3A_612 = vector.broadcast %add3A_611 : i32 to vector<16xi32>
        %add3A_613 = arith.addi %xor3A_11, %add3A_612 : vector<16xi32>
        %select_n3A_614 = arith.select %lt3A_610, %add3A_613, %xor3A_11 : vector<16xi1>, vector<16xi32>
        %broadcast_in_dim3A_615 = vector.shape_cast %select_n3A_614 : vector<16xi32> to vector<16x1xi32>
        %gather3A_616 = vector.shape_cast %broadcast_in_dim3A_615 : vector<16x1xi32> to vector<16xi32>
        %gather3A_617 = tpu.dynamic_gather %add3A_574[%gather3A_616] in [0] : vector<16xf32>, vector<16xi32> -> vector<16xf32>
        %add3A_618 = arith.addf %add3A_574, %gather3A_617 : vector<16xf32>
        %lt3A_619 = arith.constant 0 : i32
        %lt3A_620 = vector.broadcast %lt3A_619 : i32 to vector<16xi32>
        %lt3A_621 = arith.cmpi slt, %xor3A_11, %lt3A_620 : vector<16xi32>
        %add3A_622 = arith.constant 16 : i32
        %add3A_623 = vector.broadcast %add3A_622 : i32 to vector<16xi32>
        %add3A_624 = arith.addi %xor3A_11, %add3A_623 : vector<16xi32>
        %select_n3A_625 = arith.select %lt3A_621, %add3A_624, %xor3A_11 : vector<16xi1>, vector<16xi32>
        %broadcast_in_dim3A_626 = vector.shape_cast %select_n3A_625 : vector<16xi32> to vector<16x1xi32>
        %gather3A_627 = vector.shape_cast %broadcast_in_dim3A_626 : vector<16x1xi32> to vector<16xi32>
        %gather3A_628 = tpu.dynamic_gather %add3A_585[%gather3A_627] in [0] : vector<16xf32>, vector<16xi32> -> vector<16xf32>
        %add3A_629 = arith.addf %add3A_585, %gather3A_628 : vector<16xf32>
        %lt3A_630 = arith.constant 0 : i32
        %lt3A_631 = vector.broadcast %lt3A_630 : i32 to vector<16xi32>
        %lt3A_632 = arith.cmpi slt, %xor3A_11, %lt3A_631 : vector<16xi32>
        %add3A_633 = arith.constant 16 : i32
        %add3A_634 = vector.broadcast %add3A_633 : i32 to vector<16xi32>
        %add3A_635 = arith.addi %xor3A_11, %add3A_634 : vector<16xi32>
        %select_n3A_636 = arith.select %lt3A_632, %add3A_635, %xor3A_11 : vector<16xi1>, vector<16xi32>
        %broadcast_in_dim3A_637 = vector.shape_cast %select_n3A_636 : vector<16xi32> to vector<16x1xi32>
        %gather3A_638 = vector.shape_cast %broadcast_in_dim3A_637 : vector<16x1xi32> to vector<16xi32>
        %gather3A_639 = tpu.dynamic_gather %add3A_596[%gather3A_638] in [0] : vector<16xf32>, vector<16xi32> -> vector<16xf32>
        %add3A_640 = arith.addf %add3A_596, %gather3A_639 : vector<16xf32>
        %lt3A_641 = arith.constant 0 : i32
        %lt3A_642 = vector.broadcast %lt3A_641 : i32 to vector<16xi32>
        %lt3A_643 = arith.cmpi slt, %xor3A_11, %lt3A_642 : vector<16xi32>
        %add3A_644 = arith.constant 16 : i32
        %add3A_645 = vector.broadcast %add3A_644 : i32 to vector<16xi32>
        %add3A_646 = arith.addi %xor3A_11, %add3A_645 : vector<16xi32>
        %select_n3A_647 = arith.select %lt3A_643, %add3A_646, %xor3A_11 : vector<16xi1>, vector<16xi32>
        %broadcast_in_dim3A_648 = vector.shape_cast %select_n3A_647 : vector<16xi32> to vector<16x1xi32>
        %gather3A_649 = vector.shape_cast %broadcast_in_dim3A_648 : vector<16x1xi32> to vector<16xi32>
        %gather3A_650 = tpu.dynamic_gather %add3A_607[%gather3A_649] in [0] : vector<16xf32>, vector<16xi32> -> vector<16xf32>
        %add3A_651 = arith.addf %add3A_607, %gather3A_650 : vector<16xf32>
        %lt3A_652 = arith.constant 0 : i32
        %lt3A_653 = vector.broadcast %lt3A_652 : i32 to vector<16xi32>
        %lt3A_654 = arith.cmpi slt, %xor3A_14, %lt3A_653 : vector<16xi32>
        %add3A_655 = arith.constant 16 : i32
        %add3A_656 = vector.broadcast %add3A_655 : i32 to vector<16xi32>
        %add3A_657 = arith.addi %xor3A_14, %add3A_656 : vector<16xi32>
        %select_n3A_658 = arith.select %lt3A_654, %add3A_657, %xor3A_14 : vector<16xi1>, vector<16xi32>
        %broadcast_in_dim3A_659 = vector.shape_cast %select_n3A_658 : vector<16xi32> to vector<16x1xi32>
        %gather3A_660 = vector.shape_cast %broadcast_in_dim3A_659 : vector<16x1xi32> to vector<16xi32>
        %gather3A_661 = tpu.dynamic_gather %add3A_618[%gather3A_660] in [0] : vector<16xf32>, vector<16xi32> -> vector<16xf32>
        %add3A_662 = arith.addf %add3A_618, %gather3A_661 : vector<16xf32>
        %lt3A_663 = arith.constant 0 : i32
        %lt3A_664 = vector.broadcast %lt3A_663 : i32 to vector<16xi32>
        %lt3A_665 = arith.cmpi slt, %xor3A_14, %lt3A_664 : vector<16xi32>
        %add3A_666 = arith.constant 16 : i32
        %add3A_667 = vector.broadcast %add3A_666 : i32 to vector<16xi32>
        %add3A_668 = arith.addi %xor3A_14, %add3A_667 : vector<16xi32>
        %select_n3A_669 = arith.select %lt3A_665, %add3A_668, %xor3A_14 : vector<16xi1>, vector<16xi32>
        %broadcast_in_dim3A_670 = vector.shape_cast %select_n3A_669 : vector<16xi32> to vector<16x1xi32>
        %gather3A_671 = vector.shape_cast %broadcast_in_dim3A_670 : vector<16x1xi32> to vector<16xi32>
        %gather3A_672 = tpu.dynamic_gather %add3A_629[%gather3A_671] in [0] : vector<16xf32>, vector<16xi32> -> vector<16xf32>
        %add3A_673 = arith.addf %add3A_629, %gather3A_672 : vector<16xf32>
        %lt3A_674 = arith.constant 0 : i32
        %lt3A_675 = vector.broadcast %lt3A_674 : i32 to vector<16xi32>
        %lt3A_676 = arith.cmpi slt, %xor3A_14, %lt3A_675 : vector<16xi32>
        %add3A_677 = arith.constant 16 : i32
        %add3A_678 = vector.broadcast %add3A_677 : i32 to vector<16xi32>
        %add3A_679 = arith.addi %xor3A_14, %add3A_678 : vector<16xi32>
        %select_n3A_680 = arith.select %lt3A_676, %add3A_679, %xor3A_14 : vector<16xi1>, vector<16xi32>
        %broadcast_in_dim3A_681 = vector.shape_cast %select_n3A_680 : vector<16xi32> to vector<16x1xi32>
        %gather3A_682 = vector.shape_cast %broadcast_in_dim3A_681 : vector<16x1xi32> to vector<16xi32>
        %gather3A_683 = tpu.dynamic_gather %add3A_640[%gather3A_682] in [0] : vector<16xf32>, vector<16xi32> -> vector<16xf32>
        %add3A_684 = arith.addf %add3A_640, %gather3A_683 : vector<16xf32>
        %lt3A_685 = arith.constant 0 : i32
        %lt3A_686 = vector.broadcast %lt3A_685 : i32 to vector<16xi32>
        %lt3A_687 = arith.cmpi slt, %xor3A_14, %lt3A_686 : vector<16xi32>
        %add3A_688 = arith.constant 16 : i32
        %add3A_689 = vector.broadcast %add3A_688 : i32 to vector<16xi32>
        %add3A_690 = arith.addi %xor3A_14, %add3A_689 : vector<16xi32>
        %select_n3A_691 = arith.select %lt3A_687, %add3A_690, %xor3A_14 : vector<16xi1>, vector<16xi32>
        %broadcast_in_dim3A_692 = vector.shape_cast %select_n3A_691 : vector<16xi32> to vector<16x1xi32>
        %gather3A_693 = vector.shape_cast %broadcast_in_dim3A_692 : vector<16x1xi32> to vector<16xi32>
        %gather3A_694 = tpu.dynamic_gather %add3A_651[%gather3A_693] in [0] : vector<16xf32>, vector<16xi32> -> vector<16xf32>
        %add3A_695 = arith.addf %add3A_651, %gather3A_694 : vector<16xf32>
        %lt3A_696 = arith.constant 0 : i32
        %lt3A_697 = vector.broadcast %lt3A_696 : i32 to vector<16xi32>
        %lt3A_698 = arith.cmpi slt, %xor3A_17, %lt3A_697 : vector<16xi32>
        %add3A_699 = arith.constant 16 : i32
        %add3A_700 = vector.broadcast %add3A_699 : i32 to vector<16xi32>
        %add3A_701 = arith.addi %xor3A_17, %add3A_700 : vector<16xi32>
        %select_n3A_702 = arith.select %lt3A_698, %add3A_701, %xor3A_17 : vector<16xi1>, vector<16xi32>
        %broadcast_in_dim3A_703 = vector.shape_cast %select_n3A_702 : vector<16xi32> to vector<16x1xi32>
        %gather3A_704 = vector.shape_cast %broadcast_in_dim3A_703 : vector<16x1xi32> to vector<16xi32>
        %gather3A_705 = tpu.dynamic_gather %add3A_662[%gather3A_704] in [0] : vector<16xf32>, vector<16xi32> -> vector<16xf32>
        %add3A_706 = arith.addf %add3A_662, %gather3A_705 : vector<16xf32>
        %lt3A_707 = arith.constant 0 : i32
        %lt3A_708 = vector.broadcast %lt3A_707 : i32 to vector<16xi32>
        %lt3A_709 = arith.cmpi slt, %xor3A_17, %lt3A_708 : vector<16xi32>
        %add3A_710 = arith.constant 16 : i32
        %add3A_711 = vector.broadcast %add3A_710 : i32 to vector<16xi32>
        %add3A_712 = arith.addi %xor3A_17, %add3A_711 : vector<16xi32>
        %select_n3A_713 = arith.select %lt3A_709, %add3A_712, %xor3A_17 : vector<16xi1>, vector<16xi32>
        %broadcast_in_dim3A_714 = vector.shape_cast %select_n3A_713 : vector<16xi32> to vector<16x1xi32>
        %gather3A_715 = vector.shape_cast %broadcast_in_dim3A_714 : vector<16x1xi32> to vector<16xi32>
        %gather3A_716 = tpu.dynamic_gather %add3A_673[%gather3A_715] in [0] : vector<16xf32>, vector<16xi32> -> vector<16xf32>
        %add3A_717 = arith.addf %add3A_673, %gather3A_716 : vector<16xf32>
        %lt3A_718 = arith.constant 0 : i32
        %lt3A_719 = vector.broadcast %lt3A_718 : i32 to vector<16xi32>
        %lt3A_720 = arith.cmpi slt, %xor3A_17, %lt3A_719 : vector<16xi32>
        %add3A_721 = arith.constant 16 : i32
        %add3A_722 = vector.broadcast %add3A_721 : i32 to vector<16xi32>
        %add3A_723 = arith.addi %xor3A_17, %add3A_722 : vector<16xi32>
        %select_n3A_724 = arith.select %lt3A_720, %add3A_723, %xor3A_17 : vector<16xi1>, vector<16xi32>
        %broadcast_in_dim3A_725 = vector.shape_cast %select_n3A_724 : vector<16xi32> to vector<16x1xi32>
        %gather3A_726 = vector.shape_cast %broadcast_in_dim3A_725 : vector<16x1xi32> to vector<16xi32>
        %gather3A_727 = tpu.dynamic_gather %add3A_684[%gather3A_726] in [0] : vector<16xf32>, vector<16xi32> -> vector<16xf32>
        %add3A_728 = arith.addf %add3A_684, %gather3A_727 : vector<16xf32>
        %lt3A_729 = arith.constant 0 : i32
        %lt3A_730 = vector.broadcast %lt3A_729 : i32 to vector<16xi32>
        %lt3A_731 = arith.cmpi slt, %xor3A_17, %lt3A_730 : vector<16xi32>
        %add3A_732 = arith.constant 16 : i32
        %add3A_733 = vector.broadcast %add3A_732 : i32 to vector<16xi32>
        %add3A_734 = arith.addi %xor3A_17, %add3A_733 : vector<16xi32>
        %select_n3A_735 = arith.select %lt3A_731, %add3A_734, %xor3A_17 : vector<16xi1>, vector<16xi32>
        %broadcast_in_dim3A_736 = vector.shape_cast %select_n3A_735 : vector<16xi32> to vector<16x1xi32>
        %gather3A_737 = vector.shape_cast %broadcast_in_dim3A_736 : vector<16x1xi32> to vector<16xi32>
        %gather3A_738 = tpu.dynamic_gather %add3A_695[%gather3A_737] in [0] : vector<16xf32>, vector<16xi32> -> vector<16xf32>
        %add3A_739 = arith.addf %add3A_695, %gather3A_738 : vector<16xf32>
        %exp3A_740 = math.exp %add3A_706 : vector<16xf32>
        %exp3A_741 = math.exp %add3A_717 : vector<16xf32>
        %exp3A_742 = math.exp %add3A_728 : vector<16xf32>
        %exp3A_743 = math.exp %add3A_739 : vector<16xf32>
        %broadcast_in_dim3A_744 = arith.constant 0.000000e+00 : f32
        %broadcast_in_dim3A_745 = vector.broadcast %broadcast_in_dim3A_744 : f32 to vector<16xf32>
        %eq3A_746 = arith.constant 0 : i32
        %eq3A_747 = vector.broadcast %eq3A_746 : i32 to vector<16xi32>
        %eq3A_748 = arith.cmpi eq, %iota3A, %eq3A_747 : vector<16xi32>
        %select_n3A_749 = arith.select %eq3A_748, %exp3A_740, %broadcast_in_dim3A_745 : vector<16xi1>, vector<16xf32>
        %get3A_750 = arith.index_cast %scan3A_467 : i32 to index
        %get3A_751 = arith.constant 64 : index
        %get3A_752 = tpu.vector_load %arg18[%get3A_750, %get3A_751] {strides = array<i32>} : memref<40x192xf32, #tpu.memory_space<vmem>>, vector<1x16xf32>,
        %get3A_753 = vector.shape_cast %get3A_752 : vector<1x16xf32> to vector<16xf32>
        %get3A_754 = arith.index_cast %scan3A_467 : i32 to index
        %get3A_755 = arith.constant 80 : index
        %get3A_756 = tpu.vector_load %arg18[%get3A_754, %get3A_755] {strides = array<i32>} : memref<40x192xf32, #tpu.memory_space<vmem>>, vector<1x16xf32>,
        %get3A_757 = vector.shape_cast %get3A_756 : vector<1x16xf32> to vector<16xf32>
        %mul3A_758 = arith.mulf %exp3A_740, %get3A_753 : vector<16xf32>
        %swap3A_759 = arith.index_cast %scan3A_467 : i32 to index
        %swap3A_760 = arith.constant 0 : index
        %swap3A_761 = tpu.vector_load %arg22[%swap3A_759, %swap3A_760] {strides = array<i32>} : memref<40x144xf32, #tpu.memory_space<vmem>>, vector<1x16xf32>,
        %swap3A_762 = vector.shape_cast %swap3A_761 : vector<1x16xf32> to vector<16xf32>
        %swap3A_763 = vector.shape_cast %mul3A_758 : vector<16xf32> to vector<1x16xf32>
        tpu.vector_store %arg22[%swap3A_759, %swap3A_760], %swap3A_763 {strides = array<i32>} : memref<40x144xf32, #tpu.memory_space<vmem>>, vector<1x16xf32>,
        %mul3A_764 = arith.mulf %exp3A_740, %get3A_757 : vector<16xf32>
        %swap3A_765 = arith.index_cast %scan3A_467 : i32 to index
        %swap3A_766 = arith.constant 16 : index
        %swap3A_767 = tpu.vector_load %arg22[%swap3A_765, %swap3A_766] {strides = array<i32>} : memref<40x144xf32, #tpu.memory_space<vmem>>, vector<1x16xf32>,
        %swap3A_768 = vector.shape_cast %swap3A_767 : vector<1x16xf32> to vector<16xf32>
        %swap3A_769 = vector.shape_cast %mul3A_764 : vector<16xf32> to vector<1x16xf32>
        tpu.vector_store %arg22[%swap3A_765, %swap3A_766], %swap3A_769 {strides = array<i32>} : memref<40x144xf32, #tpu.memory_space<vmem>>, vector<1x16xf32>,
        %eq3A_770 = arith.constant 1 : i32
        %eq3A_771 = vector.broadcast %eq3A_770 : i32 to vector<16xi32>
        %eq3A_772 = arith.cmpi eq, %iota3A, %eq3A_771 : vector<16xi32>
        %select_n3A_773 = arith.select %eq3A_772, %exp3A_741, %select_n3A_749 : vector<16xi1>, vector<16xf32>
        %get3A_774 = arith.index_cast %scan3A_467 : i32 to index
        %get3A_775 = arith.constant 96 : index
        %get3A_776 = tpu.vector_load %arg18[%get3A_774, %get3A_775] {strides = array<i32>} : memref<40x192xf32, #tpu.memory_space<vmem>>, vector<1x16xf32>,
        %get3A_777 = vector.shape_cast %get3A_776 : vector<1x16xf32> to vector<16xf32>
        %get3A_778 = arith.index_cast %scan3A_467 : i32 to index
        %get3A_779 = arith.constant 112 : index
        %get3A_780 = tpu.vector_load %arg18[%get3A_778, %get3A_779] {strides = array<i32>} : memref<40x192xf32, #tpu.memory_space<vmem>>, vector<1x16xf32>,
        %get3A_781 = vector.shape_cast %get3A_780 : vector<1x16xf32> to vector<16xf32>
        %mul3A_782 = arith.mulf %exp3A_741, %get3A_777 : vector<16xf32>
        %swap3A_783 = arith.index_cast %scan3A_467 : i32 to index
        %swap3A_784 = arith.constant 32 : index
        %swap3A_785 = tpu.vector_load %arg22[%swap3A_783, %swap3A_784] {strides = array<i32>} : memref<40x144xf32, #tpu.memory_space<vmem>>, vector<1x16xf32>,
        %swap3A_786 = vector.shape_cast %swap3A_785 : vector<1x16xf32> to vector<16xf32>
        %swap3A_787 = vector.shape_cast %mul3A_782 : vector<16xf32> to vector<1x16xf32>
        tpu.vector_store %arg22[%swap3A_783, %swap3A_784], %swap3A_787 {strides = array<i32>} : memref<40x144xf32, #tpu.memory_space<vmem>>, vector<1x16xf32>,
        %mul3A_788 = arith.mulf %exp3A_741, %get3A_781 : vector<16xf32>
        %swap3A_789 = arith.index_cast %scan3A_467 : i32 to index
        %swap3A_790 = arith.constant 48 : index
        %swap3A_791 = tpu.vector_load %arg22[%swap3A_789, %swap3A_790] {strides = array<i32>} : memref<40x144xf32, #tpu.memory_space<vmem>>, vector<1x16xf32>,
        %swap3A_792 = vector.shape_cast %swap3A_791 : vector<1x16xf32> to vector<16xf32>
        %swap3A_793 = vector.shape_cast %mul3A_788 : vector<16xf32> to vector<1x16xf32>
        tpu.vector_store %arg22[%swap3A_789, %swap3A_790], %swap3A_793 {strides = array<i32>} : memref<40x144xf32, #tpu.memory_space<vmem>>, vector<1x16xf32>,
        %eq3A_794 = arith.constant 2 : i32
        %eq3A_795 = vector.broadcast %eq3A_794 : i32 to vector<16xi32>
        %eq3A_796 = arith.cmpi eq, %iota3A, %eq3A_795 : vector<16xi32>
        %select_n3A_797 = arith.select %eq3A_796, %exp3A_742, %select_n3A_773 : vector<16xi1>, vector<16xf32>
        %get3A_798 = arith.index_cast %scan3A_467 : i32 to index
        %get3A_799 = arith.constant 128 : index
        %get3A_800 = tpu.vector_load %arg18[%get3A_798, %get3A_799] {strides = array<i32>} : memref<40x192xf32, #tpu.memory_space<vmem>>, vector<1x16xf32>,
        %get3A_801 = vector.shape_cast %get3A_800 : vector<1x16xf32> to vector<16xf32>
        %get3A_802 = arith.index_cast %scan3A_467 : i32 to index
        %get3A_803 = arith.constant 144 : index
        %get3A_804 = tpu.vector_load %arg18[%get3A_802, %get3A_803] {strides = array<i32>} : memref<40x192xf32, #tpu.memory_space<vmem>>, vector<1x16xf32>,
        %get3A_805 = vector.shape_cast %get3A_804 : vector<1x16xf32> to vector<16xf32>
        %mul3A_806 = arith.mulf %exp3A_742, %get3A_801 : vector<16xf32>
        %swap3A_807 = arith.index_cast %scan3A_467 : i32 to index
        %swap3A_808 = arith.constant 64 : index
        %swap3A_809 = tpu.vector_load %arg22[%swap3A_807, %swap3A_808] {strides = array<i32>} : memref<40x144xf32, #tpu.memory_space<vmem>>, vector<1x16xf32>,
        %swap3A_810 = vector.shape_cast %swap3A_809 : vector<1x16xf32> to vector<16xf32>
        %swap3A_811 = vector.shape_cast %mul3A_806 : vector<16xf32> to vector<1x16xf32>
        tpu.vector_store %arg22[%swap3A_807, %swap3A_808], %swap3A_811 {strides = array<i32>} : memref<40x144xf32, #tpu.memory_space<vmem>>, vector<1x16xf32>,
        %mul3A_812 = arith.mulf %exp3A_742, %get3A_805 : vector<16xf32>
        %swap3A_813 = arith.index_cast %scan3A_467 : i32 to index
        %swap3A_814 = arith.constant 80 : index
        %swap3A_815 = tpu.vector_load %arg22[%swap3A_813, %swap3A_814] {strides = array<i32>} : memref<40x144xf32, #tpu.memory_space<vmem>>, vector<1x16xf32>,
        %swap3A_816 = vector.shape_cast %swap3A_815 : vector<1x16xf32> to vector<16xf32>
        %swap3A_817 = vector.shape_cast %mul3A_812 : vector<16xf32> to vector<1x16xf32>
        tpu.vector_store %arg22[%swap3A_813, %swap3A_814], %swap3A_817 {strides = array<i32>} : memref<40x144xf32, #tpu.memory_space<vmem>>, vector<1x16xf32>,
        %eq3A_818 = arith.constant 3 : i32
        %eq3A_819 = vector.broadcast %eq3A_818 : i32 to vector<16xi32>
        %eq3A_820 = arith.cmpi eq, %iota3A, %eq3A_819 : vector<16xi32>
        %select_n3A_821 = arith.select %eq3A_820, %exp3A_743, %select_n3A_797 : vector<16xi1>, vector<16xf32>
        %get3A_822 = arith.index_cast %scan3A_467 : i32 to index
        %get3A_823 = arith.constant 160 : index
        %get3A_824 = tpu.vector_load %arg18[%get3A_822, %get3A_823] {strides = array<i32>} : memref<40x192xf32, #tpu.memory_space<vmem>>, vector<1x16xf32>,
        %get3A_825 = vector.shape_cast %get3A_824 : vector<1x16xf32> to vector<16xf32>
        %get3A_826 = arith.index_cast %scan3A_467 : i32 to index
        %get3A_827 = arith.constant 176 : index
        %get3A_828 = tpu.vector_load %arg18[%get3A_826, %get3A_827] {strides = array<i32>} : memref<40x192xf32, #tpu.memory_space<vmem>>, vector<1x16xf32>,
        %get3A_829 = vector.shape_cast %get3A_828 : vector<1x16xf32> to vector<16xf32>
        %mul3A_830 = arith.mulf %exp3A_743, %get3A_825 : vector<16xf32>
        %swap3A_831 = arith.index_cast %scan3A_467 : i32 to index
        %swap3A_832 = arith.constant 96 : index
        %swap3A_833 = tpu.vector_load %arg22[%swap3A_831, %swap3A_832] {strides = array<i32>} : memref<40x144xf32, #tpu.memory_space<vmem>>, vector<1x16xf32>,
        %swap3A_834 = vector.shape_cast %swap3A_833 : vector<1x16xf32> to vector<16xf32>
        %swap3A_835 = vector.shape_cast %mul3A_830 : vector<16xf32> to vector<1x16xf32>
        tpu.vector_store %arg22[%swap3A_831, %swap3A_832], %swap3A_835 {strides = array<i32>} : memref<40x144xf32, #tpu.memory_space<vmem>>, vector<1x16xf32>,
        %mul3A_836 = arith.mulf %exp3A_743, %get3A_829 : vector<16xf32>
        %swap3A_837 = arith.index_cast %scan3A_467 : i32 to index
        %swap3A_838 = arith.constant 112 : index
        %swap3A_839 = tpu.vector_load %arg22[%swap3A_837, %swap3A_838] {strides = array<i32>} : memref<40x144xf32, #tpu.memory_space<vmem>>, vector<1x16xf32>,
        %swap3A_840 = vector.shape_cast %swap3A_839 : vector<1x16xf32> to vector<16xf32>
        %swap3A_841 = vector.shape_cast %mul3A_836 : vector<16xf32> to vector<1x16xf32>
        tpu.vector_store %arg22[%swap3A_837, %swap3A_838], %swap3A_841 {strides = array<i32>} : memref<40x144xf32, #tpu.memory_space<vmem>>, vector<1x16xf32>,
        %swap3A_842 = arith.index_cast %scan3A_467 : i32 to index
        %swap3A_843 = arith.constant 128 : index
        %swap3A_844 = tpu.vector_load %arg22[%swap3A_842, %swap3A_843] {strides = array<i32>} : memref<40x144xf32, #tpu.memory_space<vmem>>, vector<1x16xf32>,
        %swap3A_845 = vector.shape_cast %swap3A_844 : vector<1x16xf32> to vector<16xf32>
        %swap3A_846 = vector.shape_cast %select_n3A_821 : vector<16xf32> to vector<1x16xf32>
        tpu.vector_store %arg22[%swap3A_842, %swap3A_843], %swap3A_846 {strides = array<i32>} : memref<40x144xf32, #tpu.memory_space<vmem>>, vector<1x16xf32>,
      }
      %scan3A_92 = arith.constant 40 : i32
      "tpu.region"() ({
        %run_scoped3A = tpu.sem_alloc : memref<!tpu.dma_semaphore, #tpu.memory_space<semaphore_mem>>
        %dma_start3A_93 = arith.constant 0 : i32
        %dma_start3A_94 = tpu.memref_slice %arg9[%multiple_of3A_86, %dma_start3A_93] : memref<320000x64xf32, #tpu.memory_space<hbm>> -> memref<40x64xf32, #tpu.memory_space<hbm>>
        %dma_start3A_95 = arith.constant 0 : i32
        %dma_start3A_96 = tpu.memref_slice %arg9[%multiple_of3A_86, %dma_start3A_95] : memref<320000x64xf32, #tpu.memory_space<hbm>> -> memref<40x64xf32, #tpu.memory_space<hbm>>
        tpu.enqueue_dma source(%arg21 : memref<40x64xf32, #tpu.memory_space<vmem>>) target(%dma_start3A_96 : memref<40x64xf32, #tpu.memory_space<hbm>>) target_semaphore(%run_scoped3A : memref<!tpu.dma_semaphore, #tpu.memory_space<semaphore_mem>>)
        %dma_wait3A_97 = arith.constant 0 : i32
        %dma_wait3A_98 = tpu.memref_slice %arg9[%multiple_of3A_86, %dma_wait3A_97] : memref<320000x64xf32, #tpu.memory_space<hbm>> -> memref<40x64xf32, #tpu.memory_space<hbm>>
        %dma_wait3A_99 = arith.constant 0 : i32
        %dma_wait3A_100 = tpu.memref_slice %arg9[%multiple_of3A_86, %dma_wait3A_99] : memref<320000x64xf32, #tpu.memory_space<hbm>> -> memref<40x64xf32, #tpu.memory_space<hbm>>
        tpu.wait_dma2 semaphore(%run_scoped3A : memref<!tpu.dma_semaphore, #tpu.memory_space<semaphore_mem>>) src(%arg21 : memref<40x64xf32, #tpu.memory_space<vmem>>) dst(%dma_wait3A_100 : memref<40x64xf32, #tpu.memory_space<hbm>>)
        tpu.yield
      }) : () -> ()
      "tpu.region"() ({
        %run_scoped3A = tpu.sem_alloc : memref<!tpu.dma_semaphore, #tpu.memory_space<semaphore_mem>>
        %dma_start3A_93 = arith.constant 0 : i32
        %dma_start3A_94 = arith.constant 0 : i32
        %dma_start3A_95 = tpu.memref_slice %arg24[%dma_start3A_93, %dma_start3A_94] : memref<10112x144xf32, #tpu.memory_space<vmem_shared>> -> memref<10112x144xf32, #tpu.memory_space<vmem_shared>>
        tpu.enqueue_indirect_dma source(%arg22 : memref<40x144xf32, #tpu.memory_space<vmem>>) target(%dma_start3A_95 : memref<10112x144xf32, #tpu.memory_space<vmem_shared>>) offsets(%arg17 : memref<40xi32, #tpu.memory_space<vmem>>) semaphore(%run_scoped3A : memref<!tpu.dma_semaphore, #tpu.memory_space<semaphore_mem>>) {add = true}
        %dma_wait3A_96 = arith.constant 0 : i32
        %dma_wait3A_97 = arith.constant 0 : i32
        %dma_wait3A_98 = tpu.memref_slice %arg24[%dma_wait3A_96, %dma_wait3A_97] : memref<10112x144xf32, #tpu.memory_space<vmem_shared>> -> memref<10112x144xf32, #tpu.memory_space<vmem_shared>>
        tpu.wait_indirect_dma semaphore(%run_scoped3A : memref<!tpu.dma_semaphore, #tpu.memory_space<semaphore_mem>>) src(%arg22 : memref<40x144xf32, #tpu.memory_space<vmem>>) dst(%dma_wait3A_98 : memref<10112x144xf32, #tpu.memory_space<vmem_shared>>)
        tpu.yield
      }) : () -> ()
    }
    %scan3A_31 = arith.constant 125 : i32
    %barrier3A_32 = arith.constant 0 : index
    tpu.barrier barrier_id(%barrier3A_32)
    %mul3A_33 = arith.constant 632 : i32
    %mul3A_34 = arith.muli %arg1, %mul3A_33 : i32
    %mul3A_35 = arith.constant 632 : i32
    %mul3A_36 = arith.muli %arg1, %mul3A_35 : i32
    "tpu.region"() ({
      %run_scoped3A = tpu.sem_alloc : memref<!tpu.dma_semaphore, #tpu.memory_space<semaphore_mem>>
      %dma_start3A_37 = arith.constant 0 : i32
      %dma_start3A_38 = tpu.memref_slice %arg10[%arg0, %mul3A_36, %dma_start3A_37] : memref<2x10112x144xf32, #tpu.memory_space<hbm>> -> memref<1x632x144xf32, #tpu.memory_space<hbm>>
      %dma_start3A_39 = tpu.memref_squeeze %dma_start3A_38 : memref<1x632x144xf32, #tpu.memory_space<hbm>> -> memref<632x144xf32, #tpu.memory_space<hbm>>
      %dma_start3A_40 = arith.constant 0 : i32
      %dma_start3A_41 = tpu.memref_slice %arg24[%mul3A_34, %dma_start3A_40] : memref<10112x144xf32, #tpu.memory_space<vmem_shared>> -> memref<632x144xf32, #tpu.memory_space<vmem_shared>>
      tpu.enqueue_dma source(%dma_start3A_41 : memref<632x144xf32, #tpu.memory_space<vmem_shared>>) target(%dma_start3A_39 : memref<632x144xf32, #tpu.memory_space<hbm>>) target_semaphore(%run_scoped3A : memref<!tpu.dma_semaphore, #tpu.memory_space<semaphore_mem>>)
      %dma_wait3A = arith.constant 0 : i32
      %dma_wait3A_42 = tpu.memref_slice %arg10[%arg0, %mul3A_36, %dma_wait3A] : memref<2x10112x144xf32, #tpu.memory_space<hbm>> -> memref<1x632x144xf32, #tpu.memory_space<hbm>>
      %dma_wait3A_43 = tpu.memref_squeeze %dma_wait3A_42 : memref<1x632x144xf32, #tpu.memory_space<hbm>> -> memref<632x144xf32, #tpu.memory_space<hbm>>
      %dma_wait3A_44 = arith.constant 0 : i32
      %dma_wait3A_45 = tpu.memref_slice %arg24[%mul3A_34, %dma_wait3A_44] : memref<10112x144xf32, #tpu.memory_space<vmem_shared>> -> memref<632x144xf32, #tpu.memory_space<vmem_shared>>
      tpu.wait_dma2 semaphore(%run_scoped3A : memref<!tpu.dma_semaphore, #tpu.memory_space<semaphore_mem>>) src(%dma_wait3A_45 : memref<632x144xf32, #tpu.memory_space<vmem_shared>>) dst(%dma_wait3A_43 : memref<632x144xf32, #tpu.memory_space<hbm>>)
      tpu.yield
    }) : () -> ()
    return
  }
}

module attributes {stable_mosaic.version = 14 : i64} {
  func.func @_node_tables_body(%arg0: i32, %arg1: memref<1000x128xf32, #tpu.memory_space<vmem>>, %arg2: memref<128x256xf32, #tpu.memory_space<vmem>>, %arg3: memref<1x256xf32, #tpu.memory_space<vmem>>, %arg4: memref<1000x192xf32, #tpu.memory_space<vmem>>, %arg5: memref<1000x64xf32, #tpu.memory_space<vmem>>) attributes {dimension_semantics = [#tpu.dimension_semantics<arbitrary>], iteration_bounds = array<i64: 10>, scalar_prefetch = 0 : i64, scratch_operands = 0 : i64, tpu.core_type = #tpu.core_type<tc>, window_params = [{transform_indices = @transform_0, window_bounds = array<i64: 1000, 128>}, {pipeline_mode = #tpu.pipeline_mode<synchronous>, transform_indices = @transform_1, window_bounds = array<i64: 128, 256>}, {pipeline_mode = #tpu.pipeline_mode<synchronous>, transform_indices = @transform_2, window_bounds = array<i64: 1, 256>}, {transform_indices = @transform_3, window_bounds = array<i64: 1000, 192>}, {transform_indices = @transform_4, window_bounds = array<i64: 1000, 64>}]} {
    %get3A = arith.constant 0 : index
    %get3A_0 = arith.constant 0 : index
    %get3A_1 = vector.load %arg1[%get3A, %get3A_0] : memref<1000x128xf32, #tpu.memory_space<vmem>>, vector<1000x128xf32>
    %get3A_2 = arith.constant 0 : index
    %get3A_3 = arith.constant 0 : index
    %get3A_4 = vector.load %arg2[%get3A_2, %get3A_3] : memref<128x256xf32, #tpu.memory_space<vmem>>, vector<128x256xf32>
    %dot_general3A = arith.constant dense<0.000000e+00> : vector<1000x256xf32>
    %dot_general3A_5 = tpu.matmul %get3A_1, %get3A_4, %dot_general3A {dimension_numbers = #tpu.dot_dimension_numbers<[1], [0], [0], [1], [0, 0, 1, 1], [], []>, transpose_lhs_hint = false} : vector<1000x128xf32>, vector<128x256xf32>, vector<1000x256xf32> -> vector<1000x256xf32>
    %get3A_6 = arith.constant 0 : index
    %get3A_7 = arith.constant 0 : index
    %get3A_8 = vector.load %arg3[%get3A_6, %get3A_7] : memref<1x256xf32, #tpu.memory_space<vmem>>, vector<1x256xf32>
    %add3A = vector.broadcast %get3A_8 : vector<1x256xf32> to vector<1000x256xf32>
    %add3A_9 = arith.addf %dot_general3A_5, %add3A : vector<1000x256xf32>
    %slice3A = vector.extract_strided_slice %add3A_9 {offsets = [0, 0], sizes = [1000, 192], strides = [1, 1]} : vector<1000x256xf32> to vector<1000x192xf32>
    %swap3A = arith.constant 0 : index
    %swap3A_10 = arith.constant 0 : index
    %swap3A_11 = vector.load %arg4[%swap3A, %swap3A_10] : memref<1000x192xf32, #tpu.memory_space<vmem>>, vector<1000x192xf32>
    tpu.vector_store %arg4[%swap3A, %swap3A_10], %slice3A {strides = array<i32>} : memref<1000x192xf32, #tpu.memory_space<vmem>>, vector<1000x192xf32>,
    %slice3A_12 = vector.extract_strided_slice %add3A_9 {offsets = [0, 192], sizes = [1000, 64], strides = [1, 1]} : vector<1000x256xf32> to vector<1000x64xf32>
    %swap3A_13 = arith.constant 0 : index
    %swap3A_14 = arith.constant 0 : index
    %swap3A_15 = vector.load %arg5[%swap3A_13, %swap3A_14] : memref<1000x64xf32, #tpu.memory_space<vmem>>, vector<1000x64xf32>
    tpu.vector_store %arg5[%swap3A_13, %swap3A_14], %slice3A_12 {strides = array<i32>} : memref<1000x64xf32, #tpu.memory_space<vmem>>, vector<1000x64xf32>,
    return
  }
  func.func @transform_0(%arg0: i32) -> (i32, i32) {
    %c0_i32 = arith.constant 0 : i32
    %c0_i32_0 = arith.constant 0 : i32
    return %arg0, %c0_i32 : i32, i32
  }
  func.func @transform_1(%arg0: i32) -> (i32, i32) {
    %c0_i32 = arith.constant 0 : i32
    %c0_i32_0 = arith.constant 0 : i32
    %c0_i32_1 = arith.constant 0 : i32
    return %c0_i32, %c0_i32_0 : i32, i32
  }
  func.func @transform_2(%arg0: i32) -> (i32, i32) {
    %c0_i32 = arith.constant 0 : i32
    %c0_i32_0 = arith.constant 0 : i32
    %c0_i32_1 = arith.constant 0 : i32
    return %c0_i32, %c0_i32_0 : i32, i32
  }
  func.func @transform_3(%arg0: i32) -> (i32, i32) {
    %c0_i32 = arith.constant 0 : i32
    %c0_i32_0 = arith.constant 0 : i32
    return %arg0, %c0_i32 : i32, i32
  }
  func.func @transform_4(%arg0: i32) -> (i32, i32) {
    %c0_i32 = arith.constant 0 : i32
    %c0_i32_0 = arith.constant 0 : i32
    return %arg0, %c0_i32 : i32, i32
  }
}

module attributes {stable_mosaic.version = 14 : i64} {
  func.func @_pe_body(%arg0: i32, %arg1: memref<4000x16xf32, #tpu.memory_space<vmem>>, %arg2: memref<16x64xf32, #tpu.memory_space<vmem>>, %arg3: memref<1x64xf32, #tpu.memory_space<vmem>>, %arg4: memref<4000x64xf32, #tpu.memory_space<vmem>>) attributes {dimension_semantics = [#tpu.dimension_semantics<arbitrary>], iteration_bounds = array<i64: 80>, scalar_prefetch = 0 : i64, scratch_operands = 0 : i64, tpu.core_type = #tpu.core_type<tc>, window_params = [{transform_indices = @transform_0, window_bounds = array<i64: 4000, 16>}, {pipeline_mode = #tpu.pipeline_mode<synchronous>, transform_indices = @transform_1, window_bounds = array<i64: 16, 64>}, {pipeline_mode = #tpu.pipeline_mode<synchronous>, transform_indices = @transform_2, window_bounds = array<i64: 1, 64>}, {transform_indices = @transform_3, window_bounds = array<i64: 4000, 64>}]} {
    %get3A = arith.constant 0 : index
    %get3A_0 = arith.constant 0 : index
    %get3A_1 = vector.load %arg1[%get3A, %get3A_0] : memref<4000x16xf32, #tpu.memory_space<vmem>>, vector<4000x16xf32>
    %get3A_2 = arith.constant 0 : index
    %get3A_3 = arith.constant 0 : index
    %get3A_4 = vector.load %arg2[%get3A_2, %get3A_3] : memref<16x64xf32, #tpu.memory_space<vmem>>, vector<16x64xf32>
    %dot_general3A = arith.constant dense<0.000000e+00> : vector<4000x64xf32>
    %dot_general3A_5 = tpu.matmul %get3A_1, %get3A_4, %dot_general3A {dimension_numbers = #tpu.dot_dimension_numbers<[1], [0], [0], [1], [0, 0, 1, 1], [], []>, transpose_lhs_hint = false} : vector<4000x16xf32>, vector<16x64xf32>, vector<4000x64xf32> -> vector<4000x64xf32>
    %get3A_6 = arith.constant 0 : index
    %get3A_7 = arith.constant 0 : index
    %get3A_8 = vector.load %arg3[%get3A_6, %get3A_7] : memref<1x64xf32, #tpu.memory_space<vmem>>, vector<1x64xf32>
    %add3A = vector.broadcast %get3A_8 : vector<1x64xf32> to vector<4000x64xf32>
    %add3A_9 = arith.addf %dot_general3A_5, %add3A : vector<4000x64xf32>
    %swap3A = arith.constant 0 : index
    %swap3A_10 = arith.constant 0 : index
    %swap3A_11 = vector.load %arg4[%swap3A, %swap3A_10] : memref<4000x64xf32, #tpu.memory_space<vmem>>, vector<4000x64xf32>
    tpu.vector_store %arg4[%swap3A, %swap3A_10], %add3A_9 {strides = array<i32>} : memref<4000x64xf32, #tpu.memory_space<vmem>>, vector<4000x64xf32>,
    return
  }
  func.func @transform_0(%arg0: i32) -> (i32, i32) {
    %c0_i32 = arith.constant 0 : i32
    %c0_i32_0 = arith.constant 0 : i32
    return %arg0, %c0_i32 : i32, i32
  }
  func.func @transform_1(%arg0: i32) -> (i32, i32) {
    %c0_i32 = arith.constant 0 : i32
    %c0_i32_0 = arith.constant 0 : i32
    %c0_i32_1 = arith.constant 0 : i32
    return %c0_i32, %c0_i32_0 : i32, i32
  }
  func.func @transform_2(%arg0: i32) -> (i32, i32) {
    %c0_i32 = arith.constant 0 : i32
    %c0_i32_0 = arith.constant 0 : i32
    %c0_i32_1 = arith.constant 0 : i32
    return %c0_i32, %c0_i32_0 : i32, i32
  }
  func.func @transform_3(%arg0: i32) -> (i32, i32) {
    %c0_i32 = arith.constant 0 : i32
    %c0_i32_0 = arith.constant 0 : i32
    return %arg0, %c0_i32 : i32, i32
  }
}

module attributes {stable_mosaic.version = 14 : i64} {
  func.func @_combine_body(%arg0: i32, %arg1: memref<2x632x144xf32, #tpu.memory_space<vmem>>, %arg2: memref<4x128xf32, #tpu.memory_space<vmem>>, %arg3: memref<632x128xf32, #tpu.memory_space<vmem>>) attributes {dimension_semantics = [#tpu.dimension_semantics<arbitrary>], iteration_bounds = array<i64: 16>, scalar_prefetch = 0 : i64, scratch_operands = 0 : i64, tpu.core_type = #tpu.core_type<tc>, window_params = [{transform_indices = @transform_0, window_bounds = array<i64: 2, 632, 144>}, {pipeline_mode = #tpu.pipeline_mode<synchronous>, transform_indices = @transform_1, window_bounds = array<i64: 4, 128>}, {transform_indices = @transform_2, window_bounds = array<i64: 632, 128>}]} {
    %get3A = arith.constant 0 : index
    %get3A_0 = arith.constant 0 : index
    %get3A_1 = arith.constant 0 : index
    %get3A_2 = vector.load %arg1[%get3A, %get3A_0, %get3A_1] : memref<2x632x144xf32, #tpu.memory_space<vmem>>, vector<2x632x144xf32>
    %slice3A = vector.extract_strided_slice %get3A_2 {offsets = [0, 0, 0], sizes = [1, 632, 128], strides = [1, 1, 1]} : vector<2x632x144xf32> to vector<1x632x128xf32>
    %squeeze3A = vector.shape_cast %slice3A : vector<1x632x128xf32> to vector<632x128xf32>
    %slice3A_3 = vector.extract_strided_slice %get3A_2 {offsets = [1, 0, 0], sizes = [1, 632, 128], strides = [1, 1, 1]} : vector<2x632x144xf32> to vector<1x632x128xf32>
    %squeeze3A_4 = vector.shape_cast %slice3A_3 : vector<1x632x128xf32> to vector<632x128xf32>
    %add3A = arith.addf %squeeze3A, %squeeze3A_4 : vector<632x128xf32>
    %slice3A_5 = vector.extract_strided_slice %get3A_2 {offsets = [0, 0, 128], sizes = [1, 632, 4], strides = [1, 1, 1]} : vector<2x632x144xf32> to vector<1x632x4xf32>
    %squeeze3A_6 = vector.shape_cast %slice3A_5 : vector<1x632x4xf32> to vector<632x4xf32>
    %slice3A_7 = vector.extract_strided_slice %get3A_2 {offsets = [1, 0, 128], sizes = [1, 632, 4], strides = [1, 1, 1]} : vector<2x632x144xf32> to vector<1x632x4xf32>
    %squeeze3A_8 = vector.shape_cast %slice3A_7 : vector<1x632x4xf32> to vector<632x4xf32>
    %add3A_9 = arith.addf %squeeze3A_6, %squeeze3A_8 : vector<632x4xf32>
    %get3A_10 = arith.constant 0 : index
    %get3A_11 = arith.constant 0 : index
    %get3A_12 = vector.load %arg2[%get3A_10, %get3A_11] : memref<4x128xf32, #tpu.memory_space<vmem>>, vector<4x128xf32>
    %dot_general3A = arith.constant dense<0.000000e+00> : vector<632x128xf32>
    %dot_general3A_13 = tpu.matmul %add3A_9, %get3A_12, %dot_general3A {dimension_numbers = #tpu.dot_dimension_numbers<[1], [0], [0], [1], [0, 0, 1, 1], [], []>, transpose_lhs_hint = false} : vector<632x4xf32>, vector<4x128xf32>, vector<632x128xf32> -> vector<632x128xf32>
    %max3A = arith.constant 9.99999971E-10 : f32
    %max3A_14 = vector.broadcast %max3A : f32 to vector<632x128xf32>
    %max3A_15 = arith.maximumf %dot_general3A_13, %max3A_14 : vector<632x128xf32>
    %div3A = arith.divf %add3A, %max3A_15 : vector<632x128xf32>
    %swap3A = arith.constant 0 : index
    %swap3A_16 = arith.constant 0 : index
    %swap3A_17 = vector.load %arg3[%swap3A, %swap3A_16] : memref<632x128xf32, #tpu.memory_space<vmem>>, vector<632x128xf32>
    tpu.vector_store %arg3[%swap3A, %swap3A_16], %div3A {strides = array<i32>} : memref<632x128xf32, #tpu.memory_space<vmem>>, vector<632x128xf32>,
    return
  }
  func.func @transform_0(%arg0: i32) -> (i32, i32, i32) {
    %c0_i32 = arith.constant 0 : i32
    %c0_i32_0 = arith.constant 0 : i32
    %c0_i32_1 = arith.constant 0 : i32
    return %c0_i32, %arg0, %c0_i32_0 : i32, i32, i32
  }
  func.func @transform_1(%arg0: i32) -> (i32, i32) {
    %c0_i32 = arith.constant 0 : i32
    %c0_i32_0 = arith.constant 0 : i32
    %c0_i32_1 = arith.constant 0 : i32
    return %c0_i32, %c0_i32_0 : i32, i32
  }
  func.func @transform_2(%arg0: i32) -> (i32, i32) {
    %c0_i32 = arith.constant 0 : i32
    %c0_i32_0 = arith.constant 0 : i32
    return %arg0, %c0_i32 : i32, i32
  }
}

</mosaic_0001>

<sc_bundles>
// kernel: kernel.6.cloned.1.call-start
scs
__scs_entry_jumppad:
0x0: {  	(pc) =	sbr.rel $0x88, $3  }
0x1: {  	(tag) =	ssettag $0x0;
	lr =	simm.s32 $0x1  }
0x2: {  	[smem:$0x3F99] =	sst lr;
	_ =	strace $0xD0000000  }
0x3: {  	_ = 	snop  }
0x4: {  	_ = 	snop  }
0x5: {  	_ = 	snop  }
0x6: {  	_ = 	snop  }
0x7: {  	_ = 	snop  }
__scs_overlays_trampoline_lowered:
0x8: {  	[smem:$0x3FA8] =	sst s0  }
0x9: {  	[smem:$0x3FA9] =	sst s1  }
0xa: {  	[smem:$0x3FAA] =	sst s2  }
0xb: {  	[smem:$0x3FAB] =	sst s3  }
0xc: {  	[smem:$0x3FAC] =	sst s4  }
0xd: {  	[smem:$0x3FAD] =	sst s5  }
0xe: {  	[smem:$0x3FAE] =	sst s6  }
0xf: {  	[smem:$0x3FAF] =	sst s7  }
0x10: {  	[smem:$0x3FB0] =	sst s8  }
0x11: {  	[smem:$0x3FB1] =	sst s9;
	s0 =	simm.s32 @!p0 $0x0  }
0x12: {  	s1 =	sld [smem:$0x3F97];
	s0 =	simm.s32 @p0 $0x1  }
0x13: {  	[smem:$0x3FB2] =	sst s0;
	s0 =	simm.s32 @!p1 $0x0  }
0x14: {  	s2 =	sld [smem:$0x3F96];
	s0 =	simm.s32 @p1 $0x1  }
0x15: {  	[smem:$0x3FB3] =	sst s0;
	s0 =	simm.s32 @!p2 $0x0  }
0x16: {  	s3 =	sld [smem:$0x3FDB];
	s0 =	simm.s32 @p2 $0x1  }
0x17: {  	s4 =	simm.s32 $0x1BF5;
	[smem:$0x3FB5] =	sst s0  }
0x18: {  	s0 =	sld [smem:$0x3F98];
	_ =	swait.ge [sflag:s4], $0x0  }
0x19: {  	s7 =	sld [smem:$0x3F99]  }
0x1a: {  	s8 =	sadd.s32 $0xFFFFE003, lr  }
0x1b: {  	s9 =	sadd.s32 $0xFFFFFEF7, lr;
	s5 =	simm.s32 $0xFFFFFFFF;
	p2 =	slt.u32 s8, $0xFFFFF086  }
0x1c: {  	p1 =	slt.u32 s9, $0xF7A;
	s5 =	simm.s32 @!p2 $0x0  }
0x1d: {  	s5 =	simm.s32 @p1 $0x1;
	p0 =	seq.s32 s7, s2  }
0x1e: {  	s7 =	smul.u32 @!p0 $0xF7A, s2;
	p2 =	seq.s32 @!p0 s5, $0x0  }
0x1f: {  	s9 =	smul.u32 $0xF7A, s1;
	s8 =	simm.s32 @!p0 $0x1BF5;
	p2 =	por !p2, p0  }
0x20: {  	[sflag:s8] =	ssyncset.s32 @!p0 $0xFFFFF086;
	s6 =	sadd.s32 @!p0 s3, s7;
	s7 =	simm.s32 @!p0 $0x108  }
0x21: {  	s3 =	sadd.s32 s3, s9;
	s6 =	sadd.s32 @!p0 $0x88, s6;
	s7 =	simm.s32 @p2 $0x1082  }
0x22: {  	[simem:s7], [sflag:s8] =	dma.local @!p0 [hbm:s6], $0xF7A  }
0x23: {  	s9 =	sor.u32 $0xD0000000, s2;
	s6 =	simm.s32 $0x108;
	_ =	swait.ge @!p0 [sflag:s8], $0x0  }
0x24: {  	s3 =	sadd.s32 $0x88, s3;
	s6 =	simm.s32 @!p1 $0x1082;
	[sflag:s4] =	ssyncset.s32 $0xFFFFF086  }
0x25: {  	[simem:s6], [sflag:s4] =	dma.local [hbm:s3], $0xF7A  }
0x26: {  	[smem:$0x3F99] =	sst s1;
	(tag) =	ssettag s2;
	_ =	strace s9  }
0x27: {  	s1 =	sld [smem:$0x3FA9]  }
0x28: {  	s2 =	sld [smem:$0x3FAA]  }
0x29: {  	s4 =	sld [smem:$0x3FAC]  }
0x2a: {  	p0 =	seq.s32 s5, $0x0;
	s5 =	sld [smem:$0x3FAD]  }
0x2b: {  	s6 =	sld [smem:$0x3FAE]  }
0x2c: {  	s7 =	sld [smem:$0x3FAF]  }
0x2d: {  	s3 =	simm.s32 $0x108;
	s8 =	sld [smem:$0x3FB0]  }
0x2e: {  	s3 =	simm.s32 @!p0 $0x1082;
	s9 =	sld [smem:$0x3FB1]  }
0x2f: {  	lr =	sadd.s32 s0, s3;
	s0 =	sld [smem:$0x3FA8]  }
0x30: {  	s3 =	sld [smem:$0x3FAB]  }
0x31: {  	[smem:$0x3FB4] =	sst s10  }
0x32: {  	s10 =	sld [smem:$0x3FB2];
	_ =	sdelay $0x3  }
0x33: {  	p0 =	seq.s32 s10, $0x1;
	s10 =	sld [smem:$0x3FB4];
	_ =	sdelay $0x3  }
0x34: {  	[smem:$0x3FB4] =	sst s10  }
0x35: {  	s10 =	sld [smem:$0x3FB3];
	_ =	sdelay $0x3  }
0x36: {  	p1 =	seq.s32 s10, $0x1;
	s10 =	sld [smem:$0x3FB4];
	_ =	sdelay $0x3  }
0x37: {  	[smem:$0x3FB4] =	sst s10  }
0x38: {  	s10 =	sld [smem:$0x3FB5]  }
0x39: {  	_ = 	snop;
	(pc) =	sbr.ind lr, $3  }
0x3a: {  	_ = 	snop  }
0x3b: {  	_ = 	snop  }
0x3c: {  	p2 =	seq.s32 s10, $0x1;
	s10 =	sld [smem:$0x3FB4]  }
0x3d: {  	_ =	shalt  }
0x3e: {  	_ =	shalt  }
0x3f: {  	_ =	shalt  }
0x40: {  	_ =	shalt  }
0x41: {  	_ =	shalt  }
0x42: {  	_ =	shalt  }
0x43: {  	_ =	shalt  }
0x44: {  	_ =	shalt  }
0x45: {  	_ =	shalt  }
0x46: {  	_ =	shalt  }
0x47: {  	_ =	shalt  }
0x48: {  	_ =	shalt  }
0x49: {  	_ =	shalt  }
0x4a: {  	_ =	shalt  }
0x4b: {  	_ =	shalt  }
0x4c: {  	_ =	shalt  }
0x4d: {  	_ =	shalt  }
0x4e: {  	_ =	shalt  }
0x4f: {  	_ =	shalt  }
0x50: {  	_ =	shalt  }
0x51: {  	_ =	shalt  }
0x52: {  	_ =	shalt  }
0x53: {  	_ =	shalt  }
0x54: {  	_ =	shalt  }
0x55: {  	_ =	shalt  }
0x56: {  	_ =	shalt  }
0x57: {  	_ =	shalt  }
0x58: {  	_ =	shalt  }
0x59: {  	_ =	shalt  }
0x5a: {  	_ =	shalt  }
0x5b: {  	_ =	shalt  }
0x5c: {  	_ =	shalt  }
0x5d: {  	_ =	shalt  }
0x5e: {  	_ =	shalt  }
0x5f: {  	_ =	shalt  }
0x60: {  	_ =	shalt  }
0x61: {  	_ =	shalt  }
0x62: {  	_ =	shalt  }
0x63: {  	_ =	shalt  }
0x64: {  	_ =	shalt  }
0x65: {  	_ =	shalt  }
0x66: {  	_ =	shalt  }
0x67: {  	_ =	shalt  }
0x68: {  	_ =	shalt  }
0x69: {  	_ =	shalt  }
0x6a: {  	_ =	shalt  }
0x6b: {  	_ =	shalt  }
0x6c: {  	_ =	shalt  }
0x6d: {  	_ =	shalt  }
0x6e: {  	_ =	shalt  }
0x6f: {  	_ =	shalt  }
0x70: {  	_ =	shalt  }
0x71: {  	_ =	shalt  }
0x72: {  	_ =	shalt  }
0x73: {  	_ =	shalt  }
0x74: {  	_ =	shalt  }
0x75: {  	_ =	shalt  }
0x76: {  	_ =	shalt  }
0x77: {  	_ =	shalt  }
0x78: {  	_ =	shalt  }
0x79: {  	_ =	shalt  }
0x7a: {  	_ =	shalt  }
0x7b: {  	_ =	shalt  }
0x7c: {  	_ =	shalt  }
0x7d: {  	_ =	shalt  }
0x7e: {  	_ =	shalt  }
0x7f: {  	_ =	shalt  }
0x80: {  	_ =	shalt  }
0x81: {  	_ =	shalt  }
0x82: {  	_ =	shalt  }
0x83: {  	_ =	shalt  }
0x84: {  	_ =	shalt  }
0x85: {  	_ =	shalt  }
0x86: {  	_ =	shalt  }
0x87: {  	_ =	shalt  }
.Lfunc_end0:
.L_simem_size_0:
called_computation.1_lowered:
.L_overlay_start_0:
0x88: {  	s2 =	sld [smem:$0x3FD9]  }
0x89: {  	s3 =	sld [smem:$0x3FFE];
	_ =	sdelay $0x1  }
0x8a: {  	s1 =	srdreg.scid  }
0x8b: {  	s0 =	sand.u32 $0x1, s1  }
0x8c: {  	s14 =	sshll.u32 s0, $0xA;
	s2 =	sadd.s32 s3, s2  }
0x8d: {  	s2 =	sadd.s32 s2, s14  }
0x8e: {  	[smem:$0x3FC0] =	sst s2  }
0x8f: {  	_ = 	snop  }
0x90: {  	s2 =	sld [smem:$0x3FD0];
	_ =	sdelay $0x2  }
0x91: {  	s15 =	simm.s32 $0xA;
	s4 =	simm.s32 $0x10  }
0x92: {  	[smem:s4], [sflag:s15] =	dma.local [hbm:s2], $0x1  }
0x93: {  	_ =	swait.eq [sflag:s15], $0x1  }
0x94: {  	[sflag:s15] =	ssyncset.done $0x0  }
0x95: {  	s16 =	sld [smem:$0x10];
	[sflag:s15] =	ssyncadd.s32 $0xFFFFFFFF  }
0x96: {  	s17 =	sld [smem:$0x11];
	(tm) =	ssettm $0x1  }
0x97: {  	s18 =	sld [smem:$0x3FFB];
	_ =	sdelay $0x3  }
0x98: {  	_ =	strace s18  }
0x99: {  	s4 =	sld [smem:$0x3FFC];
	_ =	sdelay $0x3  }
0x9a: {  	_ =	strace s4  }
0x9b: {  	s4 =	sld [smem:$0x3FFD];
	_ =	sdelay $0x3  }
0x9c: {  	_ =	strace s4  }
0x9d: {  	_ =	strace $0x8FFFFFFF  }
0x9e: {  	s19 =	sld [smem:$0x3FDB];
	_ =	sdelay $0x1  }
0x9f: {  	s5 =	simm.s32 $_scs_section_size  }
0xa0: {  	s6 =	simm.s32 $_size__tile_overlayer_lowered;
	s7 =	simm.s32 $_tile_overlayer_lowered  }
0xa1: {  	s22 =	simm.s32 $0x1BFF;
	s21 =	sshll.u32 s7, $0x1;
	s4 =	sadd.s32 s5, s19  }
0xa2: {  	s8 =	simm.s32 $0x0;
	s20 =	sshll.u32 s6, $0x1;
	s6 =	sadd.s32 s21, s4  }
0xa3: {  	[timem:s8], [sflag:s22] =	dma.local [hbm:s6], s20  }
0xa4: {  	_ =	swait.ge [sflag:s22], s20  }
0xa5: {  	s5 =	ssub.s32 $0x0, s20;
	[sflag:s22] =	ssyncset.done $0x0  }
0xa6: {  	[sflag:s22] =	ssyncadd.s32 s5;
	_ =	sdelay $0x1  }
0xa7: {  	s23 =	simm.s32 $0x1B8B  }
0xa8: {  	_ =	swait.ge [sflag:s23], $0x1  }
0xa9: {  	[sflag:s23] =	ssyncset.done $0x0  }
0xaa: {  	s25 =	simm.s32 $0x1B8E;
	s24 =	sld [smem:$0x3FFE];
	[sflag:s23] =	ssyncadd.s32 $0xFFFFFFFF  }
0xab: {  	s26 =	simm.s32 $execute0_lowered;
	[smem:$0x3FD2] =	sst s25  }
0xac: {  	s6 =	sshll.u32 s26, $0x1;
	_ =	strace $0x80000046;
	[dreg:$0x1] =	wrdreg $0xFFFFFFFF  }
0xad: {  	s28 =	simm.s32 $_size_execute0_lowered;
	s4 =	sadd.s32 s4, s6;
	[dreg:$0x0] =	wrdreg $0x0  }
0xae: {  	s6 =	sshll.u32 s28, $0x1;
	[dreg:$0x2] =	wrdreg s4  }
0xaf: {  	[dreg:$0x3] =	wrdreg s6  }
0xb0: {  	[dreg:$0x4] =	wrdreg $0xC0  }
0xb1: {  	_ =	task [dreg:s8], $0x5FFFF  }
0xb2: {  	[dreg:$0x1] =	wrdreg $0xFFFFFFFF  }
0xb3: {  	[dreg:$0x0] =	wrdreg $0x60  }
0xb4: {  	[dreg:$0x2] =	wrdreg s24  }
0xb5: {  	[dreg:$0x3] =	wrdreg s16  }
0xb6: {  	[dreg:$0x4] =	wrdreg s17  }
0xb7: {  	[dreg:$0x5] =	wrdreg $0x85300  }
0xb8: {  	[dreg:$0x6] =	wrdreg $0x9  }
0xb9: {  	_ =	task.clear_ibuf [dreg:s8], $0x7FFFF;
	_ =	strace $0x90000046  }
0xba: {  	s29 =	simm.s32 $0x9;
	_ =	strace $0x80000048  }
0xbb: {  	_ =	swait.ge [sflag:s29], $0x1  }
0xbc: {  	[sflag:s29] =	ssyncadd.s32 $0xFFFFFFFF  }
0xbd: {  	_ =	strace $0x90000048  }
0xbe: {  	_ =	sfence  }
0xbf: {  	s30 =	sld [smem:$0x0];
	_ =	sdelay $0x2  }
0xc0: {  	s31 =	sshll.u32 s1, $0xD;
	s1 =	sshrl.u32 s1, $0x2  }
0xc1: {  	s3 =	sand.u32 $0x4000, s31;
	s1 =	sadd.s32 s1, s30  }
0xc2: {  	s0 =	sor.u32 s3, s0;
	s1 =	sshll.u32 s1, $0x11  }
0xc3: {  	s0 =	sor.u32 s1, s0  }
0xc4: {  	s0 =	sadd.s32 $0x8F2B, s0  }
0xc5: {  	[sflag:s0] =	ssyncadd.remote.s32 $0x1  }
0xc6: {  	_ =	sfence.sel $0xFFFF  }
0xc7: {  	[dreg:$0x0] =	wrdreg $0xFFFFFFFF;
	(pc) =	sbr.abs _section_cstart, $3  }
0xc8: {  	[dreg:$0x1] =	wrdreg $0xFFFFFFFF  }
0xc9: {  	_ =	task.clear_ibuf [dreg:s8], $0x2FFFF;
	_ =	strace $0x9FFFFFFF  }
0xca: {  	(tm) =	ssettm $0x7FFFFFFF  }
0xcb: {  	_ =	shalt  }
tec
execute0_lowered:
.L_overlay_start_1:
0x0: {  	(tag) =	ssettag $0x1  }
0x1: {  	s0 =	rddreg [dreg:$0x0]  }
0x2: {  	s1 =	rddreg [dreg:$0x1]  }
0x3: {  	s2 =	rddreg [dreg:$0x2]  }
0x4: {  	s3 =	rddreg [dreg:$0x3];
	s5 =	simm.s32 $0x0;
	s18 =	stileid.u32  }
0x5: {  	s4 =	srdreg.scid;
	s21 =	simm.s32 $0x3;
	s29 =	simm.s32 $0x3250  }
0x6: {  	s30 =	simm.s32 $0x3278;
	s20 =	simm.s32 $0x1;
	s28 =	simm.s32 $0x2  }
0x7: {  	[smem:$0x7FF] =	sst s5;
	s6 =	sadd.s32 $0x45600, s0;
	s7 =	sadd.s32 $0x3B800, s0  }
0x8: {  	s9 =	smul.u32 $0x16380, s18;
	s4 =	sand.u32 $0x1, s4;
	s8 =	sadd.s32 $0xE00, s0  }
0x9: {  	s10 =	sadd.s32 $0x4F400, s0;
	s13 =	sshll.u32 s18, $0x1;
	s31 =	sshll.u32 s18, $0x6  }
0xa: {  	v0 =	vimm.s32 $0xFEDCBA98;
	_ =	strace $0x80000047;
	[dreg:$0x5] =	wrdreg s10;
	s11 =	smul.u32 $0x163800, s4  }
0xb: {  	v1 =	vimm.s32 $0x76543210;
	v2 =	vimm.s32 $0xBA98FEDC;
	s10 =	sadd.s32 $0x7BE00, s0;
	s14 =	ssub.s32 $0x2, s4;
	s4 =	sor.u32 s4, s13  }
0xc: {  	v3 =	vimm.s32 $0x32107654;
	v4 =	vimm.s32 $0xDCFE98BA;
	v5 =	vimm.s32 $0x54761032;
	s12 =	sshrl.u32 s9, $0x3;
	s15 =	sshrl.u32 s14, $0x1;
	s11 =	sadd.s32 s9, s11  }
0xd: {  	v6 =	vimm.s32 $0xEFCDAB89;
	v7 =	vimm.s32 $0x67452301;
	vm0 =	vmmov $0x1;
	s12 =	sadd.s32 s12, s0;
	s23 =	ssub.s32 s14, s15;
	s9 =	sadd.s32 s9, s3  }
0xe: {  	v0 =	vunpack.c.l.s4.s8 v0;
	v1 =	vunpack.c.l.s4.s8 v1;
	v2 =	vunpack.c.l.s4.s8 v2;
	s22 =	sshrl.u32 s11, $0x3;
	s11 =	smul.u32 $0x2710, s4;
	s12 =	sadd.s32 $0x4F600, s12  }
0xf: {  	v3 =	vunpack.c.l.s4.s8 v3;
	v4 =	vunpack.c.l.s4.s8 v4;
	v5 =	vunpack.c.l.s4.s8 v5;
	s4 =	smul.u32 $0x13880, s4;
	s26 =	smax.u32 s23, $0x1;
	[dreg:$0x6] =	wrdreg s12  }
0x10: {  	v6 =	vunpack.c.l.s4.s8 v6;
	v7 =	vunpack.c.l.s4.s8 v7;
	v0 =	vunpack.c.0.s8.s32 v0;
	s9 =	sshrl.u32 s9, $0x3;
	s0 =	sadd.s32 s22, s0;
	[dreg:$0xb] =	wrdreg s26  }
0x11: {  	v2 =	vunpack.c.0.s8.s32 v2;
	v3 =	vunpack.c.0.s8.s32 v3;
	v4 =	vunpack.c.0.s8.s32 v4;
	s26 =	simm.s32 $0x6EA0;
	[dreg:$0xd] =	wrdreg s9;
	s4 =	sadd.s32 s2, s4  }
0x12: {  	v5 =	vunpack.c.0.s8.s32 v5;
	v6 =	vunpack.c.0.s8.s32 v6;
	v7 =	vunpack.c.0.s8.s32 v7;
	s24 =	sshrl.u32 s11, $0x3;
	s0 =	sadd.s32 $0x2ECE00, s0;
	[dreg:$0x9] =	wrdreg s4  }
0x13: {  	vm1 =	vcmask $0x310;
	v1 =	vunpack.c.0.s8.s32 v1;
	v2 =	vcombine.low v3, v2;
	s16 =	sadd.s32 $0x28, s11;
	s25 =	sadd.s32 s6, s24;
	[dreg:$0xa] =	wrdreg s0  }
0x14: {  	v3 =	vcombine.low v5, v4;
	v4 =	vcombine.low v7, v6;
	v0 =	vand.u32 $0xF, v0;
	s17 =	sadd.s32 $0x50, s11;
	s12 =	sadd.s32 s7, s24;
	[dreg:$0x7] =	wrdreg s25  }
0x15: {  	vm2 =	vcmask $0x710;
	vm3 =	vcmask $0xB10;
	v0 =	vcombine.low v0, v1;
	s24 =	simm.s32 $0x28;
	[dreg:$0x8] =	wrdreg s12;
	s12 =	sor.u32 $0x1C03, s31  }
0x16: {  	v1 =	vand.u32 $0xF, v2;
	v2 =	vand.u32 $0xF, v3;
	v3 =	vand.u32 $0xF, v4;
	s4 =	simm.s32 $0x0;
	s25 =	simm.s32 $0x64A0;
	[dreg:$0xc] =	wrdreg s12  }
.LBB2_1:
0x17: {  	[dreg:$0xe] =	wrdreg s4  }
0x18: {  	s0 =	rddreg [dreg:$0x5];
	s13 =	simm.s32 $0x8520  }
0x19: {  	[tilespmem:s13], [sflag:$0x3] =	stream.linear.gather [hbm4b:s0+s5], $0x10, $0x38;
	[tilespmem:$0x1E8B0] =	vst v63  }
0x1a: {  	_ =	swait.ge [sflag:s21], $0x10  }
0x1b: {  	[sflag:s21] =	ssyncset.done $0x0  }
0x1c: {  	s14 =	rddreg [dreg:$0x6];
	[sflag:s21] =	ssyncadd.s32 $0xFFFFFFF0  }
0x1d: {  	[spmem:s9], [sflag:s12] =	dma.local [hbm:s14], $0x2C70  }
0x1e: {  	_ =	swait.ge [sflag:s21], $0x2C70  }
0x1f: {  	[sflag:s21] =	ssyncset.done $0x0  }
0x20: {  	[sflag:s21] =	ssyncadd.s32 $0xFFFFD390  }
0x21: {  	[bflag:$0x0] =	sbarrier.arrive $0xFFFF  }
0x22: {  	s15 =	rddreg [dreg:$0x7]  }
0x23: {  	v4 =	vld [tilespmem:$0x8520];
	[tilespmem:s5], [sflag:$0x3] =	stream.linear.gather [hbm4b:s15+s5], $0x28, $0x38  }
0x24: {  	_ =	swait.ge [sflag:s21], $0x28  }
0x25: {  	[sflag:s21] =	ssyncset.done $0x0  }
0x26: {  	s18 =	rddreg [dreg:$0x8];
	[sflag:s21] =	ssyncadd.s32 $0xFFFFFFD8  }
0x27: {  	[tilespmem:s24], [sflag:$0x3] =	stream.linear.gather [hbm4b:s18+s5], $0x28, $0x38;
	[tilespmem:$0x1E8B0] =	vst v63  }
0x28: {  	_ =	swait.ge [sflag:s21], $0x28  }
0x29: {  	[sflag:s21] =	ssyncset.done $0x0  }
0x2a: {  	s19 =	simm.s32 $0x50;
	[sflag:s21] =	ssyncadd.s32 $0xFFFFFFD8  }
0x2b: {  	[tilespmem:s19], [sflag:$0x1] =	stream.indirect.gather [hbm4b:s8+s24], $0xC0, s5, s24, $0xb8;
	[tilespmem:$0x1E8B0] =	vst v63  }
0x2c: {  	s22 =	simm.s32 $0x1E50  }
0x2d: {  	[tilespmem:s22], [sflag:$0x1] =	stream.indirect.gather [hbm4b:s1+s24], $0x40, s24, s24, $0xb8;
	[tilespmem:$0x1E8B0] =	vst v63  }
0x2e: {  	s31 =	simm.s32 $0x2850;
	s23 =	rddreg [dreg:$0x9]  }
0x2f: {  	[tilespmem:s31], [sflag:$0x3] =	stream.linear.gather [hbm4b:s23+s5], $0xA00, $0x38;
	[tilespmem:$0x1E8B0] =	vst v63  }
0x30: {  	_ =	swait.ge [sflag:s21], $0xA00  }
0x31: {  	[sflag:s21] =	ssyncset.done $0x0  }
0x32: {  	s12 =	simm.s32 $0x0;
	[sflag:s21] =	ssyncadd.s32 $0xFFFFF600  }
.LBB2_2:
0x33: {  	s14 =	smul.u32 $0x50, s12;
	_ =	sdelay $0x1  }
0x34: {  	s0 =	sadd.s32 s14, s16  }
0x35: {  	s4 =	sshrl.u32 s0, $0x3  }
0x36: {  	s9 =	sadd.s32 s6, s4  }
0x37: {  	[tilespmem:s29], [sflag:$0x3] =	stream.linear.gather [hbm4b:s9+s5], $0x28, $0x38;
	[tilespmem:$0x1E8B0] =	vst v63  }
0x38: {  	_ =	swait.ge [sflag:s21], $0x28  }
0x39: {  	[sflag:s21] =	ssyncset.done $0x0  }
0x3a: {  	s4 =	sadd.s32 s7, s4;
	[sflag:s21] =	ssyncadd.s32 $0xFFFFFFD8  }
0x3b: {  	[tilespmem:s30], [sflag:$0x3] =	stream.linear.gather [hbm4b:s4+s5], $0x28, $0x38;
	[tilespmem:$0x1E8B0] =	vst v63  }
0x3c: {  	_ =	swait.ge [sflag:s21], $0x28  }
0x3d: {  	[sflag:s21] =	ssyncset.done $0x0  }
0x3e: {  	s18 =	simm.s32 $0x32A0;
	s0 =	sshll.u32 s0, $0x3;
	[sflag:s21] =	ssyncadd.s32 $0xFFFFFFD8  }
0x3f: {  	[tilespmem:s18], [sflag:$0x2] =	stream.indirect.gather [hbm4b:s8+s24], $0xC0, s29, s24, $0xb8;
	[tilespmem:$0x1E8B0] =	vst v63  }
0x40: {  	s19 =	simm.s32 $0x50A0;
	s13 =	sand.u32 $0x1FFFFFC0, s0  }
0x41: {  	[tilespmem:s19], [sflag:$0x2] =	stream.indirect.gather [hbm4b:s1+s24], $0x40, s30, s24, $0xb8;
	[tilespmem:$0x1E8B0] =	vst v63  }
0x42: {  	s22 =	simm.s32 $0x5AA0;
	s0 =	sadd.s32 s2, s13  }
0x43: {  	[tilespmem:s22], [sflag:$0x3] =	stream.linear.gather [hbm4b:s0+s5], $0xA00, $0x38;
	[tilespmem:$0x1E8B0] =	vst v63  }
0x44: {  	_ =	swait.ge [sflag:s21], $0xA00  }
0x45: {  	[sflag:s21] =	ssyncset.done $0x0  }
0x46: {  	[sflag:s21] =	ssyncadd.s32 $0xFFFFF600  }
0x47: {  	_ =	swait.ge [sflag:s20], $0x1E00  }
0x48: {  	[sflag:s20] =	ssyncset.done $0x0  }
0x49: {  	[sflag:s20] =	ssyncadd.s32 $0xFFFFE200  }
0x4a: {  	_ =	swait.ge [sflag:s20], $0xA00  }
0x4b: {  	[sflag:s20] =	ssyncset.done $0x0  }
0x4c: {  	s15 =	simm.s32 $0x110;
	[sflag:s20] =	ssyncadd.s32 $0xFFFFF600  }
0x4d: {  	s23 =	simm.s32 $0x1E90;
	v5 =	vld [tilespmem:s15+$0xFFFFFF40]  }
0x4e: {  	v6 =	vld [tilespmem:s23+$0xFFFFFFC0]  }
0x4f: {  	s18 =	simm.s32 $0x2890  }
0x50: {  	v7 =	vld [tilespmem:s18+$0xFFFFFFC0];
	_ =	sdelay $0x2  }
0x51: {  	v5 =	vadd.f32 v6, v5;
	_ =	sdelay $0x1  }
0x52: {  	v5 =	vadd.f32 v7, v5  }
0x53: {  	v8 =	vld [tilespmem:s15+$0xFFFFFF50]  }
0x54: {  	v6 =	vld [tilespmem:s23+$0xFFFFFFD0];
	v7 =	vmul.f32 $9.999999770e-03, v5;
	_ =	sdelay $0x1  }
0x55: {  	v5 =	vmax.f32 v5, v7;
	v7 =	vld [tilespmem:s18+$0xFFFFFFD0]  }
0x56: {  	v9 =	vmul.f32 v5, v4;
	_ =	sdelay $0x1  }
0x57: {  	v6 =	vadd.f32 v6, v8;
	v8 =	vperm.xlane v9, v0;
	_ =	sdelay $0x1  }
0x58: {  	v10 =	vld [tilespmem:s23+$0xFFFFFFE0];
	v6 =	vadd.f32 v7, v6;
	v7 =	vadd.f32 v8, v9  }
0x59: {  	v8 =	vld [tilespmem:s15+$0xFFFFFF60]  }
0x5a: {  	v9 =	vmul.f32 $9.999999770e-03, v6;
	v11 =	vperm.xlane v7, v1  }
0x5b: {  	v12 =	vld [tilespmem:s18+$0xFFFFFFE0]  }
0x5c: {  	v6 =	vmax.f32 v6, v9;
	v9 =	vld [tilespmem:s23+$0xFFFFFFF0];
	v7 =	vadd.f32 v11, v7  }
0x5d: {  	v11 =	vld [tilespmem:s15+$0xFFFFFF70];
	v13 =	vmul.f32 v6, v4  }
0x5e: {  	v8 =	vadd.f32 v10, v8;
	v10 =	vperm.xlane v7, v2  }
0x5f: {  	v15 =	vperm.xlane v13, v0  }
0x60: {  	v8 =	vadd.f32 v12, v8;
	v7 =	vadd.f32 v10, v7  }
0x61: {  	v10 =	vadd.f32 v15, v13  }
0x62: {  	v12 =	vmul.f32 $9.999999770e-03, v8;
	v9 =	vadd.f32 v9, v11;
	v11 =	vperm.xlane v7, v3  }
0x63: {  	v14 =	vld [tilespmem:s18+$0xFFFFFFF0];
	v13 =	vperm.xlane v10, v1  }
0x64: {  	v8 =	vmax.f32 v8, v12;
	v7 =	vadd.f32 v11, v7  }
0x65: {  	v11 =	vmul.f32 v8, v4;
	v10 =	vadd.f32 v13, v10  }
0x66: {  	v7 =	vmul.f32 $1.442695020e+00, v7  }
0x67: {  	v48 =	vperm.xlane v11, v0;
	v13 =	vperm.xlane v10, v2  }
0x68: {  	v9 =	vadd.f32 v14, v9;
	(erf) = vpow2.f32 v7  }
0x69: {  	s22 =	simm.s32 $0x64E0;
	v7 =	vadd.f32 v13, v10;
	v10 =	vadd.f32 v48, v11  }
0x6a: {  	[tilespmem:s22+$0xFFFFFFC0] =	vst v5;
	v47 =	vmul.f32 $9.999999770e-03, v9  }
0x6b: {  	[tilespmem:s22+$0xFFFFFFE0] =	vst v8;
	v5 =	vperm.xlane v7, v3;
	v8 =	vperm.xlane v10, v1  }
0x6c: {  	[tilespmem:s22+$0xFFFFFFD0] =	vst v6;
	v9 =	vmax.f32 v9, v47  }
0x6d: {  	[tilespmem:s22+$0xFFFFFFF0] =	vst v9;
	v5 =	vadd.f32 v5, v7;
	v7 =	vadd.f32 v8, v10  }
0x6e: {  	v9 =	vmul.f32 v9, v4;
	v6 =	vld [tilespmem:s15+$0xFFFFFF80]  }
0x6f: {  	v8 =	vld [tilespmem:s15+$0xFFFFFF90];
	v5 =	vmul.f32 $1.442695020e+00, v5;
	v10 =	vperm.xlane v7, v2;
	_ =	sdelay $0x1  }
0x70: {  	v11 =	vperm.xlane v9, v0;
	v49 =	vpop (erf);
	(erf) = vpow2.f32 v5;
	v5 =	vadd.f32 v10, v7;
	_ =	sdelay $0x1  }
0x71: {  	v7 =	vadd.f32 v11, v9;
	v6 =	vmul.f32 v6, v49;
	v9 =	vperm.xlane v5, v3  }
0x72: {  	s19 =	simm.s32 $0x6F30;
	v8 =	vmul.f32 v8, v49  }
0x73: {  	[tilespmem:s19+$0xFFFFFF70] =	vst v6;
	v5 =	vadd.f32 v9, v5  }
0x74: {  	v6 =	vperm.xlane v7, v1;
	[tilespmem:s19+$0xFFFFFF80] =	vst v8  }
0x75: {  	v8 =	vld [tilespmem:s15+$0xFFFFFFA0];
	v5 =	vmul.f32 $1.442695020e+00, v5  }
0x76: {  	v6 =	vadd.f32 v6, v7;
	v7 =	vld [tilespmem:s15+$0xFFFFFFB0];
	_ =	sdelay $0x1  }
0x77: {  	v9 =	vperm.xlane v6, v2  }
0x78: {  	(erf) = vpow2.f32 v5;
	v5 =	vpop (erf)  }
0x79: {  	v6 =	vadd.f32 v9, v6;
	v8 =	vmul.f32 v8, v5  }
0x7a: {  	v7 =	vmul.f32 v7, v5  }
0x7b: {  	v9 =	vperm.xlane v6, v3;
	[tilespmem:s19+$0xFFFFFF90] =	vst v8  }
0x7c: {  	[tilespmem:s19+$0xFFFFFFA0] =	vst v7  }
0x7d: {  	v6 =	vadd.f32 v9, v6;
	v7 =	vld [tilespmem:s15+$0xFFFFFFC0]  }
0x7e: {  	v8 =	vld [tilespmem:s15+$0xFFFFFFD0]  }
0x7f: {  	v6 =	vmul.f32 $1.442695020e+00, v6;
	_ =	sdelay $0x1  }
0x80: {  	v9 =	vpop (erf);
	(erf) = vpow2.f32 v6  }
0x81: {  	v6 =	vmul.f32 v7, v9  }
0x82: {  	v7 =	vmul.f32 v8, v9  }
0x83: {  	[tilespmem:s19+$0xFFFFFFB0] =	vst v6  }
0x84: {  	[tilespmem:s19+$0xFFFFFFC0] =	vst v7  }
0x85: {  	v6 =	vld [tilespmem:s15+$0xFFFFFFE0]  }
0x86: {  	v8 =	vnsel vm0, $0x0, v49;
	v7 =	vld [tilespmem:s15+$0xFFFFFFF0];
	_ =	sdelay $0x1  }
0x87: {  	v5 =	vsel vm1, v8, v5  }
0x88: {  	v5 =	vsel vm2, v5, v9;
	v8 =	vpop (erf)  }
0x89: {  	v5 =	vsel vm3, v5, v8;
	v6 =	vmul.f32 v6, v8  }
0x8a: {  	v7 =	vmul.f32 v7, v8;
	[tilespmem:s19+$0xFFFFFFF0] =	vst v5  }
0x8b: {  	[tilespmem:s19+$0xFFFFFFD0] =	vst v6  }
0x8c: {  	[tilespmem:s19+$0xFFFFFFE0] =	vst v7  }
0x8d: {  	v5 =	vld [tilespmem:s15+$0x0]  }
0x8e: {  	v6 =	vld [tilespmem:s23+$0x0];
	_ =	sdelay $0x1  }
0x8f: {  	v7 =	vld [tilespmem:s18+$0x0];
	_ =	sdelay $0x2  }
0x90: {  	v8 =	vld [tilespmem:s15+$0x20];
	v5 =	vadd.f32 v6, v5  }
0x91: {  	v9 =	vld [tilespmem:s15+$0x30]  }
0x92: {  	v11 =	vld [tilespmem:s15+$0x10];
	v5 =	vadd.f32 v7, v5  }
0x93: {  	v50 =	vld [tilespmem:s23+$0x30]  }
0x94: {  	v7 =	vld [tilespmem:s23+$0x10];
	v10 =	vmul.f32 $9.999999770e-03, v5  }
0x95: {  	v6 =	vld [tilespmem:s23+$0x20]  }
0x96: {  	v5 =	vmax.f32 v5, v10;
	v10 =	vld [tilespmem:s18+$0x10]  }
0x97: {  	v51 =	vld [tilespmem:s18+$0x20];
	v52 =	vmul.f32 v5, v4  }
0x98: {  	v53 =	vld [tilespmem:s18+$0x30]  }
0x99: {  	v7 =	vadd.f32 v7, v11;
	v11 =	vperm.xlane v52, v0  }
0x9a: {  	v6 =	vadd.f32 v6, v8;
	v8 =	vadd.f32 v50, v9  }
0x9b: {  	v7 =	vadd.f32 v10, v7;
	v9 =	vadd.f32 v11, v52  }
0x9c: {  	v6 =	vadd.f32 v51, v6  }
0x9d: {  	v8 =	vadd.f32 v53, v8;
	v10 =	vmul.f32 $9.999999770e-03, v7;
	v11 =	vperm.xlane v9, v1  }
0x9e: {  	v54 =	vmul.f32 $9.999999770e-03, v6  }
0x9f: {  	v55 =	vmul.f32 $9.999999770e-03, v8;
	v7 =	vmax.f32 v7, v10;
	v9 =	vadd.f32 v11, v9  }
0xa0: {  	v6 =	vmax.f32 v6, v54;
	v10 =	vmul.f32 v7, v4  }
0xa1: {  	v8 =	vmax.f32 v8, v55;
	v11 =	vmul.f32 v6, v4;
	v56 =	vperm.xlane v9, v2  }
0xa2: {  	v13 =	vmul.f32 v8, v4;
	v57 =	vperm.xlane v10, v0  }
0xa3: {  	v58 =	vperm.xlane v11, v0;
	v9 =	vadd.f32 v56, v9  }
0xa4: {  	v59 =	vperm.xlane v13, v0;
	v10 =	vadd.f32 v57, v10  }
0xa5: {  	v11 =	vadd.f32 v58, v11;
	v60 =	vperm.xlane v9, v3  }
0xa6: {  	v12 =	vadd.f32 v59, v13;
	v61 =	vperm.xlane v10, v1  }
0xa7: {  	v15 =	vperm.xlane v11, v1;
	v9 =	vadd.f32 v60, v9  }
0xa8: {  	v62 =	vperm.xlane v12, v1;
	v10 =	vadd.f32 v61, v10  }
0xa9: {  	v11 =	vadd.f32 v15, v11;
	v9 =	vmul.f32 $1.442695020e+00, v9  }
0xaa: {  	v12 =	vadd.f32 v62, v12;
	v13 =	vperm.xlane v10, v2  }
0xab: {  	[tilespmem:s22+$0x0] =	vst v5;
	v5 =	vperm.xlane v11, v2;
	(erf) = vpow2.f32 v9  }
0xac: {  	[tilespmem:s22+$0x20] =	vst v6;
	v6 =	vperm.xlane v12, v2;
	v9 =	vadd.f32 v13, v10  }
0xad: {  	[tilespmem:s22+$0x30] =	vst v8;
	v5 =	vadd.f32 v5, v11  }
0xae: {  	[tilespmem:s22+$0x10] =	vst v7;
	v6 =	vadd.f32 v6, v12;
	v7 =	vperm.xlane v9, v3  }
0xaf: {  	v8 =	vld [tilespmem:s15+$0x40];
	v10 =	vperm.xlane v5, v3  }
0xb0: {  	v63 =	vld [tilespmem:s15+$0x50];
	v11 =	vperm.xlane v6, v3;
	v7 =	vadd.f32 v7, v9  }
0xb1: {  	v5 =	vadd.f32 v10, v5  }
0xb2: {  	v9 =	vadd.f32 v11, v6;
	v10 =	vmul.f32 $1.442695020e+00, v7  }
0xb3: {  	v6 =	vmul.f32 $1.442695020e+00, v5  }
0xb4: {  	s31 =	simm.s32 $0x1F10;
	s9 =	simm.s32 $0x0;
	v5 =	vmul.f32 $1.442695020e+00, v9;
	v7 =	vpop (erf);
	(erf) = vpow2.f32 v10  }
0xb5: {  	s4 =	simm.s32 $0x7050;
	s0 =	simm.s32 $0x290;
	s23 =	sadd.s32 s11, s14;
	v9 =	vmul.f32 v8, v7;
	v8 =	vmul.f32 v63, v7  }
.LBB2_3:
0xb6: {  	s9 =	sadd.s32 $0x2, s9;
	s22 =	sadd.s32 $0x80, s22;
	s18 =	sadd.s32 $0x80, s18  }
0xb7: {  	p0 =	slt.u32 s9, $0x26;
	[tilespmem:s19+$0x0] =	vst v9  }
0xb8: {  	[tilespmem:s19+$0x10] =	vst v8  }
0xb9: {  	v8 =	vld [tilespmem:s15+$0x60]  }
0xba: {  	v9 =	vld [tilespmem:s15+$0x70];
	_ =	sdelay $0x2  }
0xbb: {  	v7 =	vnsel vm0, $0x0, v7;
	v10 =	vpop (erf);
	(erf) = vpow2.f32 v6  }
0xbc: {  	v6 =	vsel vm1, v7, v10;
	v7 =	vmul.f32 v8, v10  }
0xbd: {  	v8 =	vmul.f32 v9, v10  }
0xbe: {  	[tilespmem:s19+$0x20] =	vst v7  }
0xbf: {  	[tilespmem:s19+$0x30] =	vst v8  }
0xc0: {  	v7 =	vld [tilespmem:s15+$0x80];
	(erf) = vpow2.f32 v5  }
0xc1: {  	v5 =	vld [tilespmem:s15+$0x90];
	_ =	sdelay $0x2  }
0xc2: {  	v8 =	vpop (erf)  }
0xc3: {  	v7 =	vmul.f32 v7, v8  }
0xc4: {  	v5 =	vmul.f32 v5, v8  }
0xc5: {  	[tilespmem:s19+$0x40] =	vst v7  }
0xc6: {  	[tilespmem:s19+$0x50] =	vst v5  }
0xc7: {  	v5 =	vsel vm2, v6, v8;
	v6 =	vld [tilespmem:s15+$0xA0];
	v7 =	vpop (erf)  }
0xc8: {  	v5 =	vsel vm3, v5, v7;
	v8 =	vld [tilespmem:s15+$0xB0];
	s15 =	smov.u32 s0  }
0xc9: {  	[tilespmem:s19+$0x80] =	vst v5;
	_ =	sdelay $0x2  }
0xca: {  	v5 =	vmul.f32 v6, v7  }
0xcb: {  	v6 =	vmul.f32 v8, v7  }
0xcc: {  	[tilespmem:s19+$0x60] =	vst v5  }
0xcd: {  	[tilespmem:s19+$0x70] =	vst v6;
	s19 =	smov.u32 s4  }
0xce: {  	v5 =	vld [tilespmem:s0+$0xFFFFFF40]  }
0xcf: {  	v6 =	vld [tilespmem:s31+$0xFFFFFFC0]  }
0xd0: {  	v7 =	vld [tilespmem:s18+$0xFFFFFFC0];
	_ =	sdelay $0x3  }
0xd1: {  	v5 =	vadd.f32 v6, v5;
	_ =	sdelay $0x1  }
0xd2: {  	v5 =	vadd.f32 v7, v5;
	v6 =	vld [tilespmem:s31+$0xFFFFFFE0]  }
0xd3: {  	v7 =	vld [tilespmem:s31+$0xFFFFFFD0]  }
0xd4: {  	v8 =	vmul.f32 $9.999999770e-03, v5;
	v9 =	vld [tilespmem:s0+$0xFFFFFF50]  }
0xd5: {  	v10 =	vld [tilespmem:s0+$0xFFFFFF60]  }
0xd6: {  	v5 =	vmax.f32 v5, v8;
	v8 =	vld [tilespmem:s18+$0xFFFFFFD0]  }
0xd7: {  	v11 =	vld [tilespmem:s18+$0xFFFFFFE0];
	v12 =	vmul.f32 v5, v4;
	_ =	sdelay $0x1  }
0xd8: {  	v7 =	vadd.f32 v7, v9;
	v9 =	vperm.xlane v12, v0  }
0xd9: {  	v6 =	vadd.f32 v6, v10  }
0xda: {  	v7 =	vadd.f32 v8, v7;
	v8 =	vadd.f32 v9, v12  }
0xdb: {  	v6 =	vadd.f32 v11, v6  }
0xdc: {  	v9 =	vmul.f32 $9.999999770e-03, v7;
	v10 =	vperm.xlane v8, v1  }
0xdd: {  	v11 =	vmul.f32 $9.999999770e-03, v6  }
0xde: {  	v7 =	vmax.f32 v7, v9;
	v9 =	vld [tilespmem:s31+$0xFFFFFFF0];
	v8 =	vadd.f32 v10, v8  }
0xdf: {  	v6 =	vmax.f32 v6, v11;
	v10 =	vld [tilespmem:s0+$0xFFFFFF70];
	v11 =	vmul.f32 v7, v4  }
0xe0: {  	v12 =	vmul.f32 v6, v4;
	v13 =	vperm.xlane v8, v2  }
0xe1: {  	v14 =	vld [tilespmem:s18+$0xFFFFFFF0];
	v15 =	vperm.xlane v11, v0  }
0xe2: {  	v16 =	vperm.xlane v12, v0;
	v8 =	vadd.f32 v13, v8  }
0xe3: {  	v11 =	vadd.f32 v15, v11  }
0xe4: {  	v9 =	vadd.f32 v9, v10;
	v10 =	vadd.f32 v16, v12;
	v12 =	vperm.xlane v8, v3  }
0xe5: {  	v13 =	vperm.xlane v11, v1  }
0xe6: {  	v9 =	vadd.f32 v14, v9;
	v14 =	vperm.xlane v10, v1;
	v8 =	vadd.f32 v12, v8  }
0xe7: {  	v11 =	vadd.f32 v13, v11  }
0xe8: {  	v12 =	vmul.f32 $9.999999770e-03, v9;
	v10 =	vadd.f32 v14, v10;
	v8 =	vmul.f32 $1.442695020e+00, v8  }
0xe9: {  	v13 =	vperm.xlane v11, v2  }
0xea: {  	v9 =	vmax.f32 v9, v12;
	v12 =	vperm.xlane v10, v2;
	(erf) = vpow2.f32 v8  }
0xeb: {  	[tilespmem:s22+$0xFFFFFFF0] =	vst v9;
	v8 =	vmul.f32 v9, v4;
	v9 =	vadd.f32 v13, v11  }
0xec: {  	[tilespmem:s22+$0xFFFFFFC0] =	vst v5;
	v5 =	vadd.f32 v12, v10  }
0xed: {  	[tilespmem:s22+$0xFFFFFFE0] =	vst v6;
	v6 =	vperm.xlane v8, v0;
	v10 =	vperm.xlane v9, v3  }
0xee: {  	[tilespmem:s22+$0xFFFFFFD0] =	vst v7;
	v7 =	vperm.xlane v5, v3  }
0xef: {  	v6 =	vadd.f32 v6, v8;
	v8 =	vadd.f32 v10, v9;
	v9 =	vld [tilespmem:s0+$0xFFFFFF80]  }
0xf0: {  	v5 =	vadd.f32 v7, v5;
	v7 =	vld [tilespmem:s0+$0xFFFFFF90]  }
0xf1: {  	v11 =	vperm.xlane v6, v1;
	v8 =	vmul.f32 $1.442695020e+00, v8  }
0xf2: {  	v5 =	vmul.f32 $1.442695020e+00, v5  }
0xf3: {  	v6 =	vadd.f32 v11, v6;
	v10 =	vpop (erf);
	(erf) = vpow2.f32 v8  }
0xf4: {  	v8 =	vmul.f32 v9, v10;
	(erf) = vpow2.f32 v5  }
0xf5: {  	v5 =	vperm.xlane v6, v2;
	v7 =	vmul.f32 v7, v10  }
0xf6: {  	[tilespmem:s4+$0xFFFFFF70] =	vst v8  }
0xf7: {  	v5 =	vadd.f32 v5, v6;
	[tilespmem:s4+$0xFFFFFF80] =	vst v7  }
0xf8: {  	v6 =	vld [tilespmem:s0+$0xFFFFFFA0]  }
0xf9: {  	v7 =	vperm.xlane v5, v3;
	v8 =	vld [tilespmem:s0+$0xFFFFFFB0];
	_ =	sdelay $0x1  }
0xfa: {  	v5 =	vadd.f32 v7, v5  }
0xfb: {  	v7 =	vnsel vm0, $0x0, v10;
	v9 =	vpop (erf)  }
0xfc: {  	v5 =	vmul.f32 $1.442695020e+00, v5;
	v7 =	vsel vm1, v7, v9;
	v6 =	vmul.f32 v6, v9;
	v10 =	vpop (erf)  }
0xfd: {  	v8 =	vmul.f32 v8, v9;
	v7 =	vsel vm2, v7, v10  }
0xfe: {  	[tilespmem:s4+$0xFFFFFF90] =	vst v6  }
0xff: {  	[tilespmem:s4+$0xFFFFFFA0] =	vst v8  }
0x100: {  	v6 =	vld [tilespmem:s0+$0xFFFFFFC0]  }
0x101: {  	v8 =	vld [tilespmem:s0+$0xFFFFFFD0];
	_ =	sdelay $0x2  }
0x102: {  	(erf) = vpow2.f32 v5  }
0x103: {  	v5 =	vmul.f32 v6, v10  }
0x104: {  	v6 =	vmul.f32 v8, v10  }
0x105: {  	[tilespmem:s4+$0xFFFFFFB0] =	vst v5  }
0x106: {  	[tilespmem:s4+$0xFFFFFFC0] =	vst v6  }
0x107: {  	v5 =	vld [tilespmem:s0+$0xFFFFFFE0]  }
0x108: {  	v6 =	vld [tilespmem:s0+$0xFFFFFFF0];
	_ =	sdelay $0x2  }
0x109: {  	v8 =	vpop (erf)  }
0x10a: {  	v7 =	vsel vm3, v7, v8;
	v5 =	vmul.f32 v5, v8  }
0x10b: {  	v6 =	vmul.f32 v6, v8;
	[tilespmem:s4+$0xFFFFFFF0] =	vst v7  }
0x10c: {  	[tilespmem:s4+$0xFFFFFFD0] =	vst v5  }
0x10d: {  	[tilespmem:s4+$0xFFFFFFE0] =	vst v6  }
0x10e: {  	v5 =	vld [tilespmem:s0+$0x0]  }
0x10f: {  	v6 =	vld [tilespmem:s31+$0x0]  }
0x110: {  	v7 =	vld [tilespmem:s0+$0x20]  }
0x111: {  	v8 =	vld [tilespmem:s18+$0x0]  }
0x112: {  	v9 =	vld [tilespmem:s31+$0x20]  }
0x113: {  	v10 =	vld [tilespmem:s0+$0x30]  }
0x114: {  	v5 =	vadd.f32 v6, v5;
	v6 =	vld [tilespmem:s18+$0x20]  }
0x115: {  	v11 =	vld [tilespmem:s31+$0x30]  }
0x116: {  	v5 =	vadd.f32 v8, v5;
	v8 =	vld [tilespmem:s18+$0x30]  }
0x117: {  	v12 =	vld [tilespmem:s31+$0x10];
	v7 =	vadd.f32 v9, v7  }
0x118: {  	v9 =	vmul.f32 $9.999999770e-03, v5;
	v13 =	vld [tilespmem:s0+$0x10]  }
0x119: {  	v6 =	vadd.f32 v6, v7  }
0x11a: {  	v5 =	vmax.f32 v5, v9;
	v7 =	vld [tilespmem:s18+$0x10];
	v9 =	vadd.f32 v11, v10  }
0x11b: {  	v10 =	vmul.f32 $9.999999770e-03, v6;
	[tilespmem:s22+$0x0] =	vst v5;
	v5 =	vmul.f32 v5, v4  }
0x11c: {  	v8 =	vadd.f32 v8, v9  }
0x11d: {  	v9 =	vadd.f32 v12, v13;
	v6 =	vmax.f32 v6, v10;
	v10 =	vperm.xlane v5, v0  }
0x11e: {  	v11 =	vmul.f32 $9.999999770e-03, v8;
	[tilespmem:s22+$0x20] =	vst v6;
	v6 =	vmul.f32 v6, v4  }
0x11f: {  	v7 =	vadd.f32 v7, v9;
	v5 =	vadd.f32 v10, v5  }
0x120: {  	v8 =	vmax.f32 v8, v11;
	v9 =	vperm.xlane v6, v0  }
0x121: {  	v10 =	vmul.f32 $9.999999770e-03, v7;
	[tilespmem:s22+$0x30] =	vst v8;
	v11 =	vperm.xlane v5, v1  }
0x122: {  	v8 =	vmul.f32 v8, v4;
	v6 =	vadd.f32 v9, v6  }
0x123: {  	v7 =	vmax.f32 v7, v10;
	v5 =	vadd.f32 v11, v5  }
0x124: {  	[tilespmem:s22+$0x10] =	vst v7;
	v7 =	vmul.f32 v7, v4;
	v9 =	vperm.xlane v6, v1  }
0x125: {  	v10 =	vperm.xlane v8, v0;
	v11 =	vperm.xlane v5, v2;
	v12 =	vld [tilespmem:s0+$0x40]  }
0x126: {  	v13 =	vperm.xlane v7, v0;
	v6 =	vadd.f32 v9, v6  }
0x127: {  	v8 =	vadd.f32 v10, v8;
	v5 =	vadd.f32 v11, v5  }
0x128: {  	v7 =	vadd.f32 v13, v7;
	v9 =	vperm.xlane v6, v2  }
0x129: {  	v10 =	vperm.xlane v8, v1;
	v11 =	vperm.xlane v5, v3  }
0x12a: {  	v13 =	vperm.xlane v7, v1;
	v6 =	vadd.f32 v9, v6  }
0x12b: {  	v8 =	vadd.f32 v10, v8;
	v5 =	vadd.f32 v11, v5  }
0x12c: {  	v7 =	vadd.f32 v13, v7;
	v9 =	vperm.xlane v6, v3  }
0x12d: {  	v10 =	vperm.xlane v8, v2;
	v5 =	vmul.f32 $1.442695020e+00, v5  }
0x12e: {  	v11 =	vperm.xlane v7, v2;
	v6 =	vadd.f32 v9, v6  }
0x12f: {  	v8 =	vadd.f32 v10, v8;
	(erf) = vpow2.f32 v5  }
0x130: {  	v5 =	vadd.f32 v11, v7;
	v6 =	vmul.f32 $1.442695020e+00, v6  }
0x131: {  	v7 =	vperm.xlane v8, v3  }
0x132: {  	v9 =	vperm.xlane v5, v3  }
0x133: {  	v7 =	vadd.f32 v7, v8  }
0x134: {  	v8 =	vadd.f32 v9, v5;
	v10 =	vld [tilespmem:s0+$0x50]  }
.Ltmp0:
0x135: {  	v5 =	vmul.f32 $1.442695020e+00, v7;
	(pc) =	sbr.rel @p0 .LBB2_3-.Ltmp0, $3  }
0x136: {  	v8 =	vmul.f32 $1.442695020e+00, v8;
	_ =	sdelay $0x1  }
0x137: {  	v7 =	vpop (erf);
	(erf) = vpow2.f32 v8  }
0x138: {  	s4 =	sadd.s32 $0x120, s4;
	s31 =	sadd.s32 $0x80, s31;
	s0 =	sadd.s32 $0x180, s0;
	v9 =	vmul.f32 v12, v7;
	v8 =	vmul.f32 v10, v7  }
0x139: {  	_ = 	snop  }
0x13a: {  	[tilespmem:s19+$0x0] =	vst v9  }
0x13b: {  	[tilespmem:s19+$0x10] =	vst v8  }
0x13c: {  	v8 =	vld [tilespmem:s15+$0x60]  }
0x13d: {  	v9 =	vld [tilespmem:s15+$0x70];
	_ =	sdelay $0x2  }
0x13e: {  	v10 =	vpop (erf);
	(erf) = vpow2.f32 v6  }
0x13f: {  	v6 =	vmul.f32 v8, v10  }
0x140: {  	v8 =	vmul.f32 v9, v10  }
0x141: {  	[tilespmem:s19+$0x20] =	vst v6  }
0x142: {  	[tilespmem:s19+$0x30] =	vst v8  }
0x143: {  	v6 =	vld [tilespmem:s15+$0x80]  }
0x144: {  	v8 =	vld [tilespmem:s15+$0x90];
	_ =	sdelay $0x2  }
0x145: {  	(erf) = vpow2.f32 v5;
	v5 =	vpop (erf)  }
0x146: {  	v6 =	vmul.f32 v6, v5  }
0x147: {  	v8 =	vmul.f32 v8, v5  }
0x148: {  	[tilespmem:s19+$0x40] =	vst v6  }
0x149: {  	[tilespmem:s19+$0x50] =	vst v8  }
0x14a: {  	v7 =	vnsel vm0, $0x0, v7;
	v6 =	vld [tilespmem:s15+$0xA0]  }
0x14b: {  	v7 =	vsel vm1, v7, v10;
	v8 =	vld [tilespmem:s15+$0xB0];
	_ =	sdelay $0x2  }
0x14c: {  	v5 =	vsel vm2, v7, v5;
	v7 =	vpop (erf)  }
0x14d: {  	v5 =	vsel vm3, v5, v7;
	v6 =	vmul.f32 v6, v7  }
0x14e: {  	[tilespmem:s19+$0x80] =	vst v5;
	v5 =	vmul.f32 v8, v7  }
0x14f: {  	s0 =	sshll.u32 s23, $0x3;
	[tilespmem:s19+$0x60] =	vst v6  }
0x150: {  	s0 =	sadd.s32 s10, s0;
	[tilespmem:s19+$0x70] =	vst v5  }
0x151: {  	[hbm4b:s0+s5] =	stream.linear.scatter [tilespmem:s25], [sflag:$0x3], $0xA00, $0x38;
	[tilespmem:$0x1E8B0] =	vst v63  }
0x152: {  	_ =	swait.ge [sflag:s21], $0xA00  }
0x153: {  	[sflag:s21] =	ssyncset.done $0x0  }
0x154: {  	p0 =	seq.s32 s12, $0x7C;
	[sflag:s21] =	ssyncadd.s32 $0xFFFFF600  }
0x155: {  	[spmem:s3] =	stream.indirect.scatter.add.f32 [tilespmem:s26], [sflag:$0x3], $0x90, s24, s24, $0xb8;
	[tilespmem:$0x1E8B0] =	vst v63  }
0x156: {  	s0 =	sadd.s32 @!p0 s14, s17;
	_ =	swait.ge [sflag:s21], $0x1680  }
0x157: {  	s4 =	sshrl.u32 @!p0 s0, $0x3;
	[sflag:s21] =	ssyncset.done $0x0  }
0x158: {  	s14 =	simm.s32 @!p0 $0x0;
	s9 =	sadd.s32 @!p0 s6, s4;
	[sflag:s21] =	ssyncadd.s32 $0xFFFFE980  }
0x159: {  	[tilespmem:s14], [sflag:$0x3] =	stream.linear.gather @!p0 [hbm4b:s9+s14], $0x28, $0x38;
	[tilespmem:$0x1E8B0] =	vst v63  }
0x15a: {  	s9 =	simm.s32 @!p0 $0x3  }
0x15b: {  	_ =	swait.ge @!p0 [sflag:s9], $0x28  }
0x15c: {  	[sflag:s9] =	ssyncset.done @!p0 $0x0  }
0x15d: {  	s15 =	simm.s32 @!p0 $0x28;
	s4 =	sadd.s32 @!p0 s7, s4;
	[sflag:s9] =	ssyncadd.s32 @!p0 $0xFFFFFFD8  }
0x15e: {  	[tilespmem:s15], [sflag:$0x3] =	stream.linear.gather @!p0 [hbm4b:s4+s14], $0x28, $0x38;
	[tilespmem:$0x1E8B0] =	vst v63  }
0x15f: {  	_ =	swait.ge @!p0 [sflag:s9], $0x28  }
0x160: {  	[sflag:s9] =	ssyncset.done @!p0 $0x0  }
0x161: {  	s0 =	sshll.u32 @!p0 s0, $0x3;
	s4 =	simm.s32 @!p0 $0x50;
	[sflag:s9] =	ssyncadd.s32 @!p0 $0xFFFFFFD8  }
0x162: {  	[tilespmem:s4], [sflag:$0x1] =	stream.indirect.gather @!p0 [hbm4b:s8+s15], $0xC0, s14, s15, $0xb8;
	[tilespmem:$0x1E8B0] =	vst v63  }
0x163: {  	s0 =	sand.u32 @!p0 $0x1FFFFF80, s0;
	s4 =	simm.s32 @!p0 $0x1E50  }
0x164: {  	[tilespmem:s4], [sflag:$0x1] =	stream.indirect.gather @!p0 [hbm4b:s1+s15], $0x40, s15, s15, $0xb8;
	[tilespmem:$0x1E8B0] =	vst v63  }
0x165: {  	s0 =	sadd.s32 @!p0 s2, s0;
	s4 =	simm.s32 @!p0 $0x2850  }
0x166: {  	[tilespmem:s4], [sflag:$0x3] =	stream.linear.gather @!p0 [hbm4b:s0+s14], $0xA00, $0x38;
	[tilespmem:$0x1E8B0] =	vst v63  }
0x167: {  	_ =	swait.ge @!p0 [sflag:s9], $0xA00  }
0x168: {  	[sflag:s9] =	ssyncset.done @!p0 $0x0  }
0x169: {  	[sflag:s9] =	ssyncadd.s32 @!p0 $0xFFFFF600  }
0x16a: {  	_ =	swait.ge [sflag:s28], $0x1E00  }
0x16b: {  	[sflag:s28] =	ssyncset.done $0x0  }
0x16c: {  	[sflag:s28] =	ssyncadd.s32 $0xFFFFE200  }
0x16d: {  	_ =	swait.ge [sflag:s28], $0xA00  }
0x16e: {  	[sflag:s28] =	ssyncset.done $0x0  }
0x16f: {  	s14 =	simm.s32 $0x3360;
	[sflag:s28] =	ssyncadd.s32 $0xFFFFF600  }
0x170: {  	s31 =	simm.s32 $0x50E0;
	v5 =	vld [tilespmem:s14+$0xFFFFFF40]  }
0x171: {  	v6 =	vld [tilespmem:s31+$0xFFFFFFC0]  }
0x172: {  	s15 =	simm.s32 $0x5AE0  }
0x173: {  	v7 =	vld [tilespmem:s15+$0xFFFFFFC0];
	_ =	sdelay $0x2  }
0x174: {  	v5 =	vadd.f32 v6, v5;
	_ =	sdelay $0x1  }
0x175: {  	v5 =	vadd.f32 v7, v5  }
0x176: {  	v8 =	vld [tilespmem:s14+$0xFFFFFF50]  }
0x177: {  	v6 =	vld [tilespmem:s31+$0xFFFFFFD0];
	v7 =	vmul.f32 $9.999999770e-03, v5;
	_ =	sdelay $0x1  }
0x178: {  	v5 =	vmax.f32 v5, v7;
	v7 =	vld [tilespmem:s15+$0xFFFFFFD0]  }
0x179: {  	v9 =	vmul.f32 v5, v4;
	_ =	sdelay $0x1  }
0x17a: {  	v6 =	vadd.f32 v6, v8;
	v8 =	vperm.xlane v9, v0;
	_ =	sdelay $0x1  }
0x17b: {  	v10 =	vld [tilespmem:s31+$0xFFFFFFE0];
	v6 =	vadd.f32 v7, v6;
	v7 =	vadd.f32 v8, v9  }
0x17c: {  	v8 =	vld [tilespmem:s14+$0xFFFFFF60]  }
0x17d: {  	v9 =	vmul.f32 $9.999999770e-03, v6;
	v11 =	vperm.xlane v7, v1  }
0x17e: {  	v12 =	vld [tilespmem:s15+$0xFFFFFFE0]  }
0x17f: {  	v6 =	vmax.f32 v6, v9;
	v9 =	vld [tilespmem:s31+$0xFFFFFFF0];
	v7 =	vadd.f32 v11, v7  }
0x180: {  	v11 =	vld [tilespmem:s14+$0xFFFFFF70];
	v13 =	vmul.f32 v6, v4  }
0x181: {  	v8 =	vadd.f32 v10, v8;
	v10 =	vperm.xlane v7, v2  }
0x182: {  	v15 =	vperm.xlane v13, v0  }
0x183: {  	v8 =	vadd.f32 v12, v8;
	v7 =	vadd.f32 v10, v7  }
0x184: {  	v10 =	vadd.f32 v15, v13  }
0x185: {  	v12 =	vmul.f32 $9.999999770e-03, v8;
	v9 =	vadd.f32 v9, v11;
	v11 =	vperm.xlane v7, v3  }
0x186: {  	v14 =	vld [tilespmem:s15+$0xFFFFFFF0];
	v13 =	vperm.xlane v10, v1  }
0x187: {  	v8 =	vmax.f32 v8, v12;
	v7 =	vadd.f32 v11, v7  }
0x188: {  	v11 =	vmul.f32 v8, v4;
	v10 =	vadd.f32 v13, v10  }
0x189: {  	v7 =	vmul.f32 $1.442695020e+00, v7  }
0x18a: {  	v48 =	vperm.xlane v11, v0;
	v13 =	vperm.xlane v10, v2  }
0x18b: {  	v9 =	vadd.f32 v14, v9  }
0x18c: {  	s19 =	simm.s32 $0x64E0;
	(erf) = vpow2.f32 v7;
	v7 =	vadd.f32 v13, v10;
	v10 =	vadd.f32 v48, v11  }
0x18d: {  	[tilespmem:s19+$0xFFFFFFC0] =	vst v5;
	v47 =	vmul.f32 $9.999999770e-03, v9  }
0x18e: {  	[tilespmem:s19+$0xFFFFFFE0] =	vst v8;
	v5 =	vperm.xlane v7, v3;
	v8 =	vperm.xlane v10, v1  }
0x18f: {  	[tilespmem:s19+$0xFFFFFFD0] =	vst v6;
	v9 =	vmax.f32 v9, v47  }
0x190: {  	[tilespmem:s19+$0xFFFFFFF0] =	vst v9;
	v5 =	vadd.f32 v5, v7;
	v7 =	vadd.f32 v8, v10  }
0x191: {  	v9 =	vmul.f32 v9, v4;
	v6 =	vld [tilespmem:s14+$0xFFFFFF80]  }
0x192: {  	v8 =	vld [tilespmem:s14+$0xFFFFFF90];
	v5 =	vmul.f32 $1.442695020e+00, v5;
	v10 =	vperm.xlane v7, v2;
	_ =	sdelay $0x1  }
0x193: {  	v11 =	vperm.xlane v9, v0;
	(erf) = vpow2.f32 v5;
	v5 =	vadd.f32 v10, v7  }
0x194: {  	v49 =	vpop (erf)  }
0x195: {  	v7 =	vadd.f32 v11, v9;
	v6 =	vmul.f32 v6, v49;
	v9 =	vperm.xlane v5, v3  }
0x196: {  	s18 =	simm.s32 $0x6F30;
	v8 =	vmul.f32 v8, v49  }
0x197: {  	[tilespmem:s18+$0xFFFFFF70] =	vst v6;
	v5 =	vadd.f32 v9, v5  }
0x198: {  	v6 =	vperm.xlane v7, v1;
	[tilespmem:s18+$0xFFFFFF80] =	vst v8  }
0x199: {  	v8 =	vld [tilespmem:s14+$0xFFFFFFA0];
	v5 =	vmul.f32 $1.442695020e+00, v5  }
0x19a: {  	v6 =	vadd.f32 v6, v7;
	v7 =	vld [tilespmem:s14+$0xFFFFFFB0];
	_ =	sdelay $0x1  }
0x19b: {  	v9 =	vperm.xlane v6, v2  }
0x19c: {  	(erf) = vpow2.f32 v5;
	v5 =	vpop (erf)  }
0x19d: {  	v6 =	vadd.f32 v9, v6;
	v8 =	vmul.f32 v8, v5  }
0x19e: {  	v7 =	vmul.f32 v7, v5  }
0x19f: {  	v9 =	vperm.xlane v6, v3;
	[tilespmem:s18+$0xFFFFFF90] =	vst v8  }
0x1a0: {  	[tilespmem:s18+$0xFFFFFFA0] =	vst v7  }
0x1a1: {  	v6 =	vadd.f32 v9, v6;
	v7 =	vld [tilespmem:s14+$0xFFFFFFC0]  }
0x1a2: {  	v8 =	vld [tilespmem:s14+$0xFFFFFFD0]  }
0x1a3: {  	v6 =	vmul.f32 $1.442695020e+00, v6;
	_ =	sdelay $0x1  }
0x1a4: {  	v9 =	vpop (erf);
	(erf) = vpow2.f32 v6  }
0x1a5: {  	v6 =	vmul.f32 v7, v9  }
0x1a6: {  	v7 =	vmul.f32 v8, v9  }
0x1a7: {  	[tilespmem:s18+$0xFFFFFFB0] =	vst v6  }
0x1a8: {  	[tilespmem:s18+$0xFFFFFFC0] =	vst v7  }
0x1a9: {  	v6 =	vld [tilespmem:s14+$0xFFFFFFE0]  }
0x1aa: {  	v8 =	vnsel vm0, $0x0, v49;
	v7 =	vld [tilespmem:s14+$0xFFFFFFF0];
	_ =	sdelay $0x1  }
0x1ab: {  	v5 =	vsel vm1, v8, v5  }
0x1ac: {  	v5 =	vsel vm2, v5, v9;
	v8 =	vpop (erf)  }
0x1ad: {  	v5 =	vsel vm3, v5, v8;
	v6 =	vmul.f32 v6, v8  }
0x1ae: {  	v7 =	vmul.f32 v7, v8;
	[tilespmem:s18+$0xFFFFFFF0] =	vst v5  }
0x1af: {  	[tilespmem:s18+$0xFFFFFFD0] =	vst v6  }
0x1b0: {  	[tilespmem:s18+$0xFFFFFFE0] =	vst v7  }
0x1b1: {  	v5 =	vld [tilespmem:s14+$0x0]  }
0x1b2: {  	v6 =	vld [tilespmem:s31+$0x0];
	_ =	sdelay $0x1  }
0x1b3: {  	v7 =	vld [tilespmem:s15+$0x0];
	_ =	sdelay $0x2  }
0x1b4: {  	v8 =	vld [tilespmem:s14+$0x20];
	v5 =	vadd.f32 v6, v5  }
0x1b5: {  	v9 =	vld [tilespmem:s14+$0x30]  }
0x1b6: {  	v11 =	vld [tilespmem:s14+$0x10];
	v5 =	vadd.f32 v7, v5  }
0x1b7: {  	v50 =	vld [tilespmem:s31+$0x30]  }
0x1b8: {  	v7 =	vld [tilespmem:s31+$0x10];
	v10 =	vmul.f32 $9.999999770e-03, v5  }
0x1b9: {  	v6 =	vld [tilespmem:s31+$0x20]  }
0x1ba: {  	v5 =	vmax.f32 v5, v10;
	v10 =	vld [tilespmem:s15+$0x10]  }
0x1bb: {  	v51 =	vld [tilespmem:s15+$0x20];
	v52 =	vmul.f32 v5, v4  }
0x1bc: {  	v53 =	vld [tilespmem:s15+$0x30]  }
0x1bd: {  	v7 =	vadd.f32 v7, v11;
	v11 =	vperm.xlane v52, v0  }
0x1be: {  	v6 =	vadd.f32 v6, v8;
	v8 =	vadd.f32 v50, v9  }
0x1bf: {  	v7 =	vadd.f32 v10, v7;
	v9 =	vadd.f32 v11, v52  }
0x1c0: {  	v6 =	vadd.f32 v51, v6  }
0x1c1: {  	v8 =	vadd.f32 v53, v8;
	v10 =	vmul.f32 $9.999999770e-03, v7;
	v11 =	vperm.xlane v9, v1  }
0x1c2: {  	v54 =	vmul.f32 $9.999999770e-03, v6  }
0x1c3: {  	v55 =	vmul.f32 $9.999999770e-03, v8;
	v7 =	vmax.f32 v7, v10;
	v9 =	vadd.f32 v11, v9  }
0x1c4: {  	v6 =	vmax.f32 v6, v54;
	v10 =	vmul.f32 v7, v4  }
0x1c5: {  	v8 =	vmax.f32 v8, v55;
	v11 =	vmul.f32 v6, v4;
	v56 =	vperm.xlane v9, v2  }
0x1c6: {  	v13 =	vmul.f32 v8, v4;
	v57 =	vperm.xlane v10, v0  }
0x1c7: {  	v58 =	vperm.xlane v11, v0;
	v9 =	vadd.f32 v56, v9  }
0x1c8: {  	v59 =	vperm.xlane v13, v0;
	v10 =	vadd.f32 v57, v10  }
0x1c9: {  	v11 =	vadd.f32 v58, v11;
	v60 =	vperm.xlane v9, v3  }
0x1ca: {  	v12 =	vadd.f32 v59, v13;
	v61 =	vperm.xlane v10, v1  }
0x1cb: {  	v15 =	vperm.xlane v11, v1;
	v9 =	vadd.f32 v60, v9  }
0x1cc: {  	v62 =	vperm.xlane v12, v1;
	v10 =	vadd.f32 v61, v10  }
0x1cd: {  	v11 =	vadd.f32 v15, v11;
	v9 =	vmul.f32 $1.442695020e+00, v9  }
0x1ce: {  	v12 =	vadd.f32 v62, v12;
	v13 =	vperm.xlane v10, v2  }
0x1cf: {  	[tilespmem:s19+$0x0] =	vst v5;
	v5 =	vperm.xlane v11, v2;
	(erf) = vpow2.f32 v9  }
0x1d0: {  	[tilespmem:s19+$0x20] =	vst v6;
	v6 =	vperm.xlane v12, v2;
	v9 =	vadd.f32 v13, v10  }
0x1d1: {  	[tilespmem:s19+$0x30] =	vst v8;
	v5 =	vadd.f32 v5, v11  }
0x1d2: {  	[tilespmem:s19+$0x10] =	vst v7;
	v6 =	vadd.f32 v6, v12;
	v7 =	vperm.xlane v9, v3  }
0x1d3: {  	v8 =	vld [tilespmem:s14+$0x40];
	v10 =	vperm.xlane v5, v3  }
0x1d4: {  	v63 =	vld [tilespmem:s14+$0x50];
	v11 =	vperm.xlane v6, v3;
	v7 =	vadd.f32 v7, v9  }
0x1d5: {  	v5 =	vadd.f32 v10, v5  }
0x1d6: {  	v9 =	vadd.f32 v11, v6;
	v10 =	vmul.f32 $1.442695020e+00, v7  }
0x1d7: {  	v6 =	vmul.f32 $1.442695020e+00, v5  }
0x1d8: {  	s22 =	simm.s32 $0x5160;
	v5 =	vmul.f32 $1.442695020e+00, v9;
	v7 =	vpop (erf);
	(erf) = vpow2.f32 v10  }
0x1d9: {  	s0 =	simm.s32 $0x34E0;
	s4 =	simm.s32 $0x7050;
	s9 =	simm.s32 $0x0;
	v9 =	vmul.f32 v8, v7;
	v8 =	vmul.f32 v63, v7  }
.LBB2_5:
0x1da: {  	s9 =	sadd.s32 $0x2, s9;
	s19 =	sadd.s32 $0x80, s19;
	s15 =	sadd.s32 $0x80, s15  }
0x1db: {  	p0 =	slt.u32 s9, $0x26;
	[tilespmem:s18+$0x0] =	vst v9  }
0x1dc: {  	[tilespmem:s18+$0x10] =	vst v8  }
0x1dd: {  	v8 =	vld [tilespmem:s14+$0x60]  }
0x1de: {  	v9 =	vld [tilespmem:s14+$0x70];
	_ =	sdelay $0x2  }
0x1df: {  	v7 =	vnsel vm0, $0x0, v7;
	v10 =	vpop (erf);
	(erf) = vpow2.f32 v6  }
0x1e0: {  	v6 =	vsel vm1, v7, v10;
	v7 =	vmul.f32 v8, v10  }
0x1e1: {  	v8 =	vmul.f32 v9, v10  }
0x1e2: {  	[tilespmem:s18+$0x20] =	vst v7  }
0x1e3: {  	[tilespmem:s18+$0x30] =	vst v8  }
0x1e4: {  	v7 =	vld [tilespmem:s14+$0x80];
	(erf) = vpow2.f32 v5  }
0x1e5: {  	v5 =	vld [tilespmem:s14+$0x90];
	_ =	sdelay $0x2  }
0x1e6: {  	v8 =	vpop (erf)  }
0x1e7: {  	v7 =	vmul.f32 v7, v8  }
0x1e8: {  	v5 =	vmul.f32 v5, v8  }
0x1e9: {  	[tilespmem:s18+$0x40] =	vst v7  }
0x1ea: {  	[tilespmem:s18+$0x50] =	vst v5  }
0x1eb: {  	v5 =	vsel vm2, v6, v8;
	v6 =	vld [tilespmem:s14+$0xA0];
	v7 =	vpop (erf)  }
0x1ec: {  	v5 =	vsel vm3, v5, v7;
	v8 =	vld [tilespmem:s14+$0xB0];
	s14 =	smov.u32 s0  }
0x1ed: {  	[tilespmem:s18+$0x80] =	vst v5;
	_ =	sdelay $0x2  }
0x1ee: {  	v5 =	vmul.f32 v6, v7  }
0x1ef: {  	v6 =	vmul.f32 v8, v7  }
0x1f0: {  	[tilespmem:s18+$0x60] =	vst v5  }
0x1f1: {  	[tilespmem:s18+$0x70] =	vst v6;
	s18 =	smov.u32 s4  }
0x1f2: {  	v5 =	vld [tilespmem:s0+$0xFFFFFF40]  }
0x1f3: {  	v6 =	vld [tilespmem:s22+$0xFFFFFFC0]  }
0x1f4: {  	v7 =	vld [tilespmem:s15+$0xFFFFFFC0];
	_ =	sdelay $0x3  }
0x1f5: {  	v5 =	vadd.f32 v6, v5;
	_ =	sdelay $0x1  }
0x1f6: {  	v5 =	vadd.f32 v7, v5;
	v6 =	vld [tilespmem:s22+$0xFFFFFFE0]  }
0x1f7: {  	v7 =	vld [tilespmem:s22+$0xFFFFFFD0]  }
0x1f8: {  	v8 =	vmul.f32 $9.999999770e-03, v5;
	v9 =	vld [tilespmem:s0+$0xFFFFFF50]  }
0x1f9: {  	v10 =	vld [tilespmem:s0+$0xFFFFFF60]  }
0x1fa: {  	v5 =	vmax.f32 v5, v8;
	v8 =	vld [tilespmem:s15+$0xFFFFFFD0]  }
0x1fb: {  	v11 =	vld [tilespmem:s15+$0xFFFFFFE0];
	v12 =	vmul.f32 v5, v4;
	_ =	sdelay $0x1  }
0x1fc: {  	v7 =	vadd.f32 v7, v9;
	v9 =	vperm.xlane v12, v0  }
0x1fd: {  	v6 =	vadd.f32 v6, v10  }
0x1fe: {  	v7 =	vadd.f32 v8, v7;
	v8 =	vadd.f32 v9, v12  }
0x1ff: {  	v6 =	vadd.f32 v11, v6  }
0x200: {  	v9 =	vmul.f32 $9.999999770e-03, v7;
	v10 =	vperm.xlane v8, v1  }
0x201: {  	v11 =	vmul.f32 $9.999999770e-03, v6  }
0x202: {  	v7 =	vmax.f32 v7, v9;
	v9 =	vld [tilespmem:s22+$0xFFFFFFF0];
	v8 =	vadd.f32 v10, v8  }
0x203: {  	v6 =	vmax.f32 v6, v11;
	v10 =	vld [tilespmem:s0+$0xFFFFFF70];
	v11 =	vmul.f32 v7, v4  }
0x204: {  	v12 =	vmul.f32 v6, v4;
	v13 =	vperm.xlane v8, v2  }
0x205: {  	v14 =	vld [tilespmem:s15+$0xFFFFFFF0];
	v15 =	vperm.xlane v11, v0  }
0x206: {  	v16 =	vperm.xlane v12, v0;
	v8 =	vadd.f32 v13, v8  }
0x207: {  	v11 =	vadd.f32 v15, v11  }
0x208: {  	v9 =	vadd.f32 v9, v10;
	v10 =	vadd.f32 v16, v12;
	v12 =	vperm.xlane v8, v3  }
0x209: {  	v13 =	vperm.xlane v11, v1  }
0x20a: {  	v9 =	vadd.f32 v14, v9;
	v14 =	vperm.xlane v10, v1;
	v8 =	vadd.f32 v12, v8  }
0x20b: {  	v11 =	vadd.f32 v13, v11  }
0x20c: {  	v12 =	vmul.f32 $9.999999770e-03, v9;
	v10 =	vadd.f32 v14, v10;
	v8 =	vmul.f32 $1.442695020e+00, v8  }
0x20d: {  	v13 =	vperm.xlane v11, v2  }
0x20e: {  	v9 =	vmax.f32 v9, v12;
	v12 =	vperm.xlane v10, v2;
	(erf) = vpow2.f32 v8  }
0x20f: {  	[tilespmem:s19+$0xFFFFFFF0] =	vst v9;
	v8 =	vmul.f32 v9, v4;
	v9 =	vadd.f32 v13, v11  }
0x210: {  	[tilespmem:s19+$0xFFFFFFC0] =	vst v5;
	v5 =	vadd.f32 v12, v10  }
0x211: {  	[tilespmem:s19+$0xFFFFFFE0] =	vst v6;
	v6 =	vperm.xlane v8, v0;
	v10 =	vperm.xlane v9, v3  }
0x212: {  	[tilespmem:s19+$0xFFFFFFD0] =	vst v7;
	v7 =	vperm.xlane v5, v3  }
0x213: {  	v6 =	vadd.f32 v6, v8;
	v8 =	vadd.f32 v10, v9;
	v9 =	vld [tilespmem:s0+$0xFFFFFF80]  }
0x214: {  	v5 =	vadd.f32 v7, v5;
	v7 =	vld [tilespmem:s0+$0xFFFFFF90]  }
0x215: {  	v11 =	vperm.xlane v6, v1;
	v8 =	vmul.f32 $1.442695020e+00, v8  }
0x216: {  	v5 =	vmul.f32 $1.442695020e+00, v5  }
0x217: {  	v6 =	vadd.f32 v11, v6;
	v10 =	vpop (erf);
	(erf) = vpow2.f32 v8  }
0x218: {  	v8 =	vmul.f32 v9, v10;
	(erf) = vpow2.f32 v5  }
0x219: {  	v5 =	vperm.xlane v6, v2;
	v7 =	vmul.f32 v7, v10  }
0x21a: {  	[tilespmem:s4+$0xFFFFFF70] =	vst v8  }
0x21b: {  	v5 =	vadd.f32 v5, v6;
	[tilespmem:s4+$0xFFFFFF80] =	vst v7  }
0x21c: {  	v6 =	vld [tilespmem:s0+$0xFFFFFFA0]  }
0x21d: {  	v7 =	vperm.xlane v5, v3;
	v8 =	vld [tilespmem:s0+$0xFFFFFFB0];
	_ =	sdelay $0x1  }
0x21e: {  	v5 =	vadd.f32 v7, v5  }
0x21f: {  	v7 =	vnsel vm0, $0x0, v10;
	v9 =	vpop (erf)  }
0x220: {  	v5 =	vmul.f32 $1.442695020e+00, v5;
	v7 =	vsel vm1, v7, v9;
	v6 =	vmul.f32 v6, v9;
	v10 =	vpop (erf)  }
0x221: {  	v8 =	vmul.f32 v8, v9;
	v7 =	vsel vm2, v7, v10  }
0x222: {  	[tilespmem:s4+$0xFFFFFF90] =	vst v6  }
0x223: {  	[tilespmem:s4+$0xFFFFFFA0] =	vst v8  }
0x224: {  	v6 =	vld [tilespmem:s0+$0xFFFFFFC0]  }
0x225: {  	v8 =	vld [tilespmem:s0+$0xFFFFFFD0];
	_ =	sdelay $0x2  }
0x226: {  	(erf) = vpow2.f32 v5  }
0x227: {  	v5 =	vmul.f32 v6, v10  }
0x228: {  	v6 =	vmul.f32 v8, v10  }
0x229: {  	[tilespmem:s4+$0xFFFFFFB0] =	vst v5  }
0x22a: {  	[tilespmem:s4+$0xFFFFFFC0] =	vst v6  }
0x22b: {  	v5 =	vld [tilespmem:s0+$0xFFFFFFE0]  }
0x22c: {  	v6 =	vld [tilespmem:s0+$0xFFFFFFF0];
	_ =	sdelay $0x2  }
0x22d: {  	v8 =	vpop (erf)  }
0x22e: {  	v7 =	vsel vm3, v7, v8;
	v5 =	vmul.f32 v5, v8  }
0x22f: {  	v6 =	vmul.f32 v6, v8;
	[tilespmem:s4+$0xFFFFFFF0] =	vst v7  }
0x230: {  	[tilespmem:s4+$0xFFFFFFD0] =	vst v5  }
0x231: {  	[tilespmem:s4+$0xFFFFFFE0] =	vst v6  }
0x232: {  	v5 =	vld [tilespmem:s0+$0x0]  }
0x233: {  	v6 =	vld [tilespmem:s22+$0x0]  }
0x234: {  	v7 =	vld [tilespmem:s0+$0x20]  }
0x235: {  	v8 =	vld [tilespmem:s15+$0x0]  }
0x236: {  	v9 =	vld [tilespmem:s22+$0x20]  }
0x237: {  	v10 =	vld [tilespmem:s0+$0x30]  }
0x238: {  	v5 =	vadd.f32 v6, v5;
	v6 =	vld [tilespmem:s15+$0x20]  }
0x239: {  	v11 =	vld [tilespmem:s22+$0x30]  }
0x23a: {  	v5 =	vadd.f32 v8, v5;
	v8 =	vld [tilespmem:s15+$0x30]  }
0x23b: {  	v12 =	vld [tilespmem:s22+$0x10];
	v7 =	vadd.f32 v9, v7  }
0x23c: {  	v9 =	vmul.f32 $9.999999770e-03, v5;
	v13 =	vld [tilespmem:s0+$0x10]  }
0x23d: {  	v6 =	vadd.f32 v6, v7  }
0x23e: {  	v5 =	vmax.f32 v5, v9;
	v7 =	vld [tilespmem:s15+$0x10];
	v9 =	vadd.f32 v11, v10  }
0x23f: {  	v10 =	vmul.f32 $9.999999770e-03, v6;
	[tilespmem:s19+$0x0] =	vst v5;
	v5 =	vmul.f32 v5, v4  }
0x240: {  	v8 =	vadd.f32 v8, v9  }
0x241: {  	v9 =	vadd.f32 v12, v13;
	v6 =	vmax.f32 v6, v10;
	v10 =	vperm.xlane v5, v0  }
0x242: {  	v11 =	vmul.f32 $9.999999770e-03, v8;
	[tilespmem:s19+$0x20] =	vst v6;
	v6 =	vmul.f32 v6, v4  }
0x243: {  	v7 =	vadd.f32 v7, v9;
	v5 =	vadd.f32 v10, v5  }
0x244: {  	v8 =	vmax.f32 v8, v11;
	v9 =	vperm.xlane v6, v0  }
0x245: {  	v10 =	vmul.f32 $9.999999770e-03, v7;
	[tilespmem:s19+$0x30] =	vst v8;
	v11 =	vperm.xlane v5, v1  }
0x246: {  	v8 =	vmul.f32 v8, v4;
	v6 =	vadd.f32 v9, v6  }
0x247: {  	v7 =	vmax.f32 v7, v10;
	v5 =	vadd.f32 v11, v5  }
0x248: {  	[tilespmem:s19+$0x10] =	vst v7;
	v7 =	vmul.f32 v7, v4;
	v9 =	vperm.xlane v6, v1  }
0x249: {  	v10 =	vperm.xlane v8, v0;
	v11 =	vperm.xlane v5, v2;
	v12 =	vld [tilespmem:s0+$0x40]  }
0x24a: {  	v13 =	vperm.xlane v7, v0;
	v6 =	vadd.f32 v9, v6  }
0x24b: {  	v8 =	vadd.f32 v10, v8;
	v5 =	vadd.f32 v11, v5  }
0x24c: {  	v7 =	vadd.f32 v13, v7;
	v9 =	vperm.xlane v6, v2  }
0x24d: {  	v10 =	vperm.xlane v8, v1;
	v11 =	vperm.xlane v5, v3  }
0x24e: {  	v13 =	vperm.xlane v7, v1;
	v6 =	vadd.f32 v9, v6  }
0x24f: {  	v8 =	vadd.f32 v10, v8;
	v5 =	vadd.f32 v11, v5  }
0x250: {  	v7 =	vadd.f32 v13, v7;
	v9 =	vperm.xlane v6, v3  }
0x251: {  	v10 =	vperm.xlane v8, v2;
	v5 =	vmul.f32 $1.442695020e+00, v5  }
0x252: {  	v11 =	vperm.xlane v7, v2;
	v6 =	vadd.f32 v9, v6  }
0x253: {  	v8 =	vadd.f32 v10, v8;
	(erf) = vpow2.f32 v5  }
0x254: {  	v5 =	vadd.f32 v11, v7;
	v6 =	vmul.f32 $1.442695020e+00, v6  }
0x255: {  	v7 =	vperm.xlane v8, v3  }
0x256: {  	v9 =	vperm.xlane v5, v3  }
0x257: {  	v7 =	vadd.f32 v7, v8  }
0x258: {  	v8 =	vadd.f32 v9, v5;
	v10 =	vld [tilespmem:s0+$0x50]  }
.Ltmp1:
0x259: {  	v5 =	vmul.f32 $1.442695020e+00, v7;
	(pc) =	sbr.rel @p0 .LBB2_5-.Ltmp1, $3  }
0x25a: {  	v8 =	vmul.f32 $1.442695020e+00, v8;
	_ =	sdelay $0x1  }
0x25b: {  	v7 =	vpop (erf);
	(erf) = vpow2.f32 v8  }
0x25c: {  	s4 =	sadd.s32 $0x120, s4;
	s22 =	sadd.s32 $0x80, s22;
	s0 =	sadd.s32 $0x180, s0;
	v9 =	vmul.f32 v12, v7;
	v8 =	vmul.f32 v10, v7  }
0x25d: {  	_ = 	snop  }
0x25e: {  	[tilespmem:s18+$0x0] =	vst v9  }
0x25f: {  	[tilespmem:s18+$0x10] =	vst v8  }
0x260: {  	v8 =	vld [tilespmem:s14+$0x60]  }
0x261: {  	v9 =	vld [tilespmem:s14+$0x70];
	_ =	sdelay $0x2  }
0x262: {  	v10 =	vpop (erf);
	(erf) = vpow2.f32 v6  }
0x263: {  	v6 =	vmul.f32 v8, v10  }
0x264: {  	v63 =	vmul.f32 v9, v10  }
0x265: {  	[tilespmem:s18+$0x20] =	vst v6  }
0x266: {  	[tilespmem:s18+$0x30] =	vst v63  }
0x267: {  	v6 =	vld [tilespmem:s14+$0x80]  }
0x268: {  	v8 =	vld [tilespmem:s14+$0x90];
	_ =	sdelay $0x2  }
0x269: {  	(erf) = vpow2.f32 v5;
	v5 =	vpop (erf)  }
0x26a: {  	v6 =	vmul.f32 v6, v5  }
0x26b: {  	v8 =	vmul.f32 v8, v5  }
0x26c: {  	[tilespmem:s18+$0x40] =	vst v6  }
0x26d: {  	[tilespmem:s18+$0x50] =	vst v8  }
0x26e: {  	v7 =	vnsel vm0, $0x0, v7;
	v6 =	vld [tilespmem:s14+$0xA0]  }
0x26f: {  	v7 =	vsel vm1, v7, v10;
	v8 =	vld [tilespmem:s14+$0xB0];
	_ =	sdelay $0x2  }
0x270: {  	v5 =	vsel vm2, v7, v5;
	v7 =	vpop (erf)  }
0x271: {  	v5 =	vsel vm3, v5, v7;
	v6 =	vmul.f32 v6, v7  }
0x272: {  	[tilespmem:s18+$0x80] =	vst v5;
	v5 =	vmul.f32 v8, v7  }
0x273: {  	[tilespmem:s18+$0x60] =	vst v6  }
0x274: {  	s0 =	sadd.s32 s10, s13;
	[tilespmem:s18+$0x70] =	vst v5  }
0x275: {  	[hbm4b:s0+s5] =	stream.linear.scatter [tilespmem:s25], [sflag:$0x3], $0xA00, $0x38;
	[tilespmem:$0x1E8B0] =	vst v63  }
0x276: {  	s12 =	sadd.s32 $0x1, s12;
	_ =	swait.ge [sflag:s21], $0xA00  }
0x277: {  	p0 =	sne.s32 s12, $0x7D;
	[sflag:s21] =	ssyncset.done $0x0  }
.Ltmp2:
0x278: {  	[sflag:s21] =	ssyncadd.s32 $0xFFFFF600;
	(pc) =	sbr.rel @p0 .LBB2_2-.Ltmp2, $4  }
0x279: {  	[spmem:s3] =	stream.indirect.scatter.add.f32 [tilespmem:s26], [sflag:$0x3], $0x90, s30, s24, $0xb8;
	[tilespmem:$0x1E8B0] =	vst v63  }
0x27a: {  	_ =	swait.ge [sflag:s21], $0x1680  }
0x27b: {  	[sflag:s21] =	ssyncset.done $0x0  }
0x27c: {  	[sflag:s21] =	ssyncadd.s32 $0xFFFFE980  }
0x27d: {  	[bflag:$0x0] =	sbarrier.arrive $0xFFFF  }
0x27e: {  	s0 =	rddreg [dreg:$0xa]  }
0x27f: {  	s12 =	rddreg [dreg:$0xc]  }
0x280: {  	s9 =	rddreg [dreg:$0xd]  }
0x281: {  	[hbm:s0], [sflag:s12] =	dma.local [spmem:s9], $0x2C70  }
0x282: {  	_ =	swait.ge [sflag:s21], $0x2C70  }
0x283: {  	s4 =	rddreg [dreg:$0xe]  }
0x284: {  	s31 =	rddreg [dreg:$0xb];
	s4 =	sadd.s32 $0x1, s4  }
0x285: {  	p0 =	sne.s32 s4, s31  }
.Ltmp3:
0x286: {  	_ = 	snop;
	(pc) =	sbr.rel @p0 .LBB2_1-.Ltmp3, $3  }
0x287: {  	_ =	sdelay $0x1  }
0x288: {  	[sflag:s21] =	ssyncset.done $0x0  }
0x289: {  	[sflag:s21] =	ssyncadd.s32 $0xFFFFD390  }
0x28a: {  	_ =	sfence.sel $0x180000  }
0x28b: {  	[bflag:$0x0] =	sbarrier.arrive $0xFFFF  }
0x28c: {  	_ =	strace $0x90000047  }
0x28d: {  	s0 =	stileid.u32;
	[bflag:$0x2] =	sbarrier.arrive $0xFFFF  }
0x28e: {  	p0 =	sne.s32 s0, $0x0;
	s0 =	rddreg [dreg:$0x4]  }
0x28f: {  	s0 =	sadd.s32 @!p0 $0x100000, s0  }
0x290: {  	[sflag:s0] =	ssyncadd.tile.s32 @!p0 $0x1;
	_ =	shalt  }
.Lfunc_end2:
_tile_overlayer_lowered:
.L_overlay_start_2:
0x291: {  	(tag) =	ssettag $0x2  }
0x292: {  	s0 =	rddreg [dreg:$0x0];
	s2 =	stileid.u32  }
0x293: {  	s1 =	rddreg [dreg:$0x1];
	p0 =	sne.s32 s2, $0x0  }
0x294: {  	s3 =	rddreg [dreg:$0x2];
	[bflag:$0x3] =	sbarrier.arrive $0xFFFF;
	s2 =	simm.s32 @!p0 $0x1C03  }
0x295: {  	[timem:s3], [sflag:s2] =	dma.local @!p0 [hbm:s0], s1  }
0x296: {  	s0 =	simm.s32 @!p0 $0x3  }
0x297: {  	_ =	swait.ge @!p0 [sflag:s0], s1  }
0x298: {  	s1 =	ssub.s32 @!p0 $0x0, s1;
	[sflag:s0] =	ssyncset.done @!p0 $0x0  }
0x299: {  	[sflag:s0] =	ssyncadd.s32 @!p0 s1  }
0x29a: {  	[bflag:$0x3] =	sbarrier.arrive $0xFFFF  }
0x29b: {  	_ =	shalt  }

// kernel: sparse-core-data-format-call.cloned.1.call-start
scs
called_computation_lowered:
.L_overlay_start_0:
0x0: {  	s2 =	sld [smem:$0x3FD9]  }
0x1: {  	s3 =	sld [smem:$0x3FFE];
	_ =	sdelay $0x1  }
0x2: {  	s1 =	srdreg.scid  }
0x3: {  	s0 =	sand.u32 $0x1, s1  }
0x4: {  	s15 =	sshll.u32 s0, $0xA;
	s2 =	sadd.s32 s3, s2  }
0x5: {  	s2 =	sadd.s32 s2, s15  }
0x6: {  	[smem:$0x3FC0] =	sst s2  }
0x7: {  	_ = 	snop  }
0x8: {  	s2 =	sld [smem:$0x3FD0];
	_ =	sdelay $0x2  }
0x9: {  	s16 =	simm.s32 $0xA;
	s4 =	simm.s32 $0x10  }
0xa: {  	[smem:s4], [sflag:s16] =	dma.local [hbm:s2], $0x1  }
0xb: {  	_ =	swait.eq [sflag:s16], $0x1  }
0xc: {  	[sflag:s16] =	ssyncset.done $0x0  }
0xd: {  	[sflag:s16] =	ssyncadd.s32 $0xFFFFFFFF  }
0xe: {  	s17 =	sld [smem:$0x11];
	(tm) =	ssettm $0x1  }
0xf: {  	s18 =	sld [smem:$0x3FFB];
	_ =	sdelay $0x3  }
0x10: {  	_ =	strace s18  }
0x11: {  	s3 =	sld [smem:$0x3FFC];
	_ =	sdelay $0x3  }
0x12: {  	_ =	strace s3  }
0x13: {  	s3 =	sld [smem:$0x3FFD];
	_ =	sdelay $0x3  }
0x14: {  	_ =	strace s3  }
0x15: {  	_ =	strace $0x8FFFFFFF  }
0x16: {  	s19 =	sld [smem:$0x3FDB];
	_ =	sdelay $0x1  }
0x17: {  	s20 =	simm.s32 $_scs_section_size  }
0x18: {  	s5 =	simm.s32 $_size__tile_overlayer_lowered;
	s6 =	simm.s32 $_tile_overlayer_lowered  }
0x19: {  	s23 =	simm.s32 $0x1BFF;
	s22 =	sshll.u32 s6, $0x1;
	s3 =	sadd.s32 s20, s19  }
0x1a: {  	s7 =	simm.s32 $0x0;
	s21 =	sshll.u32 s5, $0x1;
	s5 =	sadd.s32 s22, s3  }
0x1b: {  	[timem:s7], [sflag:s23] =	dma.local [hbm:s5], s21  }
0x1c: {  	_ =	swait.ge [sflag:s23], s21  }
0x1d: {  	s4 =	ssub.s32 $0x0, s21;
	[sflag:s23] =	ssyncset.done $0x0  }
0x1e: {  	[sflag:s23] =	ssyncadd.s32 s4;
	_ =	sdelay $0x1  }
0x1f: {  	s24 =	simm.s32 $0x1B8B  }
0x20: {  	_ =	swait.ge [sflag:s24], $0x1  }
0x21: {  	[sflag:s24] =	ssyncset.done $0x0  }
0x22: {  	s26 =	simm.s32 $0x1B8E;
	s25 =	sld [smem:$0x3FFE];
	[sflag:s24] =	ssyncadd.s32 $0xFFFFFFFF  }
0x23: {  	s27 =	simm.s32 $execute0_lowered;
	[smem:$0x3FD2] =	sst s26  }
0x24: {  	s5 =	sshll.u32 s27, $0x1;
	_ =	strace $0x80000049;
	[dreg:$0x1] =	wrdreg $0xFFFFFFFF  }
0x25: {  	s28 =	simm.s32 $_size_execute0_lowered;
	s3 =	sadd.s32 s3, s5;
	[dreg:$0x0] =	wrdreg $0x0  }
0x26: {  	s5 =	sshll.u32 s28, $0x1;
	[dreg:$0x2] =	wrdreg s3  }
0x27: {  	[dreg:$0x3] =	wrdreg s5  }
0x28: {  	[dreg:$0x4] =	wrdreg $0xC0  }
0x29: {  	_ =	task [dreg:s7], $0x5FFFF  }
0x2a: {  	[dreg:$0x1] =	wrdreg $0xFFFFFFFF  }
0x2b: {  	[dreg:$0x0] =	wrdreg $0x60  }
0x2c: {  	[dreg:$0x2] =	wrdreg s25  }
0x2d: {  	[dreg:$0x3] =	wrdreg s17  }
0x2e: {  	[dreg:$0x4] =	wrdreg $0x9  }
0x2f: {  	_ =	task.clear_ibuf [dreg:s7], $0x5FFFF;
	_ =	strace $0x90000049  }
0x30: {  	s29 =	simm.s32 $0x9;
	_ =	strace $0x8000004B  }
0x31: {  	_ =	swait.ge [sflag:s29], $0x1  }
0x32: {  	[sflag:s29] =	ssyncadd.s32 $0xFFFFFFFF  }
0x33: {  	_ =	strace $0x9000004B  }
0x34: {  	_ =	sfence  }
0x35: {  	s30 =	sld [smem:$0x0];
	_ =	sdelay $0x2  }
0x36: {  	s31 =	sshll.u32 s1, $0xD;
	s1 =	sshrl.u32 s1, $0x2  }
0x37: {  	s3 =	sand.u32 $0x4000, s31;
	s1 =	sadd.s32 s1, s30  }
0x38: {  	s0 =	sor.u32 s3, s0;
	s1 =	sshll.u32 s1, $0x11  }
0x39: {  	s0 =	sor.u32 s1, s0  }
0x3a: {  	s0 =	sadd.s32 $0x8F2B, s0  }
0x3b: {  	[sflag:s0] =	ssyncadd.remote.s32 $0x1  }
0x3c: {  	_ =	sfence.sel $0xFFFF  }
0x3d: {  	[dreg:$0x0] =	wrdreg $0xFFFFFFFF;
	(pc) =	sbr.abs _section_cstart, $3  }
0x3e: {  	[dreg:$0x1] =	wrdreg $0xFFFFFFFF  }
0x3f: {  	_ =	task.clear_ibuf [dreg:s7], $0x2FFFF;
	_ =	strace $0x9FFFFFFF  }
0x40: {  	(tm) =	ssettm $0x7FFFFFFF  }
0x41: {  	_ =	shalt  }
tec
execute0_lowered:
.L_overlay_start_1:
0x0: {  	(tag) =	ssettag $0x1  }
0x1: {  	s0 =	srdreg.scid  }
0x2: {  	s1 =	sshll.u32 s0, $0x4  }
0x3: {  	s4 =	rddreg [dreg:$0x0];
	s0 =	stileid.u32;
	s1 =	sand.u32 $0x10, s1  }
0x4: {  	s2 =	rddreg [dreg:$0x1];
	s7 =	simm.s32 $0x1;
	s1 =	sor.u32 s0, s1  }
0x5: {  	s8 =	simm.s32 $0x2;
	s11 =	simm.s32 $0x0;
	s3 =	sshll.u32 s1, $0x7  }
0x6: {  	s10 =	simm.s32 $0x0;
	s4 =	sadd.s32 $0x345C00, s4;
	s6 =	ssub.s32 $0x4E200, s3  }
.Ltmp0:
0x7: {  	s1 =	rddreg [dreg:$0x2];
	s5 =	sand.u32 $0xF80, s6;
	(pc) =	sbr.rel .LBB1_1-.Ltmp0, $4  }
0x8: {  	_ =	strace $0x8000004A;
	s9 =	smov.u32 s3;
	p0 =	sne.s32 s5, $0x0  }
0x9: {  	s6 =	sshrl.u32 s6, $0xC;
	s5 =	simm.s32 $0x1;
	s7 =	simm.s32 @!p0 $0x0  }
0xa: {  	[sflag:s5] =	ssyncpa.u1 $0x0;
	p0 =	por $0x0, $0x0;
	s6 =	sadd.s32 s7, s6  }
0xb: {  	[sflag:s8] =	ssyncpa.u1 $0x0;
	s8 =	simm.s32 $0x271000;
	s7 =	sadd.s32 $0x1, s6  }
.LBB1_4:
0xc: {  	s14 =	sshll.u32 s11, $0x3  }
0xd: {  	s30 =	sand.u32 $0x7F, s11;
	s14 =	sand.u32 $0xFFFFFC00, s14  }
0xe: {  	s11 =	sor.u32 s30, s14  }
0xf: {  	s15 =	smulhi.u32 $0xD1B71759, s11;
	_ =	sdelay $0x1  }
0x10: {  	s14 =	smulhi.u32 $0xD1B71759, s14;
	s15 =	sshrl.u32 s15, $0x12  }
0x11: {  	s15 =	smul.u32 $0x4E200, s15  }
0x12: {  	s14 =	sshrl.u32 s14, $0x12  }
0x13: {  	s14 =	sand.u32 $0x3F, s14;
	s11 =	ssub.s32 s11, s15  }
0x14: {  	[tilespmem:s13+$0x810 ss:$0x81] =	vst.msk $0xffff, v2;
	s14 =	smul.u32 $0x9C40, s14;
	s15 =	sshrl.u32 s11, $0x3;
	s11 =	sand.u32 $0x7, s11  }
0x15: {  	[tilespmem:s13+$0x1020 ss:$0x81] =	vst.msk $0xffff, v0;
	s15 =	sadd.s32 s2, s15;
	s11 =	sshll.u32 s11, $0x12  }
0x16: {  	[tilespmem:s13+$0x0 ss:$0x81] =	vst.msk $0xffff, v1;
	s31 =	sadd.s32 s14, s15;
	s11 =	sor.u32 $0x400, s11  }
0x17: {  	[hbm4b:s31+s11] =	stream.strided.scatter [tilespmem:s12], [sflag:$0x2], $0x2000, s8, s11, $0x20;
	[tilespmem:$0x8080] =	vst v63  }
.LBB1_5:
0x18: {  	s13 =	sadd.s32 $0x1000, s9  }
0x19: {  	p2 =	sgt.s32 s13, $0x4E1FF  }
0x1a: {  	s13 =	smov.u32 @p2 s3;
	p2 =	sne.s32 s10, s7  }
.Ltmp1:
0x1b: {  	p1 =	slt.u32 s10, $0x2;
	(pc) =	sbr.rel @!p2 .LBB1_6-.Ltmp1, $4  }
0x1c: {  	s12 =	simm.s32 @!p1 $0x2  }
0x1d: {  	s14 =	sadd.s32 $0x1, s10;
	_ =	swait.ge @!p1 [sflag:s12], $0x2000  }
0x1e: {  	s11 =	smov.u32 s9;
	p0 =	por !p0, !p0;
	[sflag:s12] =	ssyncset.done @!p1 $0x0  }
0x1f: {  	s10 =	smov.u32 s14;
	s9 =	smov.u32 s13;
	[sflag:s12] =	ssyncadd.s32 @!p1 $0xFFFFE000  }
.LBB1_1:
0x20: {  	p1 =	sge.u32 s10, s6  }
0x21: {  	s12 =	sand.u32 @!p1 $0x1FFFFFF, s9  }
0x22: {  	s13 =	smulhi.u32 @!p1 $0x1A36E2F, s12;
	_ =	sdelay $0x1  }
0x23: {  	s13 =	sshrl.u32 @!p1 s13, $0xB  }
0x24: {  	s13 =	smul.u32 @!p1 $0x4E200, s13;
	_ =	sdelay $0x1  }
0x25: {  	s31 =	sadd.s32 $0xFFFFFFFF, s10;
	s14 =	sxor.u32 @!p1 $0xFFFFFFFF, s10;
	s12 =	ssub.s32 @!p1 s12, s13  }
0x26: {  	s15 =	simm.s32 @!p1 $0x80;
	s14 =	sshll.u32 @!p1 s14, $0xD;
	s12 =	sshll.u32 @!p1 s12, $0x4  }
0x27: {  	s13 =	sand.u32 @!p1 $0x2000, s14;
	s14 =	simm.s32 @!p1 $0x40;
	s12 =	sadd.s32 @!p1 s4, s12  }
0x28: {  	[tilespmem:s13], [sflag:$0x1] =	stream.strided.gather @!p1 [hbm4b:s12+s14], $0x2000, s15, s14, $0x38;
	[tilespmem:$0x8080] =	vst v63  }
0x29: {  	p1 =	sge.u32 s31, s6  }
.Ltmp2:
0x2a: {  	_ = 	snop;
	(pc) =	sbr.rel @p1 .LBB1_5-.Ltmp2, $1  }
0x2b: {  	_ =	sdelay $0x3  }
0x2c: {  	s12 =	simm.s32 $0x1  }
0x2d: {  	_ =	swait.ge [sflag:s5], $0x2000;
	s12 =	simm.s32 @!p0 $0x0  }
0x2e: {  	[sflag:s5] =	ssyncset.done $0x0;
	s13 =	sshll.u32 s12, $0xD  }
0x2f: {  	[sflag:s5] =	ssyncadd.s32 $0xFFFFE000;
	s16 =	sor.u32 $0x20, s13  }
0x30: {  	s12 =	smul.u32 $0x8100, s12;
	v3 =	vld [tilespmem:s16+$0x10]  }
0x31: {  	s30 =	sand.u32 $0x1, s10;
	v2 =	vld [tilespmem:s16+$0xFFFFFFF0]  }
0x32: {  	s13 =	smul.u32 $0x8100, s30;
	s12 =	sshrl.u32 s12, $0x2;
	v0 =	vld [tilespmem:s16+$0x0]  }
0x33: {  	v1 =	vld [tilespmem:s16+$0xFFFFFFE0];
	s14 =	sor.u32 $0x4000, s12  }
0x34: {  	s31 =	sshrl.u32 s13, $0x2;
	s13 =	sadd.s32 $0x0, s14  }
0x35: {  	s15 =	simm.s32 $0x4;
	s16 =	sadd.s32 $0x40, s16;
	s12 =	sor.u32 $0x4000, s31;
	[tilespmem:s13+$0x1830 ss:$0x81] =	vst.msk $0xffff, v3  }
.LBB1_3:
0x36: {  	v3 =	vld [tilespmem:s16+$0x10];
	p1 =	sne.s32 s15, $0x1FC;
	[tilespmem:s13+$0x810 ss:$0x81] =	vst.msk $0xffff, v2;
	s17 =	smov.u32 s15;
	s15 =	sadd.s32 $0x4, s15  }
.Ltmp3:
0x37: {  	v2 =	vld [tilespmem:s16+$0xFFFFFFF0];
	[tilespmem:s13+$0x1020 ss:$0x81] =	vst.msk $0xffff, v0;
	(pc) =	sbr.rel @p1 .LBB1_3-.Ltmp3, $4  }
0x38: {  	v0 =	vld [tilespmem:s16+$0x0];
	[tilespmem:s13+$0x0 ss:$0x81] =	vst.msk $0xffff, v1  }
0x39: {  	s13 =	sshra.s32 s17, $0x2;
	v1 =	vld [tilespmem:s16+$0xFFFFFFE0]  }
0x3a: {  	s13 =	sadd.s32 s13, s14  }
0x3b: {  	s16 =	sadd.s32 $0x40, s16;
	[tilespmem:s13+$0x1830 ss:$0x81] =	vst.msk $0xffff, v3  }
.Ltmp4:
0x3c: {  	_ = 	snop;
	(pc) =	sbr.rel .LBB1_4-.Ltmp4, $1  }
0x3d: {  	_ =	sdelay $0x3  }
.LBB1_6:
0x3e: {  	_ =	sfence.sel $0x180000  }
0x3f: {  	s2 =	simm.s32 $0x1;
	[bflag:$0x0] =	sbarrier.arrive $0xFFFF  }
0x40: {  	s31 =	simm.s32 $0x2;
	[sflag:s2] =	ssyncpa.u1 $0x1  }
0x41: {  	[sflag:s31] =	ssyncpa.u1 $0x1  }
0x42: {  	p0 =	sne.s32 s0, $0x0;
	_ =	strace $0x9000004A  }
0x43: {  	s0 =	sadd.s32 @!p0 $0x100000, s1;
	[bflag:$0x2] =	sbarrier.arrive $0xFFFF  }
0x44: {  	[sflag:s0] =	ssyncadd.tile.s32 @!p0 $0x1;
	_ =	shalt  }
.Lfunc_end1:
_tile_overlayer_lowered:
.L_overlay_start_2:
0x45: {  	(tag) =	ssettag $0x2  }
0x46: {  	s0 =	rddreg [dreg:$0x0];
	s2 =	stileid.u32  }
0x47: {  	s1 =	rddreg [dreg:$0x1];
	p0 =	sne.s32 s2, $0x0  }
0x48: {  	s3 =	rddreg [dreg:$0x2];
	[bflag:$0x3] =	sbarrier.arrive $0xFFFF;
	s2 =	simm.s32 @!p0 $0x1C01  }
0x49: {  	[timem:s3], [sflag:s2] =	dma.local @!p0 [hbm:s0], s1  }
0x4a: {  	s0 =	simm.s32 @!p0 $0x1  }
0x4b: {  	_ =	swait.ge @!p0 [sflag:s0], s1  }
0x4c: {  	s1 =	ssub.s32 @!p0 $0x0, s1;
	[sflag:s0] =	ssyncset.done @!p0 $0x0  }
0x4d: {  	[sflag:s0] =	ssyncadd.s32 @!p0 s1  }
0x4e: {  	[bflag:$0x3] =	sbarrier.arrive $0xFFFF  }
0x4f: {  	_ =	shalt  }

</sc_bundles>
